<compile_context>
chip_gen: v7x
topology: tpu7x:2x2x1
jax: 0.10.2.dev20260603
libtpu: 0.0.44.dev20260713+nightly
codegen_flags: <defaults>
</compile_context>

<pallas_src>
import functools

import jax
import jax.numpy as jnp
from jax import lax
from jax.experimental import pallas as pl
from jax.experimental.pallas import tpu as pltpu
from jax.experimental.pallas import tpu_sc as plsc

_NUM_CORES = 2
_NUM_SUBCORES = 16
_NW = _NUM_CORES * _NUM_SUBCORES
_NBUF = 2
_BPC = 4


def _gather_sc(indices, table):
    nb, h = indices.shape
    d = table.shape[1]
    b_per_w = nb // _NW
    n_chunks = b_per_w // _BPC
    assert n_chunks % _NBUF == 0 and n_chunks >= 2 * _NBUF

    mesh = plsc.VectorSubcoreMesh(
        core_axis_name="c", subcore_axis_name="s",
        num_cores=_NUM_CORES, num_subcores=_NUM_SUBCORES,
    )

    @functools.partial(
        pl.kernel,
        mesh=mesh,
        compiler_params=pltpu.CompilerParams(use_tc_tiling_on_sc=False, needs_layout_passes=False),
        out_type=jax.ShapeDtypeStruct((nb, h, 2 * d), jnp.float32),
        scratch_types=[
            pltpu.VMEM((_NBUF, _BPC, h), jnp.int32),
            pltpu.VMEM((_NBUF, _BPC, h, d), jnp.float32),
            pltpu.SemaphoreType.DMA((_NBUF,)),
            pltpu.SemaphoreType.DMA((_NBUF,)),
        ],
    )
    def k(idx_hbm, table_hbm, out_hbm, idx_v, rows_v, gsem, osem):
        wid = lax.axis_index("s") * _NUM_CORES + lax.axis_index("c")
        base = wid * b_per_w

        def out_copies(bi, b, wait):
            for j in range(_BPC):
                cp = pltpu.make_async_copy(
                    rows_v.at[b, j],
                    out_hbm.at[bi + j, pl.ds(0, h), pl.ds(0, d)],
                    osem.at[b],
                )
                if wait:
                    cp.wait()
                else:
                    cp.start()

        def step(cc, b, wait_out):
            bi = base + cc * _BPC
            if wait_out:
                out_copies(bi, b, wait=True)
            pltpu.sync_copy(idx_hbm.at[pl.ds(bi, _BPC)], idx_v.at[b])
            for j in range(_BPC):
                pltpu.async_copy(
                    table_hbm.at[idx_v.at[b, j]], rows_v.at[b, j],
                    gsem.at[b],
                )
            for j in range(_BPC):
                pltpu.make_async_copy(
                    table_hbm.at[idx_v.at[b, j]], rows_v.at[b, j],
                    gsem.at[b],
                ).wait()
            out_copies(bi, b, wait=False)

        for b in range(_NBUF):
            step(jnp.int32(b), b, wait_out=False)

        def body(r, carry):
            c0 = _NBUF + r * _NBUF
            for b in range(_NBUF):
                step(c0 + b, b, wait_out=True)
            return carry

        lax.fori_loop(0, n_chunks // _NBUF - 1, body, 0)

        for b in range(_NBUF):
            bi = base + (n_chunks - _NBUF + b) * _BPC
            out_copies(bi, b, wait=True)

    return k(indices, table)


@jax.jit
def _embed(indices, table):
    wide = _gather_sc(indices.astype(jnp.int32), table)
    return wide[:, :, :table.shape[1]]


def kernel(indices, table):
    return _embed(indices, table)

# --- scband reference (transcript-rebuilt; emitter-appended) ---
"""Pipeline reference for scband-positional-embedding-72018011619868 (READ-ONLY COPY).

The authoritative reference and input builder live on the scoring server;
editing this copy changes nothing except your own understanding.
"""

import jax, jax.numpy as jnp
import numpy as np

NUM_EMBEDDINGS = 100000
EMBEDDING_DIM = 64
PADDING_IDX = 0
BATCH = 4096
HIST_LEN = 200


def setup_inputs(seed: int = 0) -> dict:
    key = jax.random.key(seed)
    k_idx, k_tbl = jax.random.split(key)
    indices = jax.random.randint(k_idx, (BATCH, HIST_LEN), 0, NUM_EMBEDDINGS)
    table = jax.random.normal(k_tbl, (NUM_EMBEDDINGS, EMBEDDING_DIM), dtype=jnp.float32)
    # nn.Embedding zeroes the padding row at init and keeps it zero (grads masked)
    table = table.at[PADDING_IDX].set(0.0)
    return {"indices": indices, "table": table}


def reference(indices, table):
    # nn.Embedding forward: pure row gather from the table
    return jnp.take(table, indices, axis=0)

if __name__ == "__main__":
    import jax
    _d = setup_inputs()
    print(jax.jit(kernel)(*tuple(_d.values())))

</pallas_src>

<mosaic_0001>
#map = affine_map<(d0, d1) -> (0, 0)>
#map1 = affine_map<(d0, d1) -> (0, 0, 0)>
module attributes {stable_mosaic.version = 14 : i64} {
  func.func @k(%arg0: i32, %arg1: i32, %arg2: memref<4096x200xi32, #tpu.memory_space<hbm>>, %arg3: memref<100000x64xf32, #tpu.memory_space<hbm>>, %arg4: memref<4096x200x128xf32, #tpu.memory_space<hbm>>, %arg5: memref<2x4x200xi32, #tpu.memory_space<vmem>>, %arg6: memref<2x4x200x64xf32, #tpu.memory_space<vmem>>, %arg7: memref<2x!tpu.dma_semaphore, #tpu.memory_space<semaphore_mem>>, %arg8: memref<2x!tpu.dma_semaphore, #tpu.memory_space<semaphore_mem>>) attributes {dimension_semantics = [#tpu.dimension_semantics<core_parallel>, #tpu.dimension_semantics<subcore_parallel>], iteration_bounds = array<i64: 2, 16>, scalar_prefetch = 0 : i64, scratch_operands = 4 : i64, tpu.core_type = #tpu.core_type<sc_vector_subcore>, window_params = [{transform_indices = #map}, {transform_indices = #map}, {transform_indices = #map1}]} {
    %mul3A = arith.constant 2 : i32
    %mul3A_0 = arith.muli %arg1, %mul3A : i32
    %add3A = arith.addi %mul3A_0, %arg0 : i32
    %mul3A_1 = arith.constant 128 : i32
    %mul3A_2 = arith.muli %add3A, %mul3A_1 : i32
    %mul3A_3 = arith.constant 0 : i32
    %mul3A_4 = arith.constant 4 : i32
    %mul3A_5 = arith.muli %mul3A_3, %mul3A_4 : i32
    %add3A_6 = arith.addi %mul3A_2, %mul3A_5 : i32
    %run_scoped3A = arith.constant 0 : i32
    "tpu.region"() ({
      %run_scoped3A_659 = tpu.sem_alloc : memref<!tpu.dma_semaphore, #tpu.memory_space<semaphore_mem>>
      %dma_start3A_660 = arith.constant 0 : i32
      %dma_start3A_661 = arith.constant 0 : i32
      %dma_start3A_662 = tpu.memref_slice %arg5[%run_scoped3A, %dma_start3A_660, %dma_start3A_661] : memref<2x4x200xi32, #tpu.memory_space<vmem>> -> memref<1x4x200xi32, #tpu.memory_space<vmem>>
      %dma_start3A_663 = tpu.memref_squeeze %dma_start3A_662 : memref<1x4x200xi32, #tpu.memory_space<vmem>> -> memref<4x200xi32, #tpu.memory_space<vmem>>
      %dma_start3A_664 = arith.constant 0 : i32
      %dma_start3A_665 = tpu.memref_slice %arg2[%add3A_6, %dma_start3A_664] : memref<4096x200xi32, #tpu.memory_space<hbm>> -> memref<4x200xi32, #tpu.memory_space<hbm>>
      %dma_start3A_666 = arith.constant 0 : i32
      %dma_start3A_667 = arith.constant 0 : i32
      %dma_start3A_668 = tpu.memref_slice %arg5[%run_scoped3A, %dma_start3A_666, %dma_start3A_667] : memref<2x4x200xi32, #tpu.memory_space<vmem>> -> memref<1x4x200xi32, #tpu.memory_space<vmem>>
      %dma_start3A_669 = tpu.memref_squeeze %dma_start3A_668 : memref<1x4x200xi32, #tpu.memory_space<vmem>> -> memref<4x200xi32, #tpu.memory_space<vmem>>
      %dma_start3A_670 = arith.constant 0 : i32
      %dma_start3A_671 = tpu.memref_slice %arg2[%add3A_6, %dma_start3A_670] : memref<4096x200xi32, #tpu.memory_space<hbm>> -> memref<4x200xi32, #tpu.memory_space<hbm>>
      tpu.enqueue_dma source(%dma_start3A_671 : memref<4x200xi32, #tpu.memory_space<hbm>>) target(%dma_start3A_669 : memref<4x200xi32, #tpu.memory_space<vmem>>) target_semaphore(%run_scoped3A_659 : memref<!tpu.dma_semaphore, #tpu.memory_space<semaphore_mem>>)
      %dma_wait3A_672 = arith.constant 0 : i32
      %dma_wait3A_673 = arith.constant 0 : i32
      %dma_wait3A_674 = tpu.memref_slice %arg5[%run_scoped3A, %dma_wait3A_672, %dma_wait3A_673] : memref<2x4x200xi32, #tpu.memory_space<vmem>> -> memref<1x4x200xi32, #tpu.memory_space<vmem>>
      %dma_wait3A_675 = tpu.memref_squeeze %dma_wait3A_674 : memref<1x4x200xi32, #tpu.memory_space<vmem>> -> memref<4x200xi32, #tpu.memory_space<vmem>>
      %dma_wait3A_676 = arith.constant 0 : i32
      %dma_wait3A_677 = tpu.memref_slice %arg2[%add3A_6, %dma_wait3A_676] : memref<4096x200xi32, #tpu.memory_space<hbm>> -> memref<4x200xi32, #tpu.memory_space<hbm>>
      %dma_wait3A_678 = arith.constant 0 : i32
      %dma_wait3A_679 = arith.constant 0 : i32
      %dma_wait3A_680 = tpu.memref_slice %arg5[%run_scoped3A, %dma_wait3A_678, %dma_wait3A_679] : memref<2x4x200xi32, #tpu.memory_space<vmem>> -> memref<1x4x200xi32, #tpu.memory_space<vmem>>
      %dma_wait3A_681 = tpu.memref_squeeze %dma_wait3A_680 : memref<1x4x200xi32, #tpu.memory_space<vmem>> -> memref<4x200xi32, #tpu.memory_space<vmem>>
      %dma_wait3A_682 = arith.constant 0 : i32
      %dma_wait3A_683 = tpu.memref_slice %arg2[%add3A_6, %dma_wait3A_682] : memref<4096x200xi32, #tpu.memory_space<hbm>> -> memref<4x200xi32, #tpu.memory_space<hbm>>
      tpu.wait_dma2 semaphore(%run_scoped3A_659 : memref<!tpu.dma_semaphore, #tpu.memory_space<semaphore_mem>>) src(%dma_wait3A_683 : memref<4x200xi32, #tpu.memory_space<hbm>>) dst(%dma_wait3A_681 : memref<4x200xi32, #tpu.memory_space<vmem>>)
      tpu.yield
    }) : () -> ()
    %dma_start3A = arith.constant 0 : i32
    %dma_start3A_7 = arith.constant 0 : i32
    %dma_start3A_8 = arith.constant 0 : i32
    %dma_start3A_9 = arith.constant 0 : i32
    %dma_start3A_10 = arith.constant 0 : i32
    %dma_start3A_11 = arith.constant 0 : i32
    %dma_start3A_12 = arith.constant 0 : i32
    %dma_start3A_13 = tpu.memref_slice %arg6[%dma_start3A_8, %dma_start3A_9, %dma_start3A_11, %dma_start3A_12] : memref<2x4x200x64xf32, #tpu.memory_space<vmem>> -> memref<1x1x200x64xf32, #tpu.memory_space<vmem>>
    %dma_start3A_14 = tpu.memref_squeeze %dma_start3A_13 : memref<1x1x200x64xf32, #tpu.memory_space<vmem>> -> memref<200x64xf32, #tpu.memory_space<vmem>>
    %dma_start3A_15 = arith.constant 0 : i32
    %dma_start3A_16 = tpu.memref_slice %arg5[%dma_start3A, %dma_start3A_7, %dma_start3A_15] : memref<2x4x200xi32, #tpu.memory_space<vmem>> -> memref<1x1x200xi32, #tpu.memory_space<vmem>>
    %dma_start3A_17 = tpu.memref_squeeze %dma_start3A_16 : memref<1x1x200xi32, #tpu.memory_space<vmem>> -> memref<200xi32, #tpu.memory_space<vmem>>
    %dma_start3A_18 = arith.constant 0 : i32
    %dma_start3A_19 = arith.constant 0 : i32
    %dma_start3A_20 = tpu.memref_slice %arg3[%dma_start3A_18, %dma_start3A_19] : memref<100000x64xf32, #tpu.memory_space<hbm>> -> memref<100000x64xf32, #tpu.memory_space<hbm>>
    %dma_start3A_21 = tpu.memref_slice %arg7[%dma_start3A_10] : memref<2x!tpu.dma_semaphore, #tpu.memory_space<semaphore_mem>> -> memref<1x!tpu.dma_semaphore, #tpu.memory_space<semaphore_mem>>
    %dma_start3A_22 = tpu.memref_squeeze %dma_start3A_21 : memref<1x!tpu.dma_semaphore, #tpu.memory_space<semaphore_mem>> -> memref<!tpu.dma_semaphore, #tpu.memory_space<semaphore_mem>>
    tpu.enqueue_indirect_dma source(%dma_start3A_20 : memref<100000x64xf32, #tpu.memory_space<hbm>>) target(%dma_start3A_14 : memref<200x64xf32, #tpu.memory_space<vmem>>) offsets(%dma_start3A_17 : memref<200xi32, #tpu.memory_space<vmem>>) semaphore(%dma_start3A_22 : memref<!tpu.dma_semaphore, #tpu.memory_space<semaphore_mem>>)
    %dma_start3A_23 = arith.constant 0 : i32
    %dma_start3A_24 = arith.constant 1 : i32
    %dma_start3A_25 = arith.constant 0 : i32
    %dma_start3A_26 = arith.constant 1 : i32
    %dma_start3A_27 = arith.constant 0 : i32
    %dma_start3A_28 = arith.constant 0 : i32
    %dma_start3A_29 = arith.constant 0 : i32
    %dma_start3A_30 = tpu.memref_slice %arg6[%dma_start3A_25, %dma_start3A_26, %dma_start3A_28, %dma_start3A_29] : memref<2x4x200x64xf32, #tpu.memory_space<vmem>> -> memref<1x1x200x64xf32, #tpu.memory_space<vmem>>
    %dma_start3A_31 = tpu.memref_squeeze %dma_start3A_30 : memref<1x1x200x64xf32, #tpu.memory_space<vmem>> -> memref<200x64xf32, #tpu.memory_space<vmem>>
    %dma_start3A_32 = arith.constant 0 : i32
    %dma_start3A_33 = tpu.memref_slice %arg5[%dma_start3A_23, %dma_start3A_24, %dma_start3A_32] : memref<2x4x200xi32, #tpu.memory_space<vmem>> -> memref<1x1x200xi32, #tpu.memory_space<vmem>>
    %dma_start3A_34 = tpu.memref_squeeze %dma_start3A_33 : memref<1x1x200xi32, #tpu.memory_space<vmem>> -> memref<200xi32, #tpu.memory_space<vmem>>
    %dma_start3A_35 = arith.constant 0 : i32
    %dma_start3A_36 = arith.constant 0 : i32
    %dma_start3A_37 = tpu.memref_slice %arg3[%dma_start3A_35, %dma_start3A_36] : memref<100000x64xf32, #tpu.memory_space<hbm>> -> memref<100000x64xf32, #tpu.memory_space<hbm>>
    %dma_start3A_38 = tpu.memref_slice %arg7[%dma_start3A_27] : memref<2x!tpu.dma_semaphore, #tpu.memory_space<semaphore_mem>> -> memref<1x!tpu.dma_semaphore, #tpu.memory_space<semaphore_mem>>
    %dma_start3A_39 = tpu.memref_squeeze %dma_start3A_38 : memref<1x!tpu.dma_semaphore, #tpu.memory_space<semaphore_mem>> -> memref<!tpu.dma_semaphore, #tpu.memory_space<semaphore_mem>>
    tpu.enqueue_indirect_dma source(%dma_start3A_37 : memref<100000x64xf32, #tpu.memory_space<hbm>>) target(%dma_start3A_31 : memref<200x64xf32, #tpu.memory_space<vmem>>) offsets(%dma_start3A_34 : memref<200xi32, #tpu.memory_space<vmem>>) semaphore(%dma_start3A_39 : memref<!tpu.dma_semaphore, #tpu.memory_space<semaphore_mem>>)
    %dma_start3A_40 = arith.constant 0 : i32
    %dma_start3A_41 = arith.constant 2 : i32
    %dma_start3A_42 = arith.constant 0 : i32
    %dma_start3A_43 = arith.constant 2 : i32
    %dma_start3A_44 = arith.constant 0 : i32
    %dma_start3A_45 = arith.constant 0 : i32
    %dma_start3A_46 = arith.constant 0 : i32
    %dma_start3A_47 = tpu.memref_slice %arg6[%dma_start3A_42, %dma_start3A_43, %dma_start3A_45, %dma_start3A_46] : memref<2x4x200x64xf32, #tpu.memory_space<vmem>> -> memref<1x1x200x64xf32, #tpu.memory_space<vmem>>
    %dma_start3A_48 = tpu.memref_squeeze %dma_start3A_47 : memref<1x1x200x64xf32, #tpu.memory_space<vmem>> -> memref<200x64xf32, #tpu.memory_space<vmem>>
    %dma_start3A_49 = arith.constant 0 : i32
    %dma_start3A_50 = tpu.memref_slice %arg5[%dma_start3A_40, %dma_start3A_41, %dma_start3A_49] : memref<2x4x200xi32, #tpu.memory_space<vmem>> -> memref<1x1x200xi32, #tpu.memory_space<vmem>>
    %dma_start3A_51 = tpu.memref_squeeze %dma_start3A_50 : memref<1x1x200xi32, #tpu.memory_space<vmem>> -> memref<200xi32, #tpu.memory_space<vmem>>
    %dma_start3A_52 = arith.constant 0 : i32
    %dma_start3A_53 = arith.constant 0 : i32
    %dma_start3A_54 = tpu.memref_slice %arg3[%dma_start3A_52, %dma_start3A_53] : memref<100000x64xf32, #tpu.memory_space<hbm>> -> memref<100000x64xf32, #tpu.memory_space<hbm>>
    %dma_start3A_55 = tpu.memref_slice %arg7[%dma_start3A_44] : memref<2x!tpu.dma_semaphore, #tpu.memory_space<semaphore_mem>> -> memref<1x!tpu.dma_semaphore, #tpu.memory_space<semaphore_mem>>
    %dma_start3A_56 = tpu.memref_squeeze %dma_start3A_55 : memref<1x!tpu.dma_semaphore, #tpu.memory_space<semaphore_mem>> -> memref<!tpu.dma_semaphore, #tpu.memory_space<semaphore_mem>>
    tpu.enqueue_indirect_dma source(%dma_start3A_54 : memref<100000x64xf32, #tpu.memory_space<hbm>>) target(%dma_start3A_48 : memref<200x64xf32, #tpu.memory_space<vmem>>) offsets(%dma_start3A_51 : memref<200xi32, #tpu.memory_space<vmem>>) semaphore(%dma_start3A_56 : memref<!tpu.dma_semaphore, #tpu.memory_space<semaphore_mem>>)
    %dma_start3A_57 = arith.constant 0 : i32
    %dma_start3A_58 = arith.constant 3 : i32
    %dma_start3A_59 = arith.constant 0 : i32
    %dma_start3A_60 = arith.constant 3 : i32
    %dma_start3A_61 = arith.constant 0 : i32
    %dma_start3A_62 = arith.constant 0 : i32
    %dma_start3A_63 = arith.constant 0 : i32
    %dma_start3A_64 = tpu.memref_slice %arg6[%dma_start3A_59, %dma_start3A_60, %dma_start3A_62, %dma_start3A_63] : memref<2x4x200x64xf32, #tpu.memory_space<vmem>> -> memref<1x1x200x64xf32, #tpu.memory_space<vmem>>
    %dma_start3A_65 = tpu.memref_squeeze %dma_start3A_64 : memref<1x1x200x64xf32, #tpu.memory_space<vmem>> -> memref<200x64xf32, #tpu.memory_space<vmem>>
    %dma_start3A_66 = arith.constant 0 : i32
    %dma_start3A_67 = tpu.memref_slice %arg5[%dma_start3A_57, %dma_start3A_58, %dma_start3A_66] : memref<2x4x200xi32, #tpu.memory_space<vmem>> -> memref<1x1x200xi32, #tpu.memory_space<vmem>>
    %dma_start3A_68 = tpu.memref_squeeze %dma_start3A_67 : memref<1x1x200xi32, #tpu.memory_space<vmem>> -> memref<200xi32, #tpu.memory_space<vmem>>
    %dma_start3A_69 = arith.constant 0 : i32
    %dma_start3A_70 = arith.constant 0 : i32
    %dma_start3A_71 = tpu.memref_slice %arg3[%dma_start3A_69, %dma_start3A_70] : memref<100000x64xf32, #tpu.memory_space<hbm>> -> memref<100000x64xf32, #tpu.memory_space<hbm>>
    %dma_start3A_72 = tpu.memref_slice %arg7[%dma_start3A_61] : memref<2x!tpu.dma_semaphore, #tpu.memory_space<semaphore_mem>> -> memref<1x!tpu.dma_semaphore, #tpu.memory_space<semaphore_mem>>
    %dma_start3A_73 = tpu.memref_squeeze %dma_start3A_72 : memref<1x!tpu.dma_semaphore, #tpu.memory_space<semaphore_mem>> -> memref<!tpu.dma_semaphore, #tpu.memory_space<semaphore_mem>>
    tpu.enqueue_indirect_dma source(%dma_start3A_71 : memref<100000x64xf32, #tpu.memory_space<hbm>>) target(%dma_start3A_65 : memref<200x64xf32, #tpu.memory_space<vmem>>) offsets(%dma_start3A_68 : memref<200xi32, #tpu.memory_space<vmem>>) semaphore(%dma_start3A_73 : memref<!tpu.dma_semaphore, #tpu.memory_space<semaphore_mem>>)
    %dma_wait3A = arith.constant 0 : i32
    %dma_wait3A_74 = arith.constant 0 : i32
    %dma_wait3A_75 = arith.constant 0 : i32
    %dma_wait3A_76 = arith.constant 0 : i32
    %dma_wait3A_77 = arith.constant 0 : i32
    %dma_wait3A_78 = arith.constant 0 : i32
    %dma_wait3A_79 = arith.constant 0 : i32
    %dma_wait3A_80 = tpu.memref_slice %arg6[%dma_wait3A_75, %dma_wait3A_76, %dma_wait3A_78, %dma_wait3A_79] : memref<2x4x200x64xf32, #tpu.memory_space<vmem>> -> memref<1x1x200x64xf32, #tpu.memory_space<vmem>>
    %dma_wait3A_81 = tpu.memref_squeeze %dma_wait3A_80 : memref<1x1x200x64xf32, #tpu.memory_space<vmem>> -> memref<200x64xf32, #tpu.memory_space<vmem>>
    %dma_wait3A_82 = arith.constant 0 : i32
    %dma_wait3A_83 = tpu.memref_slice %arg5[%dma_wait3A, %dma_wait3A_74, %dma_wait3A_82] : memref<2x4x200xi32, #tpu.memory_space<vmem>> -> memref<1x1x200xi32, #tpu.memory_space<vmem>>
    %dma_wait3A_84 = tpu.memref_squeeze %dma_wait3A_83 : memref<1x1x200xi32, #tpu.memory_space<vmem>> -> memref<200xi32, #tpu.memory_space<vmem>>
    %dma_wait3A_85 = arith.constant 0 : i32
    %dma_wait3A_86 = arith.constant 0 : i32
    %dma_wait3A_87 = tpu.memref_slice %arg3[%dma_wait3A_85, %dma_wait3A_86] : memref<100000x64xf32, #tpu.memory_space<hbm>> -> memref<100000x64xf32, #tpu.memory_space<hbm>>
    %dma_wait3A_88 = tpu.memref_slice %arg7[%dma_wait3A_77] : memref<2x!tpu.dma_semaphore, #tpu.memory_space<semaphore_mem>> -> memref<1x!tpu.dma_semaphore, #tpu.memory_space<semaphore_mem>>
    %dma_wait3A_89 = tpu.memref_squeeze %dma_wait3A_88 : memref<1x!tpu.dma_semaphore, #tpu.memory_space<semaphore_mem>> -> memref<!tpu.dma_semaphore, #tpu.memory_space<semaphore_mem>>
    tpu.wait_indirect_dma semaphore(%dma_wait3A_89 : memref<!tpu.dma_semaphore, #tpu.memory_space<semaphore_mem>>) src(%dma_wait3A_87 : memref<100000x64xf32, #tpu.memory_space<hbm>>) dst(%dma_wait3A_81 : memref<200x64xf32, #tpu.memory_space<vmem>>)
    %dma_wait3A_90 = arith.constant 0 : i32
    %dma_wait3A_91 = arith.constant 1 : i32
    %dma_wait3A_92 = arith.constant 0 : i32
    %dma_wait3A_93 = arith.constant 1 : i32
    %dma_wait3A_94 = arith.constant 0 : i32
    %dma_wait3A_95 = arith.constant 0 : i32
    %dma_wait3A_96 = arith.constant 0 : i32
    %dma_wait3A_97 = tpu.memref_slice %arg6[%dma_wait3A_92, %dma_wait3A_93, %dma_wait3A_95, %dma_wait3A_96] : memref<2x4x200x64xf32, #tpu.memory_space<vmem>> -> memref<1x1x200x64xf32, #tpu.memory_space<vmem>>
    %dma_wait3A_98 = tpu.memref_squeeze %dma_wait3A_97 : memref<1x1x200x64xf32, #tpu.memory_space<vmem>> -> memref<200x64xf32, #tpu.memory_space<vmem>>
    %dma_wait3A_99 = arith.constant 0 : i32
    %dma_wait3A_100 = tpu.memref_slice %arg5[%dma_wait3A_90, %dma_wait3A_91, %dma_wait3A_99] : memref<2x4x200xi32, #tpu.memory_space<vmem>> -> memref<1x1x200xi32, #tpu.memory_space<vmem>>
    %dma_wait3A_101 = tpu.memref_squeeze %dma_wait3A_100 : memref<1x1x200xi32, #tpu.memory_space<vmem>> -> memref<200xi32, #tpu.memory_space<vmem>>
    %dma_wait3A_102 = arith.constant 0 : i32
    %dma_wait3A_103 = arith.constant 0 : i32
    %dma_wait3A_104 = tpu.memref_slice %arg3[%dma_wait3A_102, %dma_wait3A_103] : memref<100000x64xf32, #tpu.memory_space<hbm>> -> memref<100000x64xf32, #tpu.memory_space<hbm>>
    %dma_wait3A_105 = tpu.memref_slice %arg7[%dma_wait3A_94] : memref<2x!tpu.dma_semaphore, #tpu.memory_space<semaphore_mem>> -> memref<1x!tpu.dma_semaphore, #tpu.memory_space<semaphore_mem>>
    %dma_wait3A_106 = tpu.memref_squeeze %dma_wait3A_105 : memref<1x!tpu.dma_semaphore, #tpu.memory_space<semaphore_mem>> -> memref<!tpu.dma_semaphore, #tpu.memory_space<semaphore_mem>>
    tpu.wait_indirect_dma semaphore(%dma_wait3A_106 : memref<!tpu.dma_semaphore, #tpu.memory_space<semaphore_mem>>) src(%dma_wait3A_104 : memref<100000x64xf32, #tpu.memory_space<hbm>>) dst(%dma_wait3A_98 : memref<200x64xf32, #tpu.memory_space<vmem>>)
    %dma_wait3A_107 = arith.constant 0 : i32
    %dma_wait3A_108 = arith.constant 2 : i32
    %dma_wait3A_109 = arith.constant 0 : i32
    %dma_wait3A_110 = arith.constant 2 : i32
    %dma_wait3A_111 = arith.constant 0 : i32
    %dma_wait3A_112 = arith.constant 0 : i32
    %dma_wait3A_113 = arith.constant 0 : i32
    %dma_wait3A_114 = tpu.memref_slice %arg6[%dma_wait3A_109, %dma_wait3A_110, %dma_wait3A_112, %dma_wait3A_113] : memref<2x4x200x64xf32, #tpu.memory_space<vmem>> -> memref<1x1x200x64xf32, #tpu.memory_space<vmem>>
    %dma_wait3A_115 = tpu.memref_squeeze %dma_wait3A_114 : memref<1x1x200x64xf32, #tpu.memory_space<vmem>> -> memref<200x64xf32, #tpu.memory_space<vmem>>
    %dma_wait3A_116 = arith.constant 0 : i32
    %dma_wait3A_117 = tpu.memref_slice %arg5[%dma_wait3A_107, %dma_wait3A_108, %dma_wait3A_116] : memref<2x4x200xi32, #tpu.memory_space<vmem>> -> memref<1x1x200xi32, #tpu.memory_space<vmem>>
    %dma_wait3A_118 = tpu.memref_squeeze %dma_wait3A_117 : memref<1x1x200xi32, #tpu.memory_space<vmem>> -> memref<200xi32, #tpu.memory_space<vmem>>
    %dma_wait3A_119 = arith.constant 0 : i32
    %dma_wait3A_120 = arith.constant 0 : i32
    %dma_wait3A_121 = tpu.memref_slice %arg3[%dma_wait3A_119, %dma_wait3A_120] : memref<100000x64xf32, #tpu.memory_space<hbm>> -> memref<100000x64xf32, #tpu.memory_space<hbm>>
    %dma_wait3A_122 = tpu.memref_slice %arg7[%dma_wait3A_111] : memref<2x!tpu.dma_semaphore, #tpu.memory_space<semaphore_mem>> -> memref<1x!tpu.dma_semaphore, #tpu.memory_space<semaphore_mem>>
    %dma_wait3A_123 = tpu.memref_squeeze %dma_wait3A_122 : memref<1x!tpu.dma_semaphore, #tpu.memory_space<semaphore_mem>> -> memref<!tpu.dma_semaphore, #tpu.memory_space<semaphore_mem>>
    tpu.wait_indirect_dma semaphore(%dma_wait3A_123 : memref<!tpu.dma_semaphore, #tpu.memory_space<semaphore_mem>>) src(%dma_wait3A_121 : memref<100000x64xf32, #tpu.memory_space<hbm>>) dst(%dma_wait3A_115 : memref<200x64xf32, #tpu.memory_space<vmem>>)
    %dma_wait3A_124 = arith.constant 0 : i32
    %dma_wait3A_125 = arith.constant 3 : i32
    %dma_wait3A_126 = arith.constant 0 : i32
    %dma_wait3A_127 = arith.constant 3 : i32
    %dma_wait3A_128 = arith.constant 0 : i32
    %dma_wait3A_129 = arith.constant 0 : i32
    %dma_wait3A_130 = arith.constant 0 : i32
    %dma_wait3A_131 = tpu.memref_slice %arg6[%dma_wait3A_126, %dma_wait3A_127, %dma_wait3A_129, %dma_wait3A_130] : memref<2x4x200x64xf32, #tpu.memory_space<vmem>> -> memref<1x1x200x64xf32, #tpu.memory_space<vmem>>
    %dma_wait3A_132 = tpu.memref_squeeze %dma_wait3A_131 : memref<1x1x200x64xf32, #tpu.memory_space<vmem>> -> memref<200x64xf32, #tpu.memory_space<vmem>>
    %dma_wait3A_133 = arith.constant 0 : i32
    %dma_wait3A_134 = tpu.memref_slice %arg5[%dma_wait3A_124, %dma_wait3A_125, %dma_wait3A_133] : memref<2x4x200xi32, #tpu.memory_space<vmem>> -> memref<1x1x200xi32, #tpu.memory_space<vmem>>
    %dma_wait3A_135 = tpu.memref_squeeze %dma_wait3A_134 : memref<1x1x200xi32, #tpu.memory_space<vmem>> -> memref<200xi32, #tpu.memory_space<vmem>>
    %dma_wait3A_136 = arith.constant 0 : i32
    %dma_wait3A_137 = arith.constant 0 : i32
    %dma_wait3A_138 = tpu.memref_slice %arg3[%dma_wait3A_136, %dma_wait3A_137] : memref<100000x64xf32, #tpu.memory_space<hbm>> -> memref<100000x64xf32, #tpu.memory_space<hbm>>
    %dma_wait3A_139 = tpu.memref_slice %arg7[%dma_wait3A_128] : memref<2x!tpu.dma_semaphore, #tpu.memory_space<semaphore_mem>> -> memref<1x!tpu.dma_semaphore, #tpu.memory_space<semaphore_mem>>
    %dma_wait3A_140 = tpu.memref_squeeze %dma_wait3A_139 : memref<1x!tpu.dma_semaphore, #tpu.memory_space<semaphore_mem>> -> memref<!tpu.dma_semaphore, #tpu.memory_space<semaphore_mem>>
    tpu.wait_indirect_dma semaphore(%dma_wait3A_140 : memref<!tpu.dma_semaphore, #tpu.memory_space<semaphore_mem>>) src(%dma_wait3A_138 : memref<100000x64xf32, #tpu.memory_space<hbm>>) dst(%dma_wait3A_132 : memref<200x64xf32, #tpu.memory_space<vmem>>)
    %add3A_141 = arith.constant 0 : i32
    %add3A_142 = arith.addi %add3A_6, %add3A_141 : i32
    %dma_start3A_143 = arith.constant 0 : i32
    %dma_start3A_144 = arith.constant 0 : i32
    %dma_start3A_145 = arith.constant 0 : i32
    %dma_start3A_146 = arith.constant 0 : i32
    %dma_start3A_147 = arith.constant 0 : i32
    %dma_start3A_148 = tpu.memref_slice %arg6[%dma_start3A_143, %dma_start3A_144, %dma_start3A_146, %dma_start3A_147] : memref<2x4x200x64xf32, #tpu.memory_space<vmem>> -> memref<1x1x200x64xf32, #tpu.memory_space<vmem>>
    %dma_start3A_149 = tpu.memref_squeeze %dma_start3A_148 : memref<1x1x200x64xf32, #tpu.memory_space<vmem>> -> memref<200x64xf32, #tpu.memory_space<vmem>>
    %dma_start3A_150 = arith.constant 0 : i32
    %dma_start3A_151 = arith.constant 0 : i32
    %dma_start3A_152 = tpu.memref_slice %arg4[%add3A_142, %dma_start3A_150, %dma_start3A_151] : memref<4096x200x128xf32, #tpu.memory_space<hbm>> -> memref<1x200x64xf32, #tpu.memory_space<hbm>>
    %dma_start3A_153 = tpu.memref_squeeze %dma_start3A_152 : memref<1x200x64xf32, #tpu.memory_space<hbm>> -> memref<200x64xf32, #tpu.memory_space<hbm>>
    %dma_start3A_154 = tpu.memref_slice %arg8[%dma_start3A_145] : memref<2x!tpu.dma_semaphore, #tpu.memory_space<semaphore_mem>> -> memref<1x!tpu.dma_semaphore, #tpu.memory_space<semaphore_mem>>
    %dma_start3A_155 = tpu.memref_squeeze %dma_start3A_154 : memref<1x!tpu.dma_semaphore, #tpu.memory_space<semaphore_mem>> -> memref<!tpu.dma_semaphore, #tpu.memory_space<semaphore_mem>>
    %dma_start3A_156 = arith.constant 0 : i32
    %dma_start3A_157 = arith.constant 0 : i32
    %dma_start3A_158 = tpu.memref_slice %arg4[%add3A_142, %dma_start3A_156, %dma_start3A_157] : memref<4096x200x128xf32, #tpu.memory_space<hbm>> -> memref<1x200x64xf32, #tpu.memory_space<hbm>>
    %dma_start3A_159 = tpu.memref_squeeze %dma_start3A_158 : memref<1x200x64xf32, #tpu.memory_space<hbm>> -> memref<200x64xf32, #tpu.memory_space<hbm>>
    %dma_start3A_160 = arith.constant 0 : i32
    %dma_start3A_161 = arith.constant 0 : i32
    %dma_start3A_162 = tpu.memref_slice %arg6[%dma_start3A_143, %dma_start3A_144, %dma_start3A_160, %dma_start3A_161] : memref<2x4x200x64xf32, #tpu.memory_space<vmem>> -> memref<1x1x200x64xf32, #tpu.memory_space<vmem>>
    %dma_start3A_163 = tpu.memref_squeeze %dma_start3A_162 : memref<1x1x200x64xf32, #tpu.memory_space<vmem>> -> memref<200x64xf32, #tpu.memory_space<vmem>>
    tpu.enqueue_dma source(%dma_start3A_163 : memref<200x64xf32, #tpu.memory_space<vmem>>) target(%dma_start3A_159 : memref<200x64xf32, #tpu.memory_space<hbm>>) target_semaphore(%dma_start3A_155 : memref<!tpu.dma_semaphore, #tpu.memory_space<semaphore_mem>>)
    %add3A_164 = arith.constant 1 : i32
    %add3A_165 = arith.addi %add3A_6, %add3A_164 : i32
    %dma_start3A_166 = arith.constant 0 : i32
    %dma_start3A_167 = arith.constant 1 : i32
    %dma_start3A_168 = arith.constant 0 : i32
    %dma_start3A_169 = arith.constant 0 : i32
    %dma_start3A_170 = arith.constant 0 : i32
    %dma_start3A_171 = tpu.memref_slice %arg6[%dma_start3A_166, %dma_start3A_167, %dma_start3A_169, %dma_start3A_170] : memref<2x4x200x64xf32, #tpu.memory_space<vmem>> -> memref<1x1x200x64xf32, #tpu.memory_space<vmem>>
    %dma_start3A_172 = tpu.memref_squeeze %dma_start3A_171 : memref<1x1x200x64xf32, #tpu.memory_space<vmem>> -> memref<200x64xf32, #tpu.memory_space<vmem>>
    %dma_start3A_173 = arith.constant 0 : i32
    %dma_start3A_174 = arith.constant 0 : i32
    %dma_start3A_175 = tpu.memref_slice %arg4[%add3A_165, %dma_start3A_173, %dma_start3A_174] : memref<4096x200x128xf32, #tpu.memory_space<hbm>> -> memref<1x200x64xf32, #tpu.memory_space<hbm>>
    %dma_start3A_176 = tpu.memref_squeeze %dma_start3A_175 : memref<1x200x64xf32, #tpu.memory_space<hbm>> -> memref<200x64xf32, #tpu.memory_space<hbm>>
    %dma_start3A_177 = tpu.memref_slice %arg8[%dma_start3A_168] : memref<2x!tpu.dma_semaphore, #tpu.memory_space<semaphore_mem>> -> memref<1x!tpu.dma_semaphore, #tpu.memory_space<semaphore_mem>>
    %dma_start3A_178 = tpu.memref_squeeze %dma_start3A_177 : memref<1x!tpu.dma_semaphore, #tpu.memory_space<semaphore_mem>> -> memref<!tpu.dma_semaphore, #tpu.memory_space<semaphore_mem>>
    %dma_start3A_179 = arith.constant 0 : i32
    %dma_start3A_180 = arith.constant 0 : i32
    %dma_start3A_181 = tpu.memref_slice %arg4[%add3A_165, %dma_start3A_179, %dma_start3A_180] : memref<4096x200x128xf32, #tpu.memory_space<hbm>> -> memref<1x200x64xf32, #tpu.memory_space<hbm>>
    %dma_start3A_182 = tpu.memref_squeeze %dma_start3A_181 : memref<1x200x64xf32, #tpu.memory_space<hbm>> -> memref<200x64xf32, #tpu.memory_space<hbm>>
    %dma_start3A_183 = arith.constant 0 : i32
    %dma_start3A_184 = arith.constant 0 : i32
    %dma_start3A_185 = tpu.memref_slice %arg6[%dma_start3A_166, %dma_start3A_167, %dma_start3A_183, %dma_start3A_184] : memref<2x4x200x64xf32, #tpu.memory_space<vmem>> -> memref<1x1x200x64xf32, #tpu.memory_space<vmem>>
    %dma_start3A_186 = tpu.memref_squeeze %dma_start3A_185 : memref<1x1x200x64xf32, #tpu.memory_space<vmem>> -> memref<200x64xf32, #tpu.memory_space<vmem>>
    tpu.enqueue_dma source(%dma_start3A_186 : memref<200x64xf32, #tpu.memory_space<vmem>>) target(%dma_start3A_182 : memref<200x64xf32, #tpu.memory_space<hbm>>) target_semaphore(%dma_start3A_178 : memref<!tpu.dma_semaphore, #tpu.memory_space<semaphore_mem>>)
    %add3A_187 = arith.constant 2 : i32
    %add3A_188 = arith.addi %add3A_6, %add3A_187 : i32
    %dma_start3A_189 = arith.constant 0 : i32
    %dma_start3A_190 = arith.constant 2 : i32
    %dma_start3A_191 = arith.constant 0 : i32
    %dma_start3A_192 = arith.constant 0 : i32
    %dma_start3A_193 = arith.constant 0 : i32
    %dma_start3A_194 = tpu.memref_slice %arg6[%dma_start3A_189, %dma_start3A_190, %dma_start3A_192, %dma_start3A_193] : memref<2x4x200x64xf32, #tpu.memory_space<vmem>> -> memref<1x1x200x64xf32, #tpu.memory_space<vmem>>
    %dma_start3A_195 = tpu.memref_squeeze %dma_start3A_194 : memref<1x1x200x64xf32, #tpu.memory_space<vmem>> -> memref<200x64xf32, #tpu.memory_space<vmem>>
    %dma_start3A_196 = arith.constant 0 : i32
    %dma_start3A_197 = arith.constant 0 : i32
    %dma_start3A_198 = tpu.memref_slice %arg4[%add3A_188, %dma_start3A_196, %dma_start3A_197] : memref<4096x200x128xf32, #tpu.memory_space<hbm>> -> memref<1x200x64xf32, #tpu.memory_space<hbm>>
    %dma_start3A_199 = tpu.memref_squeeze %dma_start3A_198 : memref<1x200x64xf32, #tpu.memory_space<hbm>> -> memref<200x64xf32, #tpu.memory_space<hbm>>
    %dma_start3A_200 = tpu.memref_slice %arg8[%dma_start3A_191] : memref<2x!tpu.dma_semaphore, #tpu.memory_space<semaphore_mem>> -> memref<1x!tpu.dma_semaphore, #tpu.memory_space<semaphore_mem>>
    %dma_start3A_201 = tpu.memref_squeeze %dma_start3A_200 : memref<1x!tpu.dma_semaphore, #tpu.memory_space<semaphore_mem>> -> memref<!tpu.dma_semaphore, #tpu.memory_space<semaphore_mem>>
    %dma_start3A_202 = arith.constant 0 : i32
    %dma_start3A_203 = arith.constant 0 : i32
    %dma_start3A_204 = tpu.memref_slice %arg4[%add3A_188, %dma_start3A_202, %dma_start3A_203] : memref<4096x200x128xf32, #tpu.memory_space<hbm>> -> memref<1x200x64xf32, #tpu.memory_space<hbm>>
    %dma_start3A_205 = tpu.memref_squeeze %dma_start3A_204 : memref<1x200x64xf32, #tpu.memory_space<hbm>> -> memref<200x64xf32, #tpu.memory_space<hbm>>
    %dma_start3A_206 = arith.constant 0 : i32
    %dma_start3A_207 = arith.constant 0 : i32
    %dma_start3A_208 = tpu.memref_slice %arg6[%dma_start3A_189, %dma_start3A_190, %dma_start3A_206, %dma_start3A_207] : memref<2x4x200x64xf32, #tpu.memory_space<vmem>> -> memref<1x1x200x64xf32, #tpu.memory_space<vmem>>
    %dma_start3A_209 = tpu.memref_squeeze %dma_start3A_208 : memref<1x1x200x64xf32, #tpu.memory_space<vmem>> -> memref<200x64xf32, #tpu.memory_space<vmem>>
    tpu.enqueue_dma source(%dma_start3A_209 : memref<200x64xf32, #tpu.memory_space<vmem>>) target(%dma_start3A_205 : memref<200x64xf32, #tpu.memory_space<hbm>>) target_semaphore(%dma_start3A_201 : memref<!tpu.dma_semaphore, #tpu.memory_space<semaphore_mem>>)
    %add3A_210 = arith.constant 3 : i32
    %add3A_211 = arith.addi %add3A_6, %add3A_210 : i32
    %dma_start3A_212 = arith.constant 0 : i32
    %dma_start3A_213 = arith.constant 3 : i32
    %dma_start3A_214 = arith.constant 0 : i32
    %dma_start3A_215 = arith.constant 0 : i32
    %dma_start3A_216 = arith.constant 0 : i32
    %dma_start3A_217 = tpu.memref_slice %arg6[%dma_start3A_212, %dma_start3A_213, %dma_start3A_215, %dma_start3A_216] : memref<2x4x200x64xf32, #tpu.memory_space<vmem>> -> memref<1x1x200x64xf32, #tpu.memory_space<vmem>>
    %dma_start3A_218 = tpu.memref_squeeze %dma_start3A_217 : memref<1x1x200x64xf32, #tpu.memory_space<vmem>> -> memref<200x64xf32, #tpu.memory_space<vmem>>
    %dma_start3A_219 = arith.constant 0 : i32
    %dma_start3A_220 = arith.constant 0 : i32
    %dma_start3A_221 = tpu.memref_slice %arg4[%add3A_211, %dma_start3A_219, %dma_start3A_220] : memref<4096x200x128xf32, #tpu.memory_space<hbm>> -> memref<1x200x64xf32, #tpu.memory_space<hbm>>
    %dma_start3A_222 = tpu.memref_squeeze %dma_start3A_221 : memref<1x200x64xf32, #tpu.memory_space<hbm>> -> memref<200x64xf32, #tpu.memory_space<hbm>>
    %dma_start3A_223 = tpu.memref_slice %arg8[%dma_start3A_214] : memref<2x!tpu.dma_semaphore, #tpu.memory_space<semaphore_mem>> -> memref<1x!tpu.dma_semaphore, #tpu.memory_space<semaphore_mem>>
    %dma_start3A_224 = tpu.memref_squeeze %dma_start3A_223 : memref<1x!tpu.dma_semaphore, #tpu.memory_space<semaphore_mem>> -> memref<!tpu.dma_semaphore, #tpu.memory_space<semaphore_mem>>
    %dma_start3A_225 = arith.constant 0 : i32
    %dma_start3A_226 = arith.constant 0 : i32
    %dma_start3A_227 = tpu.memref_slice %arg4[%add3A_211, %dma_start3A_225, %dma_start3A_226] : memref<4096x200x128xf32, #tpu.memory_space<hbm>> -> memref<1x200x64xf32, #tpu.memory_space<hbm>>
    %dma_start3A_228 = tpu.memref_squeeze %dma_start3A_227 : memref<1x200x64xf32, #tpu.memory_space<hbm>> -> memref<200x64xf32, #tpu.memory_space<hbm>>
    %dma_start3A_229 = arith.constant 0 : i32
    %dma_start3A_230 = arith.constant 0 : i32
    %dma_start3A_231 = tpu.memref_slice %arg6[%dma_start3A_212, %dma_start3A_213, %dma_start3A_229, %dma_start3A_230] : memref<2x4x200x64xf32, #tpu.memory_space<vmem>> -> memref<1x1x200x64xf32, #tpu.memory_space<vmem>>
    %dma_start3A_232 = tpu.memref_squeeze %dma_start3A_231 : memref<1x1x200x64xf32, #tpu.memory_space<vmem>> -> memref<200x64xf32, #tpu.memory_space<vmem>>
    tpu.enqueue_dma source(%dma_start3A_232 : memref<200x64xf32, #tpu.memory_space<vmem>>) target(%dma_start3A_228 : memref<200x64xf32, #tpu.memory_space<hbm>>) target_semaphore(%dma_start3A_224 : memref<!tpu.dma_semaphore, #tpu.memory_space<semaphore_mem>>)
    %mul3A_233 = arith.constant 1 : i32
    %mul3A_234 = arith.constant 4 : i32
    %mul3A_235 = arith.muli %mul3A_233, %mul3A_234 : i32
    %add3A_236 = arith.addi %mul3A_2, %mul3A_235 : i32
    %run_scoped3A_237 = arith.constant 1 : i32
    "tpu.region"() ({
      %run_scoped3A_659 = tpu.sem_alloc : memref<!tpu.dma_semaphore, #tpu.memory_space<semaphore_mem>>
      %dma_start3A_660 = arith.constant 0 : i32
      %dma_start3A_661 = arith.constant 0 : i32
      %dma_start3A_662 = tpu.memref_slice %arg5[%run_scoped3A_237, %dma_start3A_660, %dma_start3A_661] : memref<2x4x200xi32, #tpu.memory_space<vmem>> -> memref<1x4x200xi32, #tpu.memory_space<vmem>>
      %dma_start3A_663 = tpu.memref_squeeze %dma_start3A_662 : memref<1x4x200xi32, #tpu.memory_space<vmem>> -> memref<4x200xi32, #tpu.memory_space<vmem>>
      %dma_start3A_664 = arith.constant 0 : i32
      %dma_start3A_665 = tpu.memref_slice %arg2[%add3A_236, %dma_start3A_664] : memref<4096x200xi32, #tpu.memory_space<hbm>> -> memref<4x200xi32, #tpu.memory_space<hbm>>
      %dma_start3A_666 = arith.constant 0 : i32
      %dma_start3A_667 = arith.constant 0 : i32
      %dma_start3A_668 = tpu.memref_slice %arg5[%run_scoped3A_237, %dma_start3A_666, %dma_start3A_667] : memref<2x4x200xi32, #tpu.memory_space<vmem>> -> memref<1x4x200xi32, #tpu.memory_space<vmem>>
      %dma_start3A_669 = tpu.memref_squeeze %dma_start3A_668 : memref<1x4x200xi32, #tpu.memory_space<vmem>> -> memref<4x200xi32, #tpu.memory_space<vmem>>
      %dma_start3A_670 = arith.constant 0 : i32
      %dma_start3A_671 = tpu.memref_slice %arg2[%add3A_236, %dma_start3A_670] : memref<4096x200xi32, #tpu.memory_space<hbm>> -> memref<4x200xi32, #tpu.memory_space<hbm>>
      tpu.enqueue_dma source(%dma_start3A_671 : memref<4x200xi32, #tpu.memory_space<hbm>>) target(%dma_start3A_669 : memref<4x200xi32, #tpu.memory_space<vmem>>) target_semaphore(%run_scoped3A_659 : memref<!tpu.dma_semaphore, #tpu.memory_space<semaphore_mem>>)
      %dma_wait3A_672 = arith.constant 0 : i32
      %dma_wait3A_673 = arith.constant 0 : i32
      %dma_wait3A_674 = tpu.memref_slice %arg5[%run_scoped3A_237, %dma_wait3A_672, %dma_wait3A_673] : memref<2x4x200xi32, #tpu.memory_space<vmem>> -> memref<1x4x200xi32, #tpu.memory_space<vmem>>
      %dma_wait3A_675 = tpu.memref_squeeze %dma_wait3A_674 : memref<1x4x200xi32, #tpu.memory_space<vmem>> -> memref<4x200xi32, #tpu.memory_space<vmem>>
      %dma_wait3A_676 = arith.constant 0 : i32
      %dma_wait3A_677 = tpu.memref_slice %arg2[%add3A_236, %dma_wait3A_676] : memref<4096x200xi32, #tpu.memory_space<hbm>> -> memref<4x200xi32, #tpu.memory_space<hbm>>
      %dma_wait3A_678 = arith.constant 0 : i32
      %dma_wait3A_679 = arith.constant 0 : i32
      %dma_wait3A_680 = tpu.memref_slice %arg5[%run_scoped3A_237, %dma_wait3A_678, %dma_wait3A_679] : memref<2x4x200xi32, #tpu.memory_space<vmem>> -> memref<1x4x200xi32, #tpu.memory_space<vmem>>
      %dma_wait3A_681 = tpu.memref_squeeze %dma_wait3A_680 : memref<1x4x200xi32, #tpu.memory_space<vmem>> -> memref<4x200xi32, #tpu.memory_space<vmem>>
      %dma_wait3A_682 = arith.constant 0 : i32
      %dma_wait3A_683 = tpu.memref_slice %arg2[%add3A_236, %dma_wait3A_682] : memref<4096x200xi32, #tpu.memory_space<hbm>> -> memref<4x200xi32, #tpu.memory_space<hbm>>
      tpu.wait_dma2 semaphore(%run_scoped3A_659 : memref<!tpu.dma_semaphore, #tpu.memory_space<semaphore_mem>>) src(%dma_wait3A_683 : memref<4x200xi32, #tpu.memory_space<hbm>>) dst(%dma_wait3A_681 : memref<4x200xi32, #tpu.memory_space<vmem>>)
      tpu.yield
    }) : () -> ()
    %dma_start3A_238 = arith.constant 1 : i32
    %dma_start3A_239 = arith.constant 0 : i32
    %dma_start3A_240 = arith.constant 1 : i32
    %dma_start3A_241 = arith.constant 0 : i32
    %dma_start3A_242 = arith.constant 1 : i32
    %dma_start3A_243 = arith.constant 0 : i32
    %dma_start3A_244 = arith.constant 0 : i32
    %dma_start3A_245 = tpu.memref_slice %arg6[%dma_start3A_240, %dma_start3A_241, %dma_start3A_243, %dma_start3A_244] : memref<2x4x200x64xf32, #tpu.memory_space<vmem>> -> memref<1x1x200x64xf32, #tpu.memory_space<vmem>>
    %dma_start3A_246 = tpu.memref_squeeze %dma_start3A_245 : memref<1x1x200x64xf32, #tpu.memory_space<vmem>> -> memref<200x64xf32, #tpu.memory_space<vmem>>
    %dma_start3A_247 = arith.constant 0 : i32
    %dma_start3A_248 = tpu.memref_slice %arg5[%dma_start3A_238, %dma_start3A_239, %dma_start3A_247] : memref<2x4x200xi32, #tpu.memory_space<vmem>> -> memref<1x1x200xi32, #tpu.memory_space<vmem>>
    %dma_start3A_249 = tpu.memref_squeeze %dma_start3A_248 : memref<1x1x200xi32, #tpu.memory_space<vmem>> -> memref<200xi32, #tpu.memory_space<vmem>>
    %dma_start3A_250 = arith.constant 0 : i32
    %dma_start3A_251 = arith.constant 0 : i32
    %dma_start3A_252 = tpu.memref_slice %arg3[%dma_start3A_250, %dma_start3A_251] : memref<100000x64xf32, #tpu.memory_space<hbm>> -> memref<100000x64xf32, #tpu.memory_space<hbm>>
    %dma_start3A_253 = tpu.memref_slice %arg7[%dma_start3A_242] : memref<2x!tpu.dma_semaphore, #tpu.memory_space<semaphore_mem>> -> memref<1x!tpu.dma_semaphore, #tpu.memory_space<semaphore_mem>>
    %dma_start3A_254 = tpu.memref_squeeze %dma_start3A_253 : memref<1x!tpu.dma_semaphore, #tpu.memory_space<semaphore_mem>> -> memref<!tpu.dma_semaphore, #tpu.memory_space<semaphore_mem>>
    tpu.enqueue_indirect_dma source(%dma_start3A_252 : memref<100000x64xf32, #tpu.memory_space<hbm>>) target(%dma_start3A_246 : memref<200x64xf32, #tpu.memory_space<vmem>>) offsets(%dma_start3A_249 : memref<200xi32, #tpu.memory_space<vmem>>) semaphore(%dma_start3A_254 : memref<!tpu.dma_semaphore, #tpu.memory_space<semaphore_mem>>)
    %dma_start3A_255 = arith.constant 1 : i32
    %dma_start3A_256 = arith.constant 1 : i32
    %dma_start3A_257 = arith.constant 1 : i32
    %dma_start3A_258 = arith.constant 1 : i32
    %dma_start3A_259 = arith.constant 1 : i32
    %dma_start3A_260 = arith.constant 0 : i32
    %dma_start3A_261 = arith.constant 0 : i32
    %dma_start3A_262 = tpu.memref_slice %arg6[%dma_start3A_257, %dma_start3A_258, %dma_start3A_260, %dma_start3A_261] : memref<2x4x200x64xf32, #tpu.memory_space<vmem>> -> memref<1x1x200x64xf32, #tpu.memory_space<vmem>>
    %dma_start3A_263 = tpu.memref_squeeze %dma_start3A_262 : memref<1x1x200x64xf32, #tpu.memory_space<vmem>> -> memref<200x64xf32, #tpu.memory_space<vmem>>
    %dma_start3A_264 = arith.constant 0 : i32
    %dma_start3A_265 = tpu.memref_slice %arg5[%dma_start3A_255, %dma_start3A_256, %dma_start3A_264] : memref<2x4x200xi32, #tpu.memory_space<vmem>> -> memref<1x1x200xi32, #tpu.memory_space<vmem>>
    %dma_start3A_266 = tpu.memref_squeeze %dma_start3A_265 : memref<1x1x200xi32, #tpu.memory_space<vmem>> -> memref<200xi32, #tpu.memory_space<vmem>>
    %dma_start3A_267 = arith.constant 0 : i32
    %dma_start3A_268 = arith.constant 0 : i32
    %dma_start3A_269 = tpu.memref_slice %arg3[%dma_start3A_267, %dma_start3A_268] : memref<100000x64xf32, #tpu.memory_space<hbm>> -> memref<100000x64xf32, #tpu.memory_space<hbm>>
    %dma_start3A_270 = tpu.memref_slice %arg7[%dma_start3A_259] : memref<2x!tpu.dma_semaphore, #tpu.memory_space<semaphore_mem>> -> memref<1x!tpu.dma_semaphore, #tpu.memory_space<semaphore_mem>>
    %dma_start3A_271 = tpu.memref_squeeze %dma_start3A_270 : memref<1x!tpu.dma_semaphore, #tpu.memory_space<semaphore_mem>> -> memref<!tpu.dma_semaphore, #tpu.memory_space<semaphore_mem>>
    tpu.enqueue_indirect_dma source(%dma_start3A_269 : memref<100000x64xf32, #tpu.memory_space<hbm>>) target(%dma_start3A_263 : memref<200x64xf32, #tpu.memory_space<vmem>>) offsets(%dma_start3A_266 : memref<200xi32, #tpu.memory_space<vmem>>) semaphore(%dma_start3A_271 : memref<!tpu.dma_semaphore, #tpu.memory_space<semaphore_mem>>)
    %dma_start3A_272 = arith.constant 1 : i32
    %dma_start3A_273 = arith.constant 2 : i32
    %dma_start3A_274 = arith.constant 1 : i32
    %dma_start3A_275 = arith.constant 2 : i32
    %dma_start3A_276 = arith.constant 1 : i32
    %dma_start3A_277 = arith.constant 0 : i32
    %dma_start3A_278 = arith.constant 0 : i32
    %dma_start3A_279 = tpu.memref_slice %arg6[%dma_start3A_274, %dma_start3A_275, %dma_start3A_277, %dma_start3A_278] : memref<2x4x200x64xf32, #tpu.memory_space<vmem>> -> memref<1x1x200x64xf32, #tpu.memory_space<vmem>>
    %dma_start3A_280 = tpu.memref_squeeze %dma_start3A_279 : memref<1x1x200x64xf32, #tpu.memory_space<vmem>> -> memref<200x64xf32, #tpu.memory_space<vmem>>
    %dma_start3A_281 = arith.constant 0 : i32
    %dma_start3A_282 = tpu.memref_slice %arg5[%dma_start3A_272, %dma_start3A_273, %dma_start3A_281] : memref<2x4x200xi32, #tpu.memory_space<vmem>> -> memref<1x1x200xi32, #tpu.memory_space<vmem>>
    %dma_start3A_283 = tpu.memref_squeeze %dma_start3A_282 : memref<1x1x200xi32, #tpu.memory_space<vmem>> -> memref<200xi32, #tpu.memory_space<vmem>>
    %dma_start3A_284 = arith.constant 0 : i32
    %dma_start3A_285 = arith.constant 0 : i32
    %dma_start3A_286 = tpu.memref_slice %arg3[%dma_start3A_284, %dma_start3A_285] : memref<100000x64xf32, #tpu.memory_space<hbm>> -> memref<100000x64xf32, #tpu.memory_space<hbm>>
    %dma_start3A_287 = tpu.memref_slice %arg7[%dma_start3A_276] : memref<2x!tpu.dma_semaphore, #tpu.memory_space<semaphore_mem>> -> memref<1x!tpu.dma_semaphore, #tpu.memory_space<semaphore_mem>>
    %dma_start3A_288 = tpu.memref_squeeze %dma_start3A_287 : memref<1x!tpu.dma_semaphore, #tpu.memory_space<semaphore_mem>> -> memref<!tpu.dma_semaphore, #tpu.memory_space<semaphore_mem>>
    tpu.enqueue_indirect_dma source(%dma_start3A_286 : memref<100000x64xf32, #tpu.memory_space<hbm>>) target(%dma_start3A_280 : memref<200x64xf32, #tpu.memory_space<vmem>>) offsets(%dma_start3A_283 : memref<200xi32, #tpu.memory_space<vmem>>) semaphore(%dma_start3A_288 : memref<!tpu.dma_semaphore, #tpu.memory_space<semaphore_mem>>)
    %dma_start3A_289 = arith.constant 1 : i32
    %dma_start3A_290 = arith.constant 3 : i32
    %dma_start3A_291 = arith.constant 1 : i32
    %dma_start3A_292 = arith.constant 3 : i32
    %dma_start3A_293 = arith.constant 1 : i32
    %dma_start3A_294 = arith.constant 0 : i32
    %dma_start3A_295 = arith.constant 0 : i32
    %dma_start3A_296 = tpu.memref_slice %arg6[%dma_start3A_291, %dma_start3A_292, %dma_start3A_294, %dma_start3A_295] : memref<2x4x200x64xf32, #tpu.memory_space<vmem>> -> memref<1x1x200x64xf32, #tpu.memory_space<vmem>>
    %dma_start3A_297 = tpu.memref_squeeze %dma_start3A_296 : memref<1x1x200x64xf32, #tpu.memory_space<vmem>> -> memref<200x64xf32, #tpu.memory_space<vmem>>
    %dma_start3A_298 = arith.constant 0 : i32
    %dma_start3A_299 = tpu.memref_slice %arg5[%dma_start3A_289, %dma_start3A_290, %dma_start3A_298] : memref<2x4x200xi32, #tpu.memory_space<vmem>> -> memref<1x1x200xi32, #tpu.memory_space<vmem>>
    %dma_start3A_300 = tpu.memref_squeeze %dma_start3A_299 : memref<1x1x200xi32, #tpu.memory_space<vmem>> -> memref<200xi32, #tpu.memory_space<vmem>>
    %dma_start3A_301 = arith.constant 0 : i32
    %dma_start3A_302 = arith.constant 0 : i32
    %dma_start3A_303 = tpu.memref_slice %arg3[%dma_start3A_301, %dma_start3A_302] : memref<100000x64xf32, #tpu.memory_space<hbm>> -> memref<100000x64xf32, #tpu.memory_space<hbm>>
    %dma_start3A_304 = tpu.memref_slice %arg7[%dma_start3A_293] : memref<2x!tpu.dma_semaphore, #tpu.memory_space<semaphore_mem>> -> memref<1x!tpu.dma_semaphore, #tpu.memory_space<semaphore_mem>>
    %dma_start3A_305 = tpu.memref_squeeze %dma_start3A_304 : memref<1x!tpu.dma_semaphore, #tpu.memory_space<semaphore_mem>> -> memref<!tpu.dma_semaphore, #tpu.memory_space<semaphore_mem>>
    tpu.enqueue_indirect_dma source(%dma_start3A_303 : memref<100000x64xf32, #tpu.memory_space<hbm>>) target(%dma_start3A_297 : memref<200x64xf32, #tpu.memory_space<vmem>>) offsets(%dma_start3A_300 : memref<200xi32, #tpu.memory_space<vmem>>) semaphore(%dma_start3A_305 : memref<!tpu.dma_semaphore, #tpu.memory_space<semaphore_mem>>)
    %dma_wait3A_306 = arith.constant 1 : i32
    %dma_wait3A_307 = arith.constant 0 : i32
    %dma_wait3A_308 = arith.constant 1 : i32
    %dma_wait3A_309 = arith.constant 0 : i32
    %dma_wait3A_310 = arith.constant 1 : i32
    %dma_wait3A_311 = arith.constant 0 : i32
    %dma_wait3A_312 = arith.constant 0 : i32
    %dma_wait3A_313 = tpu.memref_slice %arg6[%dma_wait3A_308, %dma_wait3A_309, %dma_wait3A_311, %dma_wait3A_312] : memref<2x4x200x64xf32, #tpu.memory_space<vmem>> -> memref<1x1x200x64xf32, #tpu.memory_space<vmem>>
    %dma_wait3A_314 = tpu.memref_squeeze %dma_wait3A_313 : memref<1x1x200x64xf32, #tpu.memory_space<vmem>> -> memref<200x64xf32, #tpu.memory_space<vmem>>
    %dma_wait3A_315 = arith.constant 0 : i32
    %dma_wait3A_316 = tpu.memref_slice %arg5[%dma_wait3A_306, %dma_wait3A_307, %dma_wait3A_315] : memref<2x4x200xi32, #tpu.memory_space<vmem>> -> memref<1x1x200xi32, #tpu.memory_space<vmem>>
    %dma_wait3A_317 = tpu.memref_squeeze %dma_wait3A_316 : memref<1x1x200xi32, #tpu.memory_space<vmem>> -> memref<200xi32, #tpu.memory_space<vmem>>
    %dma_wait3A_318 = arith.constant 0 : i32
    %dma_wait3A_319 = arith.constant 0 : i32
    %dma_wait3A_320 = tpu.memref_slice %arg3[%dma_wait3A_318, %dma_wait3A_319] : memref<100000x64xf32, #tpu.memory_space<hbm>> -> memref<100000x64xf32, #tpu.memory_space<hbm>>
    %dma_wait3A_321 = tpu.memref_slice %arg7[%dma_wait3A_310] : memref<2x!tpu.dma_semaphore, #tpu.memory_space<semaphore_mem>> -> memref<1x!tpu.dma_semaphore, #tpu.memory_space<semaphore_mem>>
    %dma_wait3A_322 = tpu.memref_squeeze %dma_wait3A_321 : memref<1x!tpu.dma_semaphore, #tpu.memory_space<semaphore_mem>> -> memref<!tpu.dma_semaphore, #tpu.memory_space<semaphore_mem>>
    tpu.wait_indirect_dma semaphore(%dma_wait3A_322 : memref<!tpu.dma_semaphore, #tpu.memory_space<semaphore_mem>>) src(%dma_wait3A_320 : memref<100000x64xf32, #tpu.memory_space<hbm>>) dst(%dma_wait3A_314 : memref<200x64xf32, #tpu.memory_space<vmem>>)
    %dma_wait3A_323 = arith.constant 1 : i32
    %dma_wait3A_324 = arith.constant 1 : i32
    %dma_wait3A_325 = arith.constant 1 : i32
    %dma_wait3A_326 = arith.constant 1 : i32
    %dma_wait3A_327 = arith.constant 1 : i32
    %dma_wait3A_328 = arith.constant 0 : i32
    %dma_wait3A_329 = arith.constant 0 : i32
    %dma_wait3A_330 = tpu.memref_slice %arg6[%dma_wait3A_325, %dma_wait3A_326, %dma_wait3A_328, %dma_wait3A_329] : memref<2x4x200x64xf32, #tpu.memory_space<vmem>> -> memref<1x1x200x64xf32, #tpu.memory_space<vmem>>
    %dma_wait3A_331 = tpu.memref_squeeze %dma_wait3A_330 : memref<1x1x200x64xf32, #tpu.memory_space<vmem>> -> memref<200x64xf32, #tpu.memory_space<vmem>>
    %dma_wait3A_332 = arith.constant 0 : i32
    %dma_wait3A_333 = tpu.memref_slice %arg5[%dma_wait3A_323, %dma_wait3A_324, %dma_wait3A_332] : memref<2x4x200xi32, #tpu.memory_space<vmem>> -> memref<1x1x200xi32, #tpu.memory_space<vmem>>
    %dma_wait3A_334 = tpu.memref_squeeze %dma_wait3A_333 : memref<1x1x200xi32, #tpu.memory_space<vmem>> -> memref<200xi32, #tpu.memory_space<vmem>>
    %dma_wait3A_335 = arith.constant 0 : i32
    %dma_wait3A_336 = arith.constant 0 : i32
    %dma_wait3A_337 = tpu.memref_slice %arg3[%dma_wait3A_335, %dma_wait3A_336] : memref<100000x64xf32, #tpu.memory_space<hbm>> -> memref<100000x64xf32, #tpu.memory_space<hbm>>
    %dma_wait3A_338 = tpu.memref_slice %arg7[%dma_wait3A_327] : memref<2x!tpu.dma_semaphore, #tpu.memory_space<semaphore_mem>> -> memref<1x!tpu.dma_semaphore, #tpu.memory_space<semaphore_mem>>
    %dma_wait3A_339 = tpu.memref_squeeze %dma_wait3A_338 : memref<1x!tpu.dma_semaphore, #tpu.memory_space<semaphore_mem>> -> memref<!tpu.dma_semaphore, #tpu.memory_space<semaphore_mem>>
    tpu.wait_indirect_dma semaphore(%dma_wait3A_339 : memref<!tpu.dma_semaphore, #tpu.memory_space<semaphore_mem>>) src(%dma_wait3A_337 : memref<100000x64xf32, #tpu.memory_space<hbm>>) dst(%dma_wait3A_331 : memref<200x64xf32, #tpu.memory_space<vmem>>)
    %dma_wait3A_340 = arith.constant 1 : i32
    %dma_wait3A_341 = arith.constant 2 : i32
    %dma_wait3A_342 = arith.constant 1 : i32
    %dma_wait3A_343 = arith.constant 2 : i32
    %dma_wait3A_344 = arith.constant 1 : i32
    %dma_wait3A_345 = arith.constant 0 : i32
    %dma_wait3A_346 = arith.constant 0 : i32
    %dma_wait3A_347 = tpu.memref_slice %arg6[%dma_wait3A_342, %dma_wait3A_343, %dma_wait3A_345, %dma_wait3A_346] : memref<2x4x200x64xf32, #tpu.memory_space<vmem>> -> memref<1x1x200x64xf32, #tpu.memory_space<vmem>>
    %dma_wait3A_348 = tpu.memref_squeeze %dma_wait3A_347 : memref<1x1x200x64xf32, #tpu.memory_space<vmem>> -> memref<200x64xf32, #tpu.memory_space<vmem>>
    %dma_wait3A_349 = arith.constant 0 : i32
    %dma_wait3A_350 = tpu.memref_slice %arg5[%dma_wait3A_340, %dma_wait3A_341, %dma_wait3A_349] : memref<2x4x200xi32, #tpu.memory_space<vmem>> -> memref<1x1x200xi32, #tpu.memory_space<vmem>>
    %dma_wait3A_351 = tpu.memref_squeeze %dma_wait3A_350 : memref<1x1x200xi32, #tpu.memory_space<vmem>> -> memref<200xi32, #tpu.memory_space<vmem>>
    %dma_wait3A_352 = arith.constant 0 : i32
    %dma_wait3A_353 = arith.constant 0 : i32
    %dma_wait3A_354 = tpu.memref_slice %arg3[%dma_wait3A_352, %dma_wait3A_353] : memref<100000x64xf32, #tpu.memory_space<hbm>> -> memref<100000x64xf32, #tpu.memory_space<hbm>>
    %dma_wait3A_355 = tpu.memref_slice %arg7[%dma_wait3A_344] : memref<2x!tpu.dma_semaphore, #tpu.memory_space<semaphore_mem>> -> memref<1x!tpu.dma_semaphore, #tpu.memory_space<semaphore_mem>>
    %dma_wait3A_356 = tpu.memref_squeeze %dma_wait3A_355 : memref<1x!tpu.dma_semaphore, #tpu.memory_space<semaphore_mem>> -> memref<!tpu.dma_semaphore, #tpu.memory_space<semaphore_mem>>
    tpu.wait_indirect_dma semaphore(%dma_wait3A_356 : memref<!tpu.dma_semaphore, #tpu.memory_space<semaphore_mem>>) src(%dma_wait3A_354 : memref<100000x64xf32, #tpu.memory_space<hbm>>) dst(%dma_wait3A_348 : memref<200x64xf32, #tpu.memory_space<vmem>>)
    %dma_wait3A_357 = arith.constant 1 : i32
    %dma_wait3A_358 = arith.constant 3 : i32
    %dma_wait3A_359 = arith.constant 1 : i32
    %dma_wait3A_360 = arith.constant 3 : i32
    %dma_wait3A_361 = arith.constant 1 : i32
    %dma_wait3A_362 = arith.constant 0 : i32
    %dma_wait3A_363 = arith.constant 0 : i32
    %dma_wait3A_364 = tpu.memref_slice %arg6[%dma_wait3A_359, %dma_wait3A_360, %dma_wait3A_362, %dma_wait3A_363] : memref<2x4x200x64xf32, #tpu.memory_space<vmem>> -> memref<1x1x200x64xf32, #tpu.memory_space<vmem>>
    %dma_wait3A_365 = tpu.memref_squeeze %dma_wait3A_364 : memref<1x1x200x64xf32, #tpu.memory_space<vmem>> -> memref<200x64xf32, #tpu.memory_space<vmem>>
    %dma_wait3A_366 = arith.constant 0 : i32
    %dma_wait3A_367 = tpu.memref_slice %arg5[%dma_wait3A_357, %dma_wait3A_358, %dma_wait3A_366] : memref<2x4x200xi32, #tpu.memory_space<vmem>> -> memref<1x1x200xi32, #tpu.memory_space<vmem>>
    %dma_wait3A_368 = tpu.memref_squeeze %dma_wait3A_367 : memref<1x1x200xi32, #tpu.memory_space<vmem>> -> memref<200xi32, #tpu.memory_space<vmem>>
    %dma_wait3A_369 = arith.constant 0 : i32
    %dma_wait3A_370 = arith.constant 0 : i32
    %dma_wait3A_371 = tpu.memref_slice %arg3[%dma_wait3A_369, %dma_wait3A_370] : memref<100000x64xf32, #tpu.memory_space<hbm>> -> memref<100000x64xf32, #tpu.memory_space<hbm>>
    %dma_wait3A_372 = tpu.memref_slice %arg7[%dma_wait3A_361] : memref<2x!tpu.dma_semaphore, #tpu.memory_space<semaphore_mem>> -> memref<1x!tpu.dma_semaphore, #tpu.memory_space<semaphore_mem>>
    %dma_wait3A_373 = tpu.memref_squeeze %dma_wait3A_372 : memref<1x!tpu.dma_semaphore, #tpu.memory_space<semaphore_mem>> -> memref<!tpu.dma_semaphore, #tpu.memory_space<semaphore_mem>>
    tpu.wait_indirect_dma semaphore(%dma_wait3A_373 : memref<!tpu.dma_semaphore, #tpu.memory_space<semaphore_mem>>) src(%dma_wait3A_371 : memref<100000x64xf32, #tpu.memory_space<hbm>>) dst(%dma_wait3A_365 : memref<200x64xf32, #tpu.memory_space<vmem>>)
    %add3A_374 = arith.constant 0 : i32
    %add3A_375 = arith.addi %add3A_236, %add3A_374 : i32
    %dma_start3A_376 = arith.constant 1 : i32
    %dma_start3A_377 = arith.constant 0 : i32
    %dma_start3A_378 = arith.constant 1 : i32
    %dma_start3A_379 = arith.constant 0 : i32
    %dma_start3A_380 = arith.constant 0 : i32
    %dma_start3A_381 = tpu.memref_slice %arg6[%dma_start3A_376, %dma_start3A_377, %dma_start3A_379, %dma_start3A_380] : memref<2x4x200x64xf32, #tpu.memory_space<vmem>> -> memref<1x1x200x64xf32, #tpu.memory_space<vmem>>
    %dma_start3A_382 = tpu.memref_squeeze %dma_start3A_381 : memref<1x1x200x64xf32, #tpu.memory_space<vmem>> -> memref<200x64xf32, #tpu.memory_space<vmem>>
    %dma_start3A_383 = arith.constant 0 : i32
    %dma_start3A_384 = arith.constant 0 : i32
    %dma_start3A_385 = tpu.memref_slice %arg4[%add3A_375, %dma_start3A_383, %dma_start3A_384] : memref<4096x200x128xf32, #tpu.memory_space<hbm>> -> memref<1x200x64xf32, #tpu.memory_space<hbm>>
    %dma_start3A_386 = tpu.memref_squeeze %dma_start3A_385 : memref<1x200x64xf32, #tpu.memory_space<hbm>> -> memref<200x64xf32, #tpu.memory_space<hbm>>
    %dma_start3A_387 = tpu.memref_slice %arg8[%dma_start3A_378] : memref<2x!tpu.dma_semaphore, #tpu.memory_space<semaphore_mem>> -> memref<1x!tpu.dma_semaphore, #tpu.memory_space<semaphore_mem>>
    %dma_start3A_388 = tpu.memref_squeeze %dma_start3A_387 : memref<1x!tpu.dma_semaphore, #tpu.memory_space<semaphore_mem>> -> memref<!tpu.dma_semaphore, #tpu.memory_space<semaphore_mem>>
    %dma_start3A_389 = arith.constant 0 : i32
    %dma_start3A_390 = arith.constant 0 : i32
    %dma_start3A_391 = tpu.memref_slice %arg4[%add3A_375, %dma_start3A_389, %dma_start3A_390] : memref<4096x200x128xf32, #tpu.memory_space<hbm>> -> memref<1x200x64xf32, #tpu.memory_space<hbm>>
    %dma_start3A_392 = tpu.memref_squeeze %dma_start3A_391 : memref<1x200x64xf32, #tpu.memory_space<hbm>> -> memref<200x64xf32, #tpu.memory_space<hbm>>
    %dma_start3A_393 = arith.constant 0 : i32
    %dma_start3A_394 = arith.constant 0 : i32
    %dma_start3A_395 = tpu.memref_slice %arg6[%dma_start3A_376, %dma_start3A_377, %dma_start3A_393, %dma_start3A_394] : memref<2x4x200x64xf32, #tpu.memory_space<vmem>> -> memref<1x1x200x64xf32, #tpu.memory_space<vmem>>
    %dma_start3A_396 = tpu.memref_squeeze %dma_start3A_395 : memref<1x1x200x64xf32, #tpu.memory_space<vmem>> -> memref<200x64xf32, #tpu.memory_space<vmem>>
    tpu.enqueue_dma source(%dma_start3A_396 : memref<200x64xf32, #tpu.memory_space<vmem>>) target(%dma_start3A_392 : memref<200x64xf32, #tpu.memory_space<hbm>>) target_semaphore(%dma_start3A_388 : memref<!tpu.dma_semaphore, #tpu.memory_space<semaphore_mem>>)
    %add3A_397 = arith.constant 1 : i32
    %add3A_398 = arith.addi %add3A_236, %add3A_397 : i32
    %dma_start3A_399 = arith.constant 1 : i32
    %dma_start3A_400 = arith.constant 1 : i32
    %dma_start3A_401 = arith.constant 1 : i32
    %dma_start3A_402 = arith.constant 0 : i32
    %dma_start3A_403 = arith.constant 0 : i32
    %dma_start3A_404 = tpu.memref_slice %arg6[%dma_start3A_399, %dma_start3A_400, %dma_start3A_402, %dma_start3A_403] : memref<2x4x200x64xf32, #tpu.memory_space<vmem>> -> memref<1x1x200x64xf32, #tpu.memory_space<vmem>>
    %dma_start3A_405 = tpu.memref_squeeze %dma_start3A_404 : memref<1x1x200x64xf32, #tpu.memory_space<vmem>> -> memref<200x64xf32, #tpu.memory_space<vmem>>
    %dma_start3A_406 = arith.constant 0 : i32
    %dma_start3A_407 = arith.constant 0 : i32
    %dma_start3A_408 = tpu.memref_slice %arg4[%add3A_398, %dma_start3A_406, %dma_start3A_407] : memref<4096x200x128xf32, #tpu.memory_space<hbm>> -> memref<1x200x64xf32, #tpu.memory_space<hbm>>
    %dma_start3A_409 = tpu.memref_squeeze %dma_start3A_408 : memref<1x200x64xf32, #tpu.memory_space<hbm>> -> memref<200x64xf32, #tpu.memory_space<hbm>>
    %dma_start3A_410 = tpu.memref_slice %arg8[%dma_start3A_401] : memref<2x!tpu.dma_semaphore, #tpu.memory_space<semaphore_mem>> -> memref<1x!tpu.dma_semaphore, #tpu.memory_space<semaphore_mem>>
    %dma_start3A_411 = tpu.memref_squeeze %dma_start3A_410 : memref<1x!tpu.dma_semaphore, #tpu.memory_space<semaphore_mem>> -> memref<!tpu.dma_semaphore, #tpu.memory_space<semaphore_mem>>
    %dma_start3A_412 = arith.constant 0 : i32
    %dma_start3A_413 = arith.constant 0 : i32
    %dma_start3A_414 = tpu.memref_slice %arg4[%add3A_398, %dma_start3A_412, %dma_start3A_413] : memref<4096x200x128xf32, #tpu.memory_space<hbm>> -> memref<1x200x64xf32, #tpu.memory_space<hbm>>
    %dma_start3A_415 = tpu.memref_squeeze %dma_start3A_414 : memref<1x200x64xf32, #tpu.memory_space<hbm>> -> memref<200x64xf32, #tpu.memory_space<hbm>>
    %dma_start3A_416 = arith.constant 0 : i32
    %dma_start3A_417 = arith.constant 0 : i32
    %dma_start3A_418 = tpu.memref_slice %arg6[%dma_start3A_399, %dma_start3A_400, %dma_start3A_416, %dma_start3A_417] : memref<2x4x200x64xf32, #tpu.memory_space<vmem>> -> memref<1x1x200x64xf32, #tpu.memory_space<vmem>>
    %dma_start3A_419 = tpu.memref_squeeze %dma_start3A_418 : memref<1x1x200x64xf32, #tpu.memory_space<vmem>> -> memref<200x64xf32, #tpu.memory_space<vmem>>
    tpu.enqueue_dma source(%dma_start3A_419 : memref<200x64xf32, #tpu.memory_space<vmem>>) target(%dma_start3A_415 : memref<200x64xf32, #tpu.memory_space<hbm>>) target_semaphore(%dma_start3A_411 : memref<!tpu.dma_semaphore, #tpu.memory_space<semaphore_mem>>)
    %add3A_420 = arith.constant 2 : i32
    %add3A_421 = arith.addi %add3A_236, %add3A_420 : i32
    %dma_start3A_422 = arith.constant 1 : i32
    %dma_start3A_423 = arith.constant 2 : i32
    %dma_start3A_424 = arith.constant 1 : i32
    %dma_start3A_425 = arith.constant 0 : i32
    %dma_start3A_426 = arith.constant 0 : i32
    %dma_start3A_427 = tpu.memref_slice %arg6[%dma_start3A_422, %dma_start3A_423, %dma_start3A_425, %dma_start3A_426] : memref<2x4x200x64xf32, #tpu.memory_space<vmem>> -> memref<1x1x200x64xf32, #tpu.memory_space<vmem>>
    %dma_start3A_428 = tpu.memref_squeeze %dma_start3A_427 : memref<1x1x200x64xf32, #tpu.memory_space<vmem>> -> memref<200x64xf32, #tpu.memory_space<vmem>>
    %dma_start3A_429 = arith.constant 0 : i32
    %dma_start3A_430 = arith.constant 0 : i32
    %dma_start3A_431 = tpu.memref_slice %arg4[%add3A_421, %dma_start3A_429, %dma_start3A_430] : memref<4096x200x128xf32, #tpu.memory_space<hbm>> -> memref<1x200x64xf32, #tpu.memory_space<hbm>>
    %dma_start3A_432 = tpu.memref_squeeze %dma_start3A_431 : memref<1x200x64xf32, #tpu.memory_space<hbm>> -> memref<200x64xf32, #tpu.memory_space<hbm>>
    %dma_start3A_433 = tpu.memref_slice %arg8[%dma_start3A_424] : memref<2x!tpu.dma_semaphore, #tpu.memory_space<semaphore_mem>> -> memref<1x!tpu.dma_semaphore, #tpu.memory_space<semaphore_mem>>
    %dma_start3A_434 = tpu.memref_squeeze %dma_start3A_433 : memref<1x!tpu.dma_semaphore, #tpu.memory_space<semaphore_mem>> -> memref<!tpu.dma_semaphore, #tpu.memory_space<semaphore_mem>>
    %dma_start3A_435 = arith.constant 0 : i32
    %dma_start3A_436 = arith.constant 0 : i32
    %dma_start3A_437 = tpu.memref_slice %arg4[%add3A_421, %dma_start3A_435, %dma_start3A_436] : memref<4096x200x128xf32, #tpu.memory_space<hbm>> -> memref<1x200x64xf32, #tpu.memory_space<hbm>>
    %dma_start3A_438 = tpu.memref_squeeze %dma_start3A_437 : memref<1x200x64xf32, #tpu.memory_space<hbm>> -> memref<200x64xf32, #tpu.memory_space<hbm>>
    %dma_start3A_439 = arith.constant 0 : i32
    %dma_start3A_440 = arith.constant 0 : i32
    %dma_start3A_441 = tpu.memref_slice %arg6[%dma_start3A_422, %dma_start3A_423, %dma_start3A_439, %dma_start3A_440] : memref<2x4x200x64xf32, #tpu.memory_space<vmem>> -> memref<1x1x200x64xf32, #tpu.memory_space<vmem>>
    %dma_start3A_442 = tpu.memref_squeeze %dma_start3A_441 : memref<1x1x200x64xf32, #tpu.memory_space<vmem>> -> memref<200x64xf32, #tpu.memory_space<vmem>>
    tpu.enqueue_dma source(%dma_start3A_442 : memref<200x64xf32, #tpu.memory_space<vmem>>) target(%dma_start3A_438 : memref<200x64xf32, #tpu.memory_space<hbm>>) target_semaphore(%dma_start3A_434 : memref<!tpu.dma_semaphore, #tpu.memory_space<semaphore_mem>>)
    %add3A_443 = arith.constant 3 : i32
    %add3A_444 = arith.addi %add3A_236, %add3A_443 : i32
    %dma_start3A_445 = arith.constant 1 : i32
    %dma_start3A_446 = arith.constant 3 : i32
    %dma_start3A_447 = arith.constant 1 : i32
    %dma_start3A_448 = arith.constant 0 : i32
    %dma_start3A_449 = arith.constant 0 : i32
    %dma_start3A_450 = tpu.memref_slice %arg6[%dma_start3A_445, %dma_start3A_446, %dma_start3A_448, %dma_start3A_449] : memref<2x4x200x64xf32, #tpu.memory_space<vmem>> -> memref<1x1x200x64xf32, #tpu.memory_space<vmem>>
    %dma_start3A_451 = tpu.memref_squeeze %dma_start3A_450 : memref<1x1x200x64xf32, #tpu.memory_space<vmem>> -> memref<200x64xf32, #tpu.memory_space<vmem>>
    %dma_start3A_452 = arith.constant 0 : i32
    %dma_start3A_453 = arith.constant 0 : i32
    %dma_start3A_454 = tpu.memref_slice %arg4[%add3A_444, %dma_start3A_452, %dma_start3A_453] : memref<4096x200x128xf32, #tpu.memory_space<hbm>> -> memref<1x200x64xf32, #tpu.memory_space<hbm>>
    %dma_start3A_455 = tpu.memref_squeeze %dma_start3A_454 : memref<1x200x64xf32, #tpu.memory_space<hbm>> -> memref<200x64xf32, #tpu.memory_space<hbm>>
    %dma_start3A_456 = tpu.memref_slice %arg8[%dma_start3A_447] : memref<2x!tpu.dma_semaphore, #tpu.memory_space<semaphore_mem>> -> memref<1x!tpu.dma_semaphore, #tpu.memory_space<semaphore_mem>>
    %dma_start3A_457 = tpu.memref_squeeze %dma_start3A_456 : memref<1x!tpu.dma_semaphore, #tpu.memory_space<semaphore_mem>> -> memref<!tpu.dma_semaphore, #tpu.memory_space<semaphore_mem>>
    %dma_start3A_458 = arith.constant 0 : i32
    %dma_start3A_459 = arith.constant 0 : i32
    %dma_start3A_460 = tpu.memref_slice %arg4[%add3A_444, %dma_start3A_458, %dma_start3A_459] : memref<4096x200x128xf32, #tpu.memory_space<hbm>> -> memref<1x200x64xf32, #tpu.memory_space<hbm>>
    %dma_start3A_461 = tpu.memref_squeeze %dma_start3A_460 : memref<1x200x64xf32, #tpu.memory_space<hbm>> -> memref<200x64xf32, #tpu.memory_space<hbm>>
    %dma_start3A_462 = arith.constant 0 : i32
    %dma_start3A_463 = arith.constant 0 : i32
    %dma_start3A_464 = tpu.memref_slice %arg6[%dma_start3A_445, %dma_start3A_446, %dma_start3A_462, %dma_start3A_463] : memref<2x4x200x64xf32, #tpu.memory_space<vmem>> -> memref<1x1x200x64xf32, #tpu.memory_space<vmem>>
    %dma_start3A_465 = tpu.memref_squeeze %dma_start3A_464 : memref<1x1x200x64xf32, #tpu.memory_space<vmem>> -> memref<200x64xf32, #tpu.memory_space<vmem>>
    tpu.enqueue_dma source(%dma_start3A_465 : memref<200x64xf32, #tpu.memory_space<vmem>>) target(%dma_start3A_461 : memref<200x64xf32, #tpu.memory_space<hbm>>) target_semaphore(%dma_start3A_457 : memref<!tpu.dma_semaphore, #tpu.memory_space<semaphore_mem>>)
    %scan3A = arith.constant 0 : i32
    %scan3A_466 = arith.constant 0 : i32
    %scan3A_467 = arith.constant 15 : i32
    %scan3A_468 = arith.addi %scan3A_466, %scan3A_467 : i32
    %scan3A_469 = arith.constant 1 : i32
    scf.for %scan3A_659 = %scan3A_466 to %scan3A_468 step %scan3A_469  : i32 {
      %mul3A_660 = arith.constant 2 : i32
      %mul3A_661 = arith.muli %scan3A_659, %mul3A_660 : i32
      %add3A_662 = arith.constant 2 : i32
      %add3A_663 = arith.addi %add3A_662, %mul3A_661 : i32
      %add3A_664 = arith.constant 0 : i32
      %add3A_665 = arith.addi %add3A_663, %add3A_664 : i32
      %mul3A_666 = arith.constant 4 : i32
      %mul3A_667 = arith.muli %add3A_665, %mul3A_666 : i32
      %add3A_668 = arith.addi %mul3A_2, %mul3A_667 : i32
      %add3A_669 = arith.constant 0 : i32
      %add3A_670 = arith.addi %add3A_668, %add3A_669 : i32
      %dma_wait3A_671 = arith.constant 0 : i32
      %dma_wait3A_672 = arith.constant 0 : i32
      %dma_wait3A_673 = arith.constant 0 : i32
      %dma_wait3A_674 = arith.constant 0 : i32
      %dma_wait3A_675 = arith.constant 0 : i32
      %dma_wait3A_676 = tpu.memref_slice %arg6[%dma_wait3A_671, %dma_wait3A_672, %dma_wait3A_674, %dma_wait3A_675] : memref<2x4x200x64xf32, #tpu.memory_space<vmem>> -> memref<1x1x200x64xf32, #tpu.memory_space<vmem>>
      %dma_wait3A_677 = tpu.memref_squeeze %dma_wait3A_676 : memref<1x1x200x64xf32, #tpu.memory_space<vmem>> -> memref<200x64xf32, #tpu.memory_space<vmem>>
      %dma_wait3A_678 = arith.constant 0 : i32
      %dma_wait3A_679 = arith.constant 0 : i32
      %dma_wait3A_680 = tpu.memref_slice %arg4[%add3A_670, %dma_wait3A_678, %dma_wait3A_679] : memref<4096x200x128xf32, #tpu.memory_space<hbm>> -> memref<1x200x64xf32, #tpu.memory_space<hbm>>
      %dma_wait3A_681 = tpu.memref_squeeze %dma_wait3A_680 : memref<1x200x64xf32, #tpu.memory_space<hbm>> -> memref<200x64xf32, #tpu.memory_space<hbm>>
      %dma_wait3A_682 = tpu.memref_slice %arg8[%dma_wait3A_673] : memref<2x!tpu.dma_semaphore, #tpu.memory_space<semaphore_mem>> -> memref<1x!tpu.dma_semaphore, #tpu.memory_space<semaphore_mem>>
      %dma_wait3A_683 = tpu.memref_squeeze %dma_wait3A_682 : memref<1x!tpu.dma_semaphore, #tpu.memory_space<semaphore_mem>> -> memref<!tpu.dma_semaphore, #tpu.memory_space<semaphore_mem>>
      %dma_wait3A_684 = arith.constant 0 : i32
      %dma_wait3A_685 = arith.constant 0 : i32
      %dma_wait3A_686 = tpu.memref_slice %arg4[%add3A_670, %dma_wait3A_684, %dma_wait3A_685] : memref<4096x200x128xf32, #tpu.memory_space<hbm>> -> memref<1x200x64xf32, #tpu.memory_space<hbm>>
      %dma_wait3A_687 = tpu.memref_squeeze %dma_wait3A_686 : memref<1x200x64xf32, #tpu.memory_space<hbm>> -> memref<200x64xf32, #tpu.memory_space<hbm>>
      %dma_wait3A_688 = arith.constant 0 : i32
      %dma_wait3A_689 = arith.constant 0 : i32
      %dma_wait3A_690 = tpu.memref_slice %arg6[%dma_wait3A_671, %dma_wait3A_672, %dma_wait3A_688, %dma_wait3A_689] : memref<2x4x200x64xf32, #tpu.memory_space<vmem>> -> memref<1x1x200x64xf32, #tpu.memory_space<vmem>>
      %dma_wait3A_691 = tpu.memref_squeeze %dma_wait3A_690 : memref<1x1x200x64xf32, #tpu.memory_space<vmem>> -> memref<200x64xf32, #tpu.memory_space<vmem>>
      tpu.wait_dma2 semaphore(%dma_wait3A_683 : memref<!tpu.dma_semaphore, #tpu.memory_space<semaphore_mem>>) src(%dma_wait3A_691 : memref<200x64xf32, #tpu.memory_space<vmem>>) dst(%dma_wait3A_687 : memref<200x64xf32, #tpu.memory_space<hbm>>)
      %add3A_692 = arith.constant 1 : i32
      %add3A_693 = arith.addi %add3A_668, %add3A_692 : i32
      %dma_wait3A_694 = arith.constant 0 : i32
      %dma_wait3A_695 = arith.constant 1 : i32
      %dma_wait3A_696 = arith.constant 0 : i32
      %dma_wait3A_697 = arith.constant 0 : i32
      %dma_wait3A_698 = arith.constant 0 : i32
      %dma_wait3A_699 = tpu.memref_slice %arg6[%dma_wait3A_694, %dma_wait3A_695, %dma_wait3A_697, %dma_wait3A_698] : memref<2x4x200x64xf32, #tpu.memory_space<vmem>> -> memref<1x1x200x64xf32, #tpu.memory_space<vmem>>
      %dma_wait3A_700 = tpu.memref_squeeze %dma_wait3A_699 : memref<1x1x200x64xf32, #tpu.memory_space<vmem>> -> memref<200x64xf32, #tpu.memory_space<vmem>>
      %dma_wait3A_701 = arith.constant 0 : i32
      %dma_wait3A_702 = arith.constant 0 : i32
      %dma_wait3A_703 = tpu.memref_slice %arg4[%add3A_693, %dma_wait3A_701, %dma_wait3A_702] : memref<4096x200x128xf32, #tpu.memory_space<hbm>> -> memref<1x200x64xf32, #tpu.memory_space<hbm>>
      %dma_wait3A_704 = tpu.memref_squeeze %dma_wait3A_703 : memref<1x200x64xf32, #tpu.memory_space<hbm>> -> memref<200x64xf32, #tpu.memory_space<hbm>>
      %dma_wait3A_705 = tpu.memref_slice %arg8[%dma_wait3A_696] : memref<2x!tpu.dma_semaphore, #tpu.memory_space<semaphore_mem>> -> memref<1x!tpu.dma_semaphore, #tpu.memory_space<semaphore_mem>>
      %dma_wait3A_706 = tpu.memref_squeeze %dma_wait3A_705 : memref<1x!tpu.dma_semaphore, #tpu.memory_space<semaphore_mem>> -> memref<!tpu.dma_semaphore, #tpu.memory_space<semaphore_mem>>
      %dma_wait3A_707 = arith.constant 0 : i32
      %dma_wait3A_708 = arith.constant 0 : i32
      %dma_wait3A_709 = tpu.memref_slice %arg4[%add3A_693, %dma_wait3A_707, %dma_wait3A_708] : memref<4096x200x128xf32, #tpu.memory_space<hbm>> -> memref<1x200x64xf32, #tpu.memory_space<hbm>>
      %dma_wait3A_710 = tpu.memref_squeeze %dma_wait3A_709 : memref<1x200x64xf32, #tpu.memory_space<hbm>> -> memref<200x64xf32, #tpu.memory_space<hbm>>
      %dma_wait3A_711 = arith.constant 0 : i32
      %dma_wait3A_712 = arith.constant 0 : i32
      %dma_wait3A_713 = tpu.memref_slice %arg6[%dma_wait3A_694, %dma_wait3A_695, %dma_wait3A_711, %dma_wait3A_712] : memref<2x4x200x64xf32, #tpu.memory_space<vmem>> -> memref<1x1x200x64xf32, #tpu.memory_space<vmem>>
      %dma_wait3A_714 = tpu.memref_squeeze %dma_wait3A_713 : memref<1x1x200x64xf32, #tpu.memory_space<vmem>> -> memref<200x64xf32, #tpu.memory_space<vmem>>
      tpu.wait_dma2 semaphore(%dma_wait3A_706 : memref<!tpu.dma_semaphore, #tpu.memory_space<semaphore_mem>>) src(%dma_wait3A_714 : memref<200x64xf32, #tpu.memory_space<vmem>>) dst(%dma_wait3A_710 : memref<200x64xf32, #tpu.memory_space<hbm>>)
      %add3A_715 = arith.constant 2 : i32
      %add3A_716 = arith.addi %add3A_668, %add3A_715 : i32
      %dma_wait3A_717 = arith.constant 0 : i32
      %dma_wait3A_718 = arith.constant 2 : i32
      %dma_wait3A_719 = arith.constant 0 : i32
      %dma_wait3A_720 = arith.constant 0 : i32
      %dma_wait3A_721 = arith.constant 0 : i32
      %dma_wait3A_722 = tpu.memref_slice %arg6[%dma_wait3A_717, %dma_wait3A_718, %dma_wait3A_720, %dma_wait3A_721] : memref<2x4x200x64xf32, #tpu.memory_space<vmem>> -> memref<1x1x200x64xf32, #tpu.memory_space<vmem>>
      %dma_wait3A_723 = tpu.memref_squeeze %dma_wait3A_722 : memref<1x1x200x64xf32, #tpu.memory_space<vmem>> -> memref<200x64xf32, #tpu.memory_space<vmem>>
      %dma_wait3A_724 = arith.constant 0 : i32
      %dma_wait3A_725 = arith.constant 0 : i32
      %dma_wait3A_726 = tpu.memref_slice %arg4[%add3A_716, %dma_wait3A_724, %dma_wait3A_725] : memref<4096x200x128xf32, #tpu.memory_space<hbm>> -> memref<1x200x64xf32, #tpu.memory_space<hbm>>
      %dma_wait3A_727 = tpu.memref_squeeze %dma_wait3A_726 : memref<1x200x64xf32, #tpu.memory_space<hbm>> -> memref<200x64xf32, #tpu.memory_space<hbm>>
      %dma_wait3A_728 = tpu.memref_slice %arg8[%dma_wait3A_719] : memref<2x!tpu.dma_semaphore, #tpu.memory_space<semaphore_mem>> -> memref<1x!tpu.dma_semaphore, #tpu.memory_space<semaphore_mem>>
      %dma_wait3A_729 = tpu.memref_squeeze %dma_wait3A_728 : memref<1x!tpu.dma_semaphore, #tpu.memory_space<semaphore_mem>> -> memref<!tpu.dma_semaphore, #tpu.memory_space<semaphore_mem>>
      %dma_wait3A_730 = arith.constant 0 : i32
      %dma_wait3A_731 = arith.constant 0 : i32
      %dma_wait3A_732 = tpu.memref_slice %arg4[%add3A_716, %dma_wait3A_730, %dma_wait3A_731] : memref<4096x200x128xf32, #tpu.memory_space<hbm>> -> memref<1x200x64xf32, #tpu.memory_space<hbm>>
      %dma_wait3A_733 = tpu.memref_squeeze %dma_wait3A_732 : memref<1x200x64xf32, #tpu.memory_space<hbm>> -> memref<200x64xf32, #tpu.memory_space<hbm>>
      %dma_wait3A_734 = arith.constant 0 : i32
      %dma_wait3A_735 = arith.constant 0 : i32
      %dma_wait3A_736 = tpu.memref_slice %arg6[%dma_wait3A_717, %dma_wait3A_718, %dma_wait3A_734, %dma_wait3A_735] : memref<2x4x200x64xf32, #tpu.memory_space<vmem>> -> memref<1x1x200x64xf32, #tpu.memory_space<vmem>>
      %dma_wait3A_737 = tpu.memref_squeeze %dma_wait3A_736 : memref<1x1x200x64xf32, #tpu.memory_space<vmem>> -> memref<200x64xf32, #tpu.memory_space<vmem>>
      tpu.wait_dma2 semaphore(%dma_wait3A_729 : memref<!tpu.dma_semaphore, #tpu.memory_space<semaphore_mem>>) src(%dma_wait3A_737 : memref<200x64xf32, #tpu.memory_space<vmem>>) dst(%dma_wait3A_733 : memref<200x64xf32, #tpu.memory_space<hbm>>)
      %add3A_738 = arith.constant 3 : i32
      %add3A_739 = arith.addi %add3A_668, %add3A_738 : i32
      %dma_wait3A_740 = arith.constant 0 : i32
      %dma_wait3A_741 = arith.constant 3 : i32
      %dma_wait3A_742 = arith.constant 0 : i32
      %dma_wait3A_743 = arith.constant 0 : i32
      %dma_wait3A_744 = arith.constant 0 : i32
      %dma_wait3A_745 = tpu.memref_slice %arg6[%dma_wait3A_740, %dma_wait3A_741, %dma_wait3A_743, %dma_wait3A_744] : memref<2x4x200x64xf32, #tpu.memory_space<vmem>> -> memref<1x1x200x64xf32, #tpu.memory_space<vmem>>
      %dma_wait3A_746 = tpu.memref_squeeze %dma_wait3A_745 : memref<1x1x200x64xf32, #tpu.memory_space<vmem>> -> memref<200x64xf32, #tpu.memory_space<vmem>>
      %dma_wait3A_747 = arith.constant 0 : i32
      %dma_wait3A_748 = arith.constant 0 : i32
      %dma_wait3A_749 = tpu.memref_slice %arg4[%add3A_739, %dma_wait3A_747, %dma_wait3A_748] : memref<4096x200x128xf32, #tpu.memory_space<hbm>> -> memref<1x200x64xf32, #tpu.memory_space<hbm>>
      %dma_wait3A_750 = tpu.memref_squeeze %dma_wait3A_749 : memref<1x200x64xf32, #tpu.memory_space<hbm>> -> memref<200x64xf32, #tpu.memory_space<hbm>>
      %dma_wait3A_751 = tpu.memref_slice %arg8[%dma_wait3A_742] : memref<2x!tpu.dma_semaphore, #tpu.memory_space<semaphore_mem>> -> memref<1x!tpu.dma_semaphore, #tpu.memory_space<semaphore_mem>>
      %dma_wait3A_752 = tpu.memref_squeeze %dma_wait3A_751 : memref<1x!tpu.dma_semaphore, #tpu.memory_space<semaphore_mem>> -> memref<!tpu.dma_semaphore, #tpu.memory_space<semaphore_mem>>
      %dma_wait3A_753 = arith.constant 0 : i32
      %dma_wait3A_754 = arith.constant 0 : i32
      %dma_wait3A_755 = tpu.memref_slice %arg4[%add3A_739, %dma_wait3A_753, %dma_wait3A_754] : memref<4096x200x128xf32, #tpu.memory_space<hbm>> -> memref<1x200x64xf32, #tpu.memory_space<hbm>>
      %dma_wait3A_756 = tpu.memref_squeeze %dma_wait3A_755 : memref<1x200x64xf32, #tpu.memory_space<hbm>> -> memref<200x64xf32, #tpu.memory_space<hbm>>
      %dma_wait3A_757 = arith.constant 0 : i32
      %dma_wait3A_758 = arith.constant 0 : i32
      %dma_wait3A_759 = tpu.memref_slice %arg6[%dma_wait3A_740, %dma_wait3A_741, %dma_wait3A_757, %dma_wait3A_758] : memref<2x4x200x64xf32, #tpu.memory_space<vmem>> -> memref<1x1x200x64xf32, #tpu.memory_space<vmem>>
      %dma_wait3A_760 = tpu.memref_squeeze %dma_wait3A_759 : memref<1x1x200x64xf32, #tpu.memory_space<vmem>> -> memref<200x64xf32, #tpu.memory_space<vmem>>
      tpu.wait_dma2 semaphore(%dma_wait3A_752 : memref<!tpu.dma_semaphore, #tpu.memory_space<semaphore_mem>>) src(%dma_wait3A_760 : memref<200x64xf32, #tpu.memory_space<vmem>>) dst(%dma_wait3A_756 : memref<200x64xf32, #tpu.memory_space<hbm>>)
      %run_scoped3A_761 = arith.constant 0 : i32
      "tpu.region"() ({
        %run_scoped3A_1316 = tpu.sem_alloc : memref<!tpu.dma_semaphore, #tpu.memory_space<semaphore_mem>>
        %dma_start3A_1317 = arith.constant 0 : i32
        %dma_start3A_1318 = arith.constant 0 : i32
        %dma_start3A_1319 = tpu.memref_slice %arg5[%run_scoped3A_761, %dma_start3A_1317, %dma_start3A_1318] : memref<2x4x200xi32, #tpu.memory_space<vmem>> -> memref<1x4x200xi32, #tpu.memory_space<vmem>>
        %dma_start3A_1320 = tpu.memref_squeeze %dma_start3A_1319 : memref<1x4x200xi32, #tpu.memory_space<vmem>> -> memref<4x200xi32, #tpu.memory_space<vmem>>
        %dma_start3A_1321 = arith.constant 0 : i32
        %dma_start3A_1322 = tpu.memref_slice %arg2[%add3A_668, %dma_start3A_1321] : memref<4096x200xi32, #tpu.memory_space<hbm>> -> memref<4x200xi32, #tpu.memory_space<hbm>>
        %dma_start3A_1323 = arith.constant 0 : i32
        %dma_start3A_1324 = arith.constant 0 : i32
        %dma_start3A_1325 = tpu.memref_slice %arg5[%run_scoped3A_761, %dma_start3A_1323, %dma_start3A_1324] : memref<2x4x200xi32, #tpu.memory_space<vmem>> -> memref<1x4x200xi32, #tpu.memory_space<vmem>>
        %dma_start3A_1326 = tpu.memref_squeeze %dma_start3A_1325 : memref<1x4x200xi32, #tpu.memory_space<vmem>> -> memref<4x200xi32, #tpu.memory_space<vmem>>
        %dma_start3A_1327 = arith.constant 0 : i32
        %dma_start3A_1328 = tpu.memref_slice %arg2[%add3A_668, %dma_start3A_1327] : memref<4096x200xi32, #tpu.memory_space<hbm>> -> memref<4x200xi32, #tpu.memory_space<hbm>>
        tpu.enqueue_dma source(%dma_start3A_1328 : memref<4x200xi32, #tpu.memory_space<hbm>>) target(%dma_start3A_1326 : memref<4x200xi32, #tpu.memory_space<vmem>>) target_semaphore(%run_scoped3A_1316 : memref<!tpu.dma_semaphore, #tpu.memory_space<semaphore_mem>>)
        %dma_wait3A_1329 = arith.constant 0 : i32
        %dma_wait3A_1330 = arith.constant 0 : i32
        %dma_wait3A_1331 = tpu.memref_slice %arg5[%run_scoped3A_761, %dma_wait3A_1329, %dma_wait3A_1330] : memref<2x4x200xi32, #tpu.memory_space<vmem>> -> memref<1x4x200xi32, #tpu.memory_space<vmem>>
        %dma_wait3A_1332 = tpu.memref_squeeze %dma_wait3A_1331 : memref<1x4x200xi32, #tpu.memory_space<vmem>> -> memref<4x200xi32, #tpu.memory_space<vmem>>
        %dma_wait3A_1333 = arith.constant 0 : i32
        %dma_wait3A_1334 = tpu.memref_slice %arg2[%add3A_668, %dma_wait3A_1333] : memref<4096x200xi32, #tpu.memory_space<hbm>> -> memref<4x200xi32, #tpu.memory_space<hbm>>
        %dma_wait3A_1335 = arith.constant 0 : i32
        %dma_wait3A_1336 = arith.constant 0 : i32
        %dma_wait3A_1337 = tpu.memref_slice %arg5[%run_scoped3A_761, %dma_wait3A_1335, %dma_wait3A_1336] : memref<2x4x200xi32, #tpu.memory_space<vmem>> -> memref<1x4x200xi32, #tpu.memory_space<vmem>>
        %dma_wait3A_1338 = tpu.memref_squeeze %dma_wait3A_1337 : memref<1x4x200xi32, #tpu.memory_space<vmem>> -> memref<4x200xi32, #tpu.memory_space<vmem>>
        %dma_wait3A_1339 = arith.constant 0 : i32
        %dma_wait3A_1340 = tpu.memref_slice %arg2[%add3A_668, %dma_wait3A_1339] : memref<4096x200xi32, #tpu.memory_space<hbm>> -> memref<4x200xi32, #tpu.memory_space<hbm>>
        tpu.wait_dma2 semaphore(%run_scoped3A_1316 : memref<!tpu.dma_semaphore, #tpu.memory_space<semaphore_mem>>) src(%dma_wait3A_1340 : memref<4x200xi32, #tpu.memory_space<hbm>>) dst(%dma_wait3A_1338 : memref<4x200xi32, #tpu.memory_space<vmem>>)
        tpu.yield
      }) : () -> ()
      %dma_start3A_762 = arith.constant 0 : i32
      %dma_start3A_763 = arith.constant 0 : i32
      %dma_start3A_764 = arith.constant 0 : i32
      %dma_start3A_765 = arith.constant 0 : i32
      %dma_start3A_766 = arith.constant 0 : i32
      %dma_start3A_767 = arith.constant 0 : i32
      %dma_start3A_768 = arith.constant 0 : i32
      %dma_start3A_769 = tpu.memref_slice %arg6[%dma_start3A_764, %dma_start3A_765, %dma_start3A_767, %dma_start3A_768] : memref<2x4x200x64xf32, #tpu.memory_space<vmem>> -> memref<1x1x200x64xf32, #tpu.memory_space<vmem>>
      %dma_start3A_770 = tpu.memref_squeeze %dma_start3A_769 : memref<1x1x200x64xf32, #tpu.memory_space<vmem>> -> memref<200x64xf32, #tpu.memory_space<vmem>>
      %dma_start3A_771 = arith.constant 0 : i32
      %dma_start3A_772 = tpu.memref_slice %arg5[%dma_start3A_762, %dma_start3A_763, %dma_start3A_771] : memref<2x4x200xi32, #tpu.memory_space<vmem>> -> memref<1x1x200xi32, #tpu.memory_space<vmem>>
      %dma_start3A_773 = tpu.memref_squeeze %dma_start3A_772 : memref<1x1x200xi32, #tpu.memory_space<vmem>> -> memref<200xi32, #tpu.memory_space<vmem>>
      %dma_start3A_774 = arith.constant 0 : i32
      %dma_start3A_775 = arith.constant 0 : i32
      %dma_start3A_776 = tpu.memref_slice %arg3[%dma_start3A_774, %dma_start3A_775] : memref<100000x64xf32, #tpu.memory_space<hbm>> -> memref<100000x64xf32, #tpu.memory_space<hbm>>
      %dma_start3A_777 = tpu.memref_slice %arg7[%dma_start3A_766] : memref<2x!tpu.dma_semaphore, #tpu.memory_space<semaphore_mem>> -> memref<1x!tpu.dma_semaphore, #tpu.memory_space<semaphore_mem>>
      %dma_start3A_778 = tpu.memref_squeeze %dma_start3A_777 : memref<1x!tpu.dma_semaphore, #tpu.memory_space<semaphore_mem>> -> memref<!tpu.dma_semaphore, #tpu.memory_space<semaphore_mem>>
      tpu.enqueue_indirect_dma source(%dma_start3A_776 : memref<100000x64xf32, #tpu.memory_space<hbm>>) target(%dma_start3A_770 : memref<200x64xf32, #tpu.memory_space<vmem>>) offsets(%dma_start3A_773 : memref<200xi32, #tpu.memory_space<vmem>>) semaphore(%dma_start3A_778 : memref<!tpu.dma_semaphore, #tpu.memory_space<semaphore_mem>>)
      %dma_start3A_779 = arith.constant 0 : i32
      %dma_start3A_780 = arith.constant 1 : i32
      %dma_start3A_781 = arith.constant 0 : i32
      %dma_start3A_782 = arith.constant 1 : i32
      %dma_start3A_783 = arith.constant 0 : i32
      %dma_start3A_784 = arith.constant 0 : i32
      %dma_start3A_785 = arith.constant 0 : i32
      %dma_start3A_786 = tpu.memref_slice %arg6[%dma_start3A_781, %dma_start3A_782, %dma_start3A_784, %dma_start3A_785] : memref<2x4x200x64xf32, #tpu.memory_space<vmem>> -> memref<1x1x200x64xf32, #tpu.memory_space<vmem>>
      %dma_start3A_787 = tpu.memref_squeeze %dma_start3A_786 : memref<1x1x200x64xf32, #tpu.memory_space<vmem>> -> memref<200x64xf32, #tpu.memory_space<vmem>>
      %dma_start3A_788 = arith.constant 0 : i32
      %dma_start3A_789 = tpu.memref_slice %arg5[%dma_start3A_779, %dma_start3A_780, %dma_start3A_788] : memref<2x4x200xi32, #tpu.memory_space<vmem>> -> memref<1x1x200xi32, #tpu.memory_space<vmem>>
      %dma_start3A_790 = tpu.memref_squeeze %dma_start3A_789 : memref<1x1x200xi32, #tpu.memory_space<vmem>> -> memref<200xi32, #tpu.memory_space<vmem>>
      %dma_start3A_791 = arith.constant 0 : i32
      %dma_start3A_792 = arith.constant 0 : i32
      %dma_start3A_793 = tpu.memref_slice %arg3[%dma_start3A_791, %dma_start3A_792] : memref<100000x64xf32, #tpu.memory_space<hbm>> -> memref<100000x64xf32, #tpu.memory_space<hbm>>
      %dma_start3A_794 = tpu.memref_slice %arg7[%dma_start3A_783] : memref<2x!tpu.dma_semaphore, #tpu.memory_space<semaphore_mem>> -> memref<1x!tpu.dma_semaphore, #tpu.memory_space<semaphore_mem>>
      %dma_start3A_795 = tpu.memref_squeeze %dma_start3A_794 : memref<1x!tpu.dma_semaphore, #tpu.memory_space<semaphore_mem>> -> memref<!tpu.dma_semaphore, #tpu.memory_space<semaphore_mem>>
      tpu.enqueue_indirect_dma source(%dma_start3A_793 : memref<100000x64xf32, #tpu.memory_space<hbm>>) target(%dma_start3A_787 : memref<200x64xf32, #tpu.memory_space<vmem>>) offsets(%dma_start3A_790 : memref<200xi32, #tpu.memory_space<vmem>>) semaphore(%dma_start3A_795 : memref<!tpu.dma_semaphore, #tpu.memory_space<semaphore_mem>>)
      %dma_start3A_796 = arith.constant 0 : i32
      %dma_start3A_797 = arith.constant 2 : i32
      %dma_start3A_798 = arith.constant 0 : i32
      %dma_start3A_799 = arith.constant 2 : i32
      %dma_start3A_800 = arith.constant 0 : i32
      %dma_start3A_801 = arith.constant 0 : i32
      %dma_start3A_802 = arith.constant 0 : i32
      %dma_start3A_803 = tpu.memref_slice %arg6[%dma_start3A_798, %dma_start3A_799, %dma_start3A_801, %dma_start3A_802] : memref<2x4x200x64xf32, #tpu.memory_space<vmem>> -> memref<1x1x200x64xf32, #tpu.memory_space<vmem>>
      %dma_start3A_804 = tpu.memref_squeeze %dma_start3A_803 : memref<1x1x200x64xf32, #tpu.memory_space<vmem>> -> memref<200x64xf32, #tpu.memory_space<vmem>>
      %dma_start3A_805 = arith.constant 0 : i32
      %dma_start3A_806 = tpu.memref_slice %arg5[%dma_start3A_796, %dma_start3A_797, %dma_start3A_805] : memref<2x4x200xi32, #tpu.memory_space<vmem>> -> memref<1x1x200xi32, #tpu.memory_space<vmem>>
      %dma_start3A_807 = tpu.memref_squeeze %dma_start3A_806 : memref<1x1x200xi32, #tpu.memory_space<vmem>> -> memref<200xi32, #tpu.memory_space<vmem>>
      %dma_start3A_808 = arith.constant 0 : i32
      %dma_start3A_809 = arith.constant 0 : i32
      %dma_start3A_810 = tpu.memref_slice %arg3[%dma_start3A_808, %dma_start3A_809] : memref<100000x64xf32, #tpu.memory_space<hbm>> -> memref<100000x64xf32, #tpu.memory_space<hbm>>
      %dma_start3A_811 = tpu.memref_slice %arg7[%dma_start3A_800] : memref<2x!tpu.dma_semaphore, #tpu.memory_space<semaphore_mem>> -> memref<1x!tpu.dma_semaphore, #tpu.memory_space<semaphore_mem>>
      %dma_start3A_812 = tpu.memref_squeeze %dma_start3A_811 : memref<1x!tpu.dma_semaphore, #tpu.memory_space<semaphore_mem>> -> memref<!tpu.dma_semaphore, #tpu.memory_space<semaphore_mem>>
      tpu.enqueue_indirect_dma source(%dma_start3A_810 : memref<100000x64xf32, #tpu.memory_space<hbm>>) target(%dma_start3A_804 : memref<200x64xf32, #tpu.memory_space<vmem>>) offsets(%dma_start3A_807 : memref<200xi32, #tpu.memory_space<vmem>>) semaphore(%dma_start3A_812 : memref<!tpu.dma_semaphore, #tpu.memory_space<semaphore_mem>>)
      %dma_start3A_813 = arith.constant 0 : i32
      %dma_start3A_814 = arith.constant 3 : i32
      %dma_start3A_815 = arith.constant 0 : i32
      %dma_start3A_816 = arith.constant 3 : i32
      %dma_start3A_817 = arith.constant 0 : i32
      %dma_start3A_818 = arith.constant 0 : i32
      %dma_start3A_819 = arith.constant 0 : i32
      %dma_start3A_820 = tpu.memref_slice %arg6[%dma_start3A_815, %dma_start3A_816, %dma_start3A_818, %dma_start3A_819] : memref<2x4x200x64xf32, #tpu.memory_space<vmem>> -> memref<1x1x200x64xf32, #tpu.memory_space<vmem>>
      %dma_start3A_821 = tpu.memref_squeeze %dma_start3A_820 : memref<1x1x200x64xf32, #tpu.memory_space<vmem>> -> memref<200x64xf32, #tpu.memory_space<vmem>>
      %dma_start3A_822 = arith.constant 0 : i32
      %dma_start3A_823 = tpu.memref_slice %arg5[%dma_start3A_813, %dma_start3A_814, %dma_start3A_822] : memref<2x4x200xi32, #tpu.memory_space<vmem>> -> memref<1x1x200xi32, #tpu.memory_space<vmem>>
      %dma_start3A_824 = tpu.memref_squeeze %dma_start3A_823 : memref<1x1x200xi32, #tpu.memory_space<vmem>> -> memref<200xi32, #tpu.memory_space<vmem>>
      %dma_start3A_825 = arith.constant 0 : i32
      %dma_start3A_826 = arith.constant 0 : i32
      %dma_start3A_827 = tpu.memref_slice %arg3[%dma_start3A_825, %dma_start3A_826] : memref<100000x64xf32, #tpu.memory_space<hbm>> -> memref<100000x64xf32, #tpu.memory_space<hbm>>
      %dma_start3A_828 = tpu.memref_slice %arg7[%dma_start3A_817] : memref<2x!tpu.dma_semaphore, #tpu.memory_space<semaphore_mem>> -> memref<1x!tpu.dma_semaphore, #tpu.memory_space<semaphore_mem>>
      %dma_start3A_829 = tpu.memref_squeeze %dma_start3A_828 : memref<1x!tpu.dma_semaphore, #tpu.memory_space<semaphore_mem>> -> memref<!tpu.dma_semaphore, #tpu.memory_space<semaphore_mem>>
      tpu.enqueue_indirect_dma source(%dma_start3A_827 : memref<100000x64xf32, #tpu.memory_space<hbm>>) target(%dma_start3A_821 : memref<200x64xf32, #tpu.memory_space<vmem>>) offsets(%dma_start3A_824 : memref<200xi32, #tpu.memory_space<vmem>>) semaphore(%dma_start3A_829 : memref<!tpu.dma_semaphore, #tpu.memory_space<semaphore_mem>>)
      %dma_wait3A_830 = arith.constant 0 : i32
      %dma_wait3A_831 = arith.constant 0 : i32
      %dma_wait3A_832 = arith.constant 0 : i32
      %dma_wait3A_833 = arith.constant 0 : i32
      %dma_wait3A_834 = arith.constant 0 : i32
      %dma_wait3A_835 = arith.constant 0 : i32
      %dma_wait3A_836 = arith.constant 0 : i32
      %dma_wait3A_837 = tpu.memref_slice %arg6[%dma_wait3A_832, %dma_wait3A_833, %dma_wait3A_835, %dma_wait3A_836] : memref<2x4x200x64xf32, #tpu.memory_space<vmem>> -> memref<1x1x200x64xf32, #tpu.memory_space<vmem>>
      %dma_wait3A_838 = tpu.memref_squeeze %dma_wait3A_837 : memref<1x1x200x64xf32, #tpu.memory_space<vmem>> -> memref<200x64xf32, #tpu.memory_space<vmem>>
      %dma_wait3A_839 = arith.constant 0 : i32
      %dma_wait3A_840 = tpu.memref_slice %arg5[%dma_wait3A_830, %dma_wait3A_831, %dma_wait3A_839] : memref<2x4x200xi32, #tpu.memory_space<vmem>> -> memref<1x1x200xi32, #tpu.memory_space<vmem>>
      %dma_wait3A_841 = tpu.memref_squeeze %dma_wait3A_840 : memref<1x1x200xi32, #tpu.memory_space<vmem>> -> memref<200xi32, #tpu.memory_space<vmem>>
      %dma_wait3A_842 = arith.constant 0 : i32
      %dma_wait3A_843 = arith.constant 0 : i32
      %dma_wait3A_844 = tpu.memref_slice %arg3[%dma_wait3A_842, %dma_wait3A_843] : memref<100000x64xf32, #tpu.memory_space<hbm>> -> memref<100000x64xf32, #tpu.memory_space<hbm>>
      %dma_wait3A_845 = tpu.memref_slice %arg7[%dma_wait3A_834] : memref<2x!tpu.dma_semaphore, #tpu.memory_space<semaphore_mem>> -> memref<1x!tpu.dma_semaphore, #tpu.memory_space<semaphore_mem>>
      %dma_wait3A_846 = tpu.memref_squeeze %dma_wait3A_845 : memref<1x!tpu.dma_semaphore, #tpu.memory_space<semaphore_mem>> -> memref<!tpu.dma_semaphore, #tpu.memory_space<semaphore_mem>>
      tpu.wait_indirect_dma semaphore(%dma_wait3A_846 : memref<!tpu.dma_semaphore, #tpu.memory_space<semaphore_mem>>) src(%dma_wait3A_844 : memref<100000x64xf32, #tpu.memory_space<hbm>>) dst(%dma_wait3A_838 : memref<200x64xf32, #tpu.memory_space<vmem>>)
      %dma_wait3A_847 = arith.constant 0 : i32
      %dma_wait3A_848 = arith.constant 1 : i32
      %dma_wait3A_849 = arith.constant 0 : i32
      %dma_wait3A_850 = arith.constant 1 : i32
      %dma_wait3A_851 = arith.constant 0 : i32
      %dma_wait3A_852 = arith.constant 0 : i32
      %dma_wait3A_853 = arith.constant 0 : i32
      %dma_wait3A_854 = tpu.memref_slice %arg6[%dma_wait3A_849, %dma_wait3A_850, %dma_wait3A_852, %dma_wait3A_853] : memref<2x4x200x64xf32, #tpu.memory_space<vmem>> -> memref<1x1x200x64xf32, #tpu.memory_space<vmem>>
      %dma_wait3A_855 = tpu.memref_squeeze %dma_wait3A_854 : memref<1x1x200x64xf32, #tpu.memory_space<vmem>> -> memref<200x64xf32, #tpu.memory_space<vmem>>
      %dma_wait3A_856 = arith.constant 0 : i32
      %dma_wait3A_857 = tpu.memref_slice %arg5[%dma_wait3A_847, %dma_wait3A_848, %dma_wait3A_856] : memref<2x4x200xi32, #tpu.memory_space<vmem>> -> memref<1x1x200xi32, #tpu.memory_space<vmem>>
      %dma_wait3A_858 = tpu.memref_squeeze %dma_wait3A_857 : memref<1x1x200xi32, #tpu.memory_space<vmem>> -> memref<200xi32, #tpu.memory_space<vmem>>
      %dma_wait3A_859 = arith.constant 0 : i32
      %dma_wait3A_860 = arith.constant 0 : i32
      %dma_wait3A_861 = tpu.memref_slice %arg3[%dma_wait3A_859, %dma_wait3A_860] : memref<100000x64xf32, #tpu.memory_space<hbm>> -> memref<100000x64xf32, #tpu.memory_space<hbm>>
      %dma_wait3A_862 = tpu.memref_slice %arg7[%dma_wait3A_851] : memref<2x!tpu.dma_semaphore, #tpu.memory_space<semaphore_mem>> -> memref<1x!tpu.dma_semaphore, #tpu.memory_space<semaphore_mem>>
      %dma_wait3A_863 = tpu.memref_squeeze %dma_wait3A_862 : memref<1x!tpu.dma_semaphore, #tpu.memory_space<semaphore_mem>> -> memref<!tpu.dma_semaphore, #tpu.memory_space<semaphore_mem>>
      tpu.wait_indirect_dma semaphore(%dma_wait3A_863 : memref<!tpu.dma_semaphore, #tpu.memory_space<semaphore_mem>>) src(%dma_wait3A_861 : memref<100000x64xf32, #tpu.memory_space<hbm>>) dst(%dma_wait3A_855 : memref<200x64xf32, #tpu.memory_space<vmem>>)
      %dma_wait3A_864 = arith.constant 0 : i32
      %dma_wait3A_865 = arith.constant 2 : i32
      %dma_wait3A_866 = arith.constant 0 : i32
      %dma_wait3A_867 = arith.constant 2 : i32
      %dma_wait3A_868 = arith.constant 0 : i32
      %dma_wait3A_869 = arith.constant 0 : i32
      %dma_wait3A_870 = arith.constant 0 : i32
      %dma_wait3A_871 = tpu.memref_slice %arg6[%dma_wait3A_866, %dma_wait3A_867, %dma_wait3A_869, %dma_wait3A_870] : memref<2x4x200x64xf32, #tpu.memory_space<vmem>> -> memref<1x1x200x64xf32, #tpu.memory_space<vmem>>
      %dma_wait3A_872 = tpu.memref_squeeze %dma_wait3A_871 : memref<1x1x200x64xf32, #tpu.memory_space<vmem>> -> memref<200x64xf32, #tpu.memory_space<vmem>>
      %dma_wait3A_873 = arith.constant 0 : i32
      %dma_wait3A_874 = tpu.memref_slice %arg5[%dma_wait3A_864, %dma_wait3A_865, %dma_wait3A_873] : memref<2x4x200xi32, #tpu.memory_space<vmem>> -> memref<1x1x200xi32, #tpu.memory_space<vmem>>
      %dma_wait3A_875 = tpu.memref_squeeze %dma_wait3A_874 : memref<1x1x200xi32, #tpu.memory_space<vmem>> -> memref<200xi32, #tpu.memory_space<vmem>>
      %dma_wait3A_876 = arith.constant 0 : i32
      %dma_wait3A_877 = arith.constant 0 : i32
      %dma_wait3A_878 = tpu.memref_slice %arg3[%dma_wait3A_876, %dma_wait3A_877] : memref<100000x64xf32, #tpu.memory_space<hbm>> -> memref<100000x64xf32, #tpu.memory_space<hbm>>
      %dma_wait3A_879 = tpu.memref_slice %arg7[%dma_wait3A_868] : memref<2x!tpu.dma_semaphore, #tpu.memory_space<semaphore_mem>> -> memref<1x!tpu.dma_semaphore, #tpu.memory_space<semaphore_mem>>
      %dma_wait3A_880 = tpu.memref_squeeze %dma_wait3A_879 : memref<1x!tpu.dma_semaphore, #tpu.memory_space<semaphore_mem>> -> memref<!tpu.dma_semaphore, #tpu.memory_space<semaphore_mem>>
      tpu.wait_indirect_dma semaphore(%dma_wait3A_880 : memref<!tpu.dma_semaphore, #tpu.memory_space<semaphore_mem>>) src(%dma_wait3A_878 : memref<100000x64xf32, #tpu.memory_space<hbm>>) dst(%dma_wait3A_872 : memref<200x64xf32, #tpu.memory_space<vmem>>)
      %dma_wait3A_881 = arith.constant 0 : i32
      %dma_wait3A_882 = arith.constant 3 : i32
      %dma_wait3A_883 = arith.constant 0 : i32
      %dma_wait3A_884 = arith.constant 3 : i32
      %dma_wait3A_885 = arith.constant 0 : i32
      %dma_wait3A_886 = arith.constant 0 : i32
      %dma_wait3A_887 = arith.constant 0 : i32
      %dma_wait3A_888 = tpu.memref_slice %arg6[%dma_wait3A_883, %dma_wait3A_884, %dma_wait3A_886, %dma_wait3A_887] : memref<2x4x200x64xf32, #tpu.memory_space<vmem>> -> memref<1x1x200x64xf32, #tpu.memory_space<vmem>>
      %dma_wait3A_889 = tpu.memref_squeeze %dma_wait3A_888 : memref<1x1x200x64xf32, #tpu.memory_space<vmem>> -> memref<200x64xf32, #tpu.memory_space<vmem>>
      %dma_wait3A_890 = arith.constant 0 : i32
      %dma_wait3A_891 = tpu.memref_slice %arg5[%dma_wait3A_881, %dma_wait3A_882, %dma_wait3A_890] : memref<2x4x200xi32, #tpu.memory_space<vmem>> -> memref<1x1x200xi32, #tpu.memory_space<vmem>>
      %dma_wait3A_892 = tpu.memref_squeeze %dma_wait3A_891 : memref<1x1x200xi32, #tpu.memory_space<vmem>> -> memref<200xi32, #tpu.memory_space<vmem>>
      %dma_wait3A_893 = arith.constant 0 : i32
      %dma_wait3A_894 = arith.constant 0 : i32
      %dma_wait3A_895 = tpu.memref_slice %arg3[%dma_wait3A_893, %dma_wait3A_894] : memref<100000x64xf32, #tpu.memory_space<hbm>> -> memref<100000x64xf32, #tpu.memory_space<hbm>>
      %dma_wait3A_896 = tpu.memref_slice %arg7[%dma_wait3A_885] : memref<2x!tpu.dma_semaphore, #tpu.memory_space<semaphore_mem>> -> memref<1x!tpu.dma_semaphore, #tpu.memory_space<semaphore_mem>>
      %dma_wait3A_897 = tpu.memref_squeeze %dma_wait3A_896 : memref<1x!tpu.dma_semaphore, #tpu.memory_space<semaphore_mem>> -> memref<!tpu.dma_semaphore, #tpu.memory_space<semaphore_mem>>
      tpu.wait_indirect_dma semaphore(%dma_wait3A_897 : memref<!tpu.dma_semaphore, #tpu.memory_space<semaphore_mem>>) src(%dma_wait3A_895 : memref<100000x64xf32, #tpu.memory_space<hbm>>) dst(%dma_wait3A_889 : memref<200x64xf32, #tpu.memory_space<vmem>>)
      %add3A_898 = arith.constant 0 : i32
      %add3A_899 = arith.addi %add3A_668, %add3A_898 : i32
      %dma_start3A_900 = arith.constant 0 : i32
      %dma_start3A_901 = arith.constant 0 : i32
      %dma_start3A_902 = arith.constant 0 : i32
      %dma_start3A_903 = arith.constant 0 : i32
      %dma_start3A_904 = arith.constant 0 : i32
      %dma_start3A_905 = tpu.memref_slice %arg6[%dma_start3A_900, %dma_start3A_901, %dma_start3A_903, %dma_start3A_904] : memref<2x4x200x64xf32, #tpu.memory_space<vmem>> -> memref<1x1x200x64xf32, #tpu.memory_space<vmem>>
      %dma_start3A_906 = tpu.memref_squeeze %dma_start3A_905 : memref<1x1x200x64xf32, #tpu.memory_space<vmem>> -> memref<200x64xf32, #tpu.memory_space<vmem>>
      %dma_start3A_907 = arith.constant 0 : i32
      %dma_start3A_908 = arith.constant 0 : i32
      %dma_start3A_909 = tpu.memref_slice %arg4[%add3A_899, %dma_start3A_907, %dma_start3A_908] : memref<4096x200x128xf32, #tpu.memory_space<hbm>> -> memref<1x200x64xf32, #tpu.memory_space<hbm>>
      %dma_start3A_910 = tpu.memref_squeeze %dma_start3A_909 : memref<1x200x64xf32, #tpu.memory_space<hbm>> -> memref<200x64xf32, #tpu.memory_space<hbm>>
      %dma_start3A_911 = tpu.memref_slice %arg8[%dma_start3A_902] : memref<2x!tpu.dma_semaphore, #tpu.memory_space<semaphore_mem>> -> memref<1x!tpu.dma_semaphore, #tpu.memory_space<semaphore_mem>>
      %dma_start3A_912 = tpu.memref_squeeze %dma_start3A_911 : memref<1x!tpu.dma_semaphore, #tpu.memory_space<semaphore_mem>> -> memref<!tpu.dma_semaphore, #tpu.memory_space<semaphore_mem>>
      %dma_start3A_913 = arith.constant 0 : i32
      %dma_start3A_914 = arith.constant 0 : i32
      %dma_start3A_915 = tpu.memref_slice %arg4[%add3A_899, %dma_start3A_913, %dma_start3A_914] : memref<4096x200x128xf32, #tpu.memory_space<hbm>> -> memref<1x200x64xf32, #tpu.memory_space<hbm>>
      %dma_start3A_916 = tpu.memref_squeeze %dma_start3A_915 : memref<1x200x64xf32, #tpu.memory_space<hbm>> -> memref<200x64xf32, #tpu.memory_space<hbm>>
      %dma_start3A_917 = arith.constant 0 : i32
      %dma_start3A_918 = arith.constant 0 : i32
      %dma_start3A_919 = tpu.memref_slice %arg6[%dma_start3A_900, %dma_start3A_901, %dma_start3A_917, %dma_start3A_918] : memref<2x4x200x64xf32, #tpu.memory_space<vmem>> -> memref<1x1x200x64xf32, #tpu.memory_space<vmem>>
      %dma_start3A_920 = tpu.memref_squeeze %dma_start3A_919 : memref<1x1x200x64xf32, #tpu.memory_space<vmem>> -> memref<200x64xf32, #tpu.memory_space<vmem>>
      tpu.enqueue_dma source(%dma_start3A_920 : memref<200x64xf32, #tpu.memory_space<vmem>>) target(%dma_start3A_916 : memref<200x64xf32, #tpu.memory_space<hbm>>) target_semaphore(%dma_start3A_912 : memref<!tpu.dma_semaphore, #tpu.memory_space<semaphore_mem>>)
      %add3A_921 = arith.constant 1 : i32
      %add3A_922 = arith.addi %add3A_668, %add3A_921 : i32
      %dma_start3A_923 = arith.constant 0 : i32
      %dma_start3A_924 = arith.constant 1 : i32
      %dma_start3A_925 = arith.constant 0 : i32
      %dma_start3A_926 = arith.constant 0 : i32
      %dma_start3A_927 = arith.constant 0 : i32
      %dma_start3A_928 = tpu.memref_slice %arg6[%dma_start3A_923, %dma_start3A_924, %dma_start3A_926, %dma_start3A_927] : memref<2x4x200x64xf32, #tpu.memory_space<vmem>> -> memref<1x1x200x64xf32, #tpu.memory_space<vmem>>
      %dma_start3A_929 = tpu.memref_squeeze %dma_start3A_928 : memref<1x1x200x64xf32, #tpu.memory_space<vmem>> -> memref<200x64xf32, #tpu.memory_space<vmem>>
      %dma_start3A_930 = arith.constant 0 : i32
      %dma_start3A_931 = arith.constant 0 : i32
      %dma_start3A_932 = tpu.memref_slice %arg4[%add3A_922, %dma_start3A_930, %dma_start3A_931] : memref<4096x200x128xf32, #tpu.memory_space<hbm>> -> memref<1x200x64xf32, #tpu.memory_space<hbm>>
      %dma_start3A_933 = tpu.memref_squeeze %dma_start3A_932 : memref<1x200x64xf32, #tpu.memory_space<hbm>> -> memref<200x64xf32, #tpu.memory_space<hbm>>
      %dma_start3A_934 = tpu.memref_slice %arg8[%dma_start3A_925] : memref<2x!tpu.dma_semaphore, #tpu.memory_space<semaphore_mem>> -> memref<1x!tpu.dma_semaphore, #tpu.memory_space<semaphore_mem>>
      %dma_start3A_935 = tpu.memref_squeeze %dma_start3A_934 : memref<1x!tpu.dma_semaphore, #tpu.memory_space<semaphore_mem>> -> memref<!tpu.dma_semaphore, #tpu.memory_space<semaphore_mem>>
      %dma_start3A_936 = arith.constant 0 : i32
      %dma_start3A_937 = arith.constant 0 : i32
      %dma_start3A_938 = tpu.memref_slice %arg4[%add3A_922, %dma_start3A_936, %dma_start3A_937] : memref<4096x200x128xf32, #tpu.memory_space<hbm>> -> memref<1x200x64xf32, #tpu.memory_space<hbm>>
      %dma_start3A_939 = tpu.memref_squeeze %dma_start3A_938 : memref<1x200x64xf32, #tpu.memory_space<hbm>> -> memref<200x64xf32, #tpu.memory_space<hbm>>
      %dma_start3A_940 = arith.constant 0 : i32
      %dma_start3A_941 = arith.constant 0 : i32
      %dma_start3A_942 = tpu.memref_slice %arg6[%dma_start3A_923, %dma_start3A_924, %dma_start3A_940, %dma_start3A_941] : memref<2x4x200x64xf32, #tpu.memory_space<vmem>> -> memref<1x1x200x64xf32, #tpu.memory_space<vmem>>
      %dma_start3A_943 = tpu.memref_squeeze %dma_start3A_942 : memref<1x1x200x64xf32, #tpu.memory_space<vmem>> -> memref<200x64xf32, #tpu.memory_space<vmem>>
      tpu.enqueue_dma source(%dma_start3A_943 : memref<200x64xf32, #tpu.memory_space<vmem>>) target(%dma_start3A_939 : memref<200x64xf32, #tpu.memory_space<hbm>>) target_semaphore(%dma_start3A_935 : memref<!tpu.dma_semaphore, #tpu.memory_space<semaphore_mem>>)
      %add3A_944 = arith.constant 2 : i32
      %add3A_945 = arith.addi %add3A_668, %add3A_944 : i32
      %dma_start3A_946 = arith.constant 0 : i32
      %dma_start3A_947 = arith.constant 2 : i32
      %dma_start3A_948 = arith.constant 0 : i32
      %dma_start3A_949 = arith.constant 0 : i32
      %dma_start3A_950 = arith.constant 0 : i32
      %dma_start3A_951 = tpu.memref_slice %arg6[%dma_start3A_946, %dma_start3A_947, %dma_start3A_949, %dma_start3A_950] : memref<2x4x200x64xf32, #tpu.memory_space<vmem>> -> memref<1x1x200x64xf32, #tpu.memory_space<vmem>>
      %dma_start3A_952 = tpu.memref_squeeze %dma_start3A_951 : memref<1x1x200x64xf32, #tpu.memory_space<vmem>> -> memref<200x64xf32, #tpu.memory_space<vmem>>
      %dma_start3A_953 = arith.constant 0 : i32
      %dma_start3A_954 = arith.constant 0 : i32
      %dma_start3A_955 = tpu.memref_slice %arg4[%add3A_945, %dma_start3A_953, %dma_start3A_954] : memref<4096x200x128xf32, #tpu.memory_space<hbm>> -> memref<1x200x64xf32, #tpu.memory_space<hbm>>
      %dma_start3A_956 = tpu.memref_squeeze %dma_start3A_955 : memref<1x200x64xf32, #tpu.memory_space<hbm>> -> memref<200x64xf32, #tpu.memory_space<hbm>>
      %dma_start3A_957 = tpu.memref_slice %arg8[%dma_start3A_948] : memref<2x!tpu.dma_semaphore, #tpu.memory_space<semaphore_mem>> -> memref<1x!tpu.dma_semaphore, #tpu.memory_space<semaphore_mem>>
      %dma_start3A_958 = tpu.memref_squeeze %dma_start3A_957 : memref<1x!tpu.dma_semaphore, #tpu.memory_space<semaphore_mem>> -> memref<!tpu.dma_semaphore, #tpu.memory_space<semaphore_mem>>
      %dma_start3A_959 = arith.constant 0 : i32
      %dma_start3A_960 = arith.constant 0 : i32
      %dma_start3A_961 = tpu.memref_slice %arg4[%add3A_945, %dma_start3A_959, %dma_start3A_960] : memref<4096x200x128xf32, #tpu.memory_space<hbm>> -> memref<1x200x64xf32, #tpu.memory_space<hbm>>
      %dma_start3A_962 = tpu.memref_squeeze %dma_start3A_961 : memref<1x200x64xf32, #tpu.memory_space<hbm>> -> memref<200x64xf32, #tpu.memory_space<hbm>>
      %dma_start3A_963 = arith.constant 0 : i32
      %dma_start3A_964 = arith.constant 0 : i32
      %dma_start3A_965 = tpu.memref_slice %arg6[%dma_start3A_946, %dma_start3A_947, %dma_start3A_963, %dma_start3A_964] : memref<2x4x200x64xf32, #tpu.memory_space<vmem>> -> memref<1x1x200x64xf32, #tpu.memory_space<vmem>>
      %dma_start3A_966 = tpu.memref_squeeze %dma_start3A_965 : memref<1x1x200x64xf32, #tpu.memory_space<vmem>> -> memref<200x64xf32, #tpu.memory_space<vmem>>
      tpu.enqueue_dma source(%dma_start3A_966 : memref<200x64xf32, #tpu.memory_space<vmem>>) target(%dma_start3A_962 : memref<200x64xf32, #tpu.memory_space<hbm>>) target_semaphore(%dma_start3A_958 : memref<!tpu.dma_semaphore, #tpu.memory_space<semaphore_mem>>)
      %add3A_967 = arith.constant 3 : i32
      %add3A_968 = arith.addi %add3A_668, %add3A_967 : i32
      %dma_start3A_969 = arith.constant 0 : i32
      %dma_start3A_970 = arith.constant 3 : i32
      %dma_start3A_971 = arith.constant 0 : i32
      %dma_start3A_972 = arith.constant 0 : i32
      %dma_start3A_973 = arith.constant 0 : i32
      %dma_start3A_974 = tpu.memref_slice %arg6[%dma_start3A_969, %dma_start3A_970, %dma_start3A_972, %dma_start3A_973] : memref<2x4x200x64xf32, #tpu.memory_space<vmem>> -> memref<1x1x200x64xf32, #tpu.memory_space<vmem>>
      %dma_start3A_975 = tpu.memref_squeeze %dma_start3A_974 : memref<1x1x200x64xf32, #tpu.memory_space<vmem>> -> memref<200x64xf32, #tpu.memory_space<vmem>>
      %dma_start3A_976 = arith.constant 0 : i32
      %dma_start3A_977 = arith.constant 0 : i32
      %dma_start3A_978 = tpu.memref_slice %arg4[%add3A_968, %dma_start3A_976, %dma_start3A_977] : memref<4096x200x128xf32, #tpu.memory_space<hbm>> -> memref<1x200x64xf32, #tpu.memory_space<hbm>>
      %dma_start3A_979 = tpu.memref_squeeze %dma_start3A_978 : memref<1x200x64xf32, #tpu.memory_space<hbm>> -> memref<200x64xf32, #tpu.memory_space<hbm>>
      %dma_start3A_980 = tpu.memref_slice %arg8[%dma_start3A_971] : memref<2x!tpu.dma_semaphore, #tpu.memory_space<semaphore_mem>> -> memref<1x!tpu.dma_semaphore, #tpu.memory_space<semaphore_mem>>
      %dma_start3A_981 = tpu.memref_squeeze %dma_start3A_980 : memref<1x!tpu.dma_semaphore, #tpu.memory_space<semaphore_mem>> -> memref<!tpu.dma_semaphore, #tpu.memory_space<semaphore_mem>>
      %dma_start3A_982 = arith.constant 0 : i32
      %dma_start3A_983 = arith.constant 0 : i32
      %dma_start3A_984 = tpu.memref_slice %arg4[%add3A_968, %dma_start3A_982, %dma_start3A_983] : memref<4096x200x128xf32, #tpu.memory_space<hbm>> -> memref<1x200x64xf32, #tpu.memory_space<hbm>>
      %dma_start3A_985 = tpu.memref_squeeze %dma_start3A_984 : memref<1x200x64xf32, #tpu.memory_space<hbm>> -> memref<200x64xf32, #tpu.memory_space<hbm>>
      %dma_start3A_986 = arith.constant 0 : i32
      %dma_start3A_987 = arith.constant 0 : i32
      %dma_start3A_988 = tpu.memref_slice %arg6[%dma_start3A_969, %dma_start3A_970, %dma_start3A_986, %dma_start3A_987] : memref<2x4x200x64xf32, #tpu.memory_space<vmem>> -> memref<1x1x200x64xf32, #tpu.memory_space<vmem>>
      %dma_start3A_989 = tpu.memref_squeeze %dma_start3A_988 : memref<1x1x200x64xf32, #tpu.memory_space<vmem>> -> memref<200x64xf32, #tpu.memory_space<vmem>>
      tpu.enqueue_dma source(%dma_start3A_989 : memref<200x64xf32, #tpu.memory_space<vmem>>) target(%dma_start3A_985 : memref<200x64xf32, #tpu.memory_space<hbm>>) target_semaphore(%dma_start3A_981 : memref<!tpu.dma_semaphore, #tpu.memory_space<semaphore_mem>>)
      %add3A_990 = arith.constant 1 : i32
      %add3A_991 = arith.addi %add3A_663, %add3A_990 : i32
      %mul3A_992 = arith.constant 4 : i32
      %mul3A_993 = arith.muli %add3A_991, %mul3A_992 : i32
      %add3A_994 = arith.addi %mul3A_2, %mul3A_993 : i32
      %add3A_995 = arith.constant 0 : i32
      %add3A_996 = arith.addi %add3A_994, %add3A_995 : i32
      %dma_wait3A_997 = arith.constant 1 : i32
      %dma_wait3A_998 = arith.constant 0 : i32
      %dma_wait3A_999 = arith.constant 1 : i32
      %dma_wait3A_1000 = arith.constant 0 : i32
      %dma_wait3A_1001 = arith.constant 0 : i32
      %dma_wait3A_1002 = tpu.memref_slice %arg6[%dma_wait3A_997, %dma_wait3A_998, %dma_wait3A_1000, %dma_wait3A_1001] : memref<2x4x200x64xf32, #tpu.memory_space<vmem>> -> memref<1x1x200x64xf32, #tpu.memory_space<vmem>>
      %dma_wait3A_1003 = tpu.memref_squeeze %dma_wait3A_1002 : memref<1x1x200x64xf32, #tpu.memory_space<vmem>> -> memref<200x64xf32, #tpu.memory_space<vmem>>
      %dma_wait3A_1004 = arith.constant 0 : i32
      %dma_wait3A_1005 = arith.constant 0 : i32
      %dma_wait3A_1006 = tpu.memref_slice %arg4[%add3A_996, %dma_wait3A_1004, %dma_wait3A_1005] : memref<4096x200x128xf32, #tpu.memory_space<hbm>> -> memref<1x200x64xf32, #tpu.memory_space<hbm>>
      %dma_wait3A_1007 = tpu.memref_squeeze %dma_wait3A_1006 : memref<1x200x64xf32, #tpu.memory_space<hbm>> -> memref<200x64xf32, #tpu.memory_space<hbm>>
      %dma_wait3A_1008 = tpu.memref_slice %arg8[%dma_wait3A_999] : memref<2x!tpu.dma_semaphore, #tpu.memory_space<semaphore_mem>> -> memref<1x!tpu.dma_semaphore, #tpu.memory_space<semaphore_mem>>
      %dma_wait3A_1009 = tpu.memref_squeeze %dma_wait3A_1008 : memref<1x!tpu.dma_semaphore, #tpu.memory_space<semaphore_mem>> -> memref<!tpu.dma_semaphore, #tpu.memory_space<semaphore_mem>>
      %dma_wait3A_1010 = arith.constant 0 : i32
      %dma_wait3A_1011 = arith.constant 0 : i32
      %dma_wait3A_1012 = tpu.memref_slice %arg4[%add3A_996, %dma_wait3A_1010, %dma_wait3A_1011] : memref<4096x200x128xf32, #tpu.memory_space<hbm>> -> memref<1x200x64xf32, #tpu.memory_space<hbm>>
      %dma_wait3A_1013 = tpu.memref_squeeze %dma_wait3A_1012 : memref<1x200x64xf32, #tpu.memory_space<hbm>> -> memref<200x64xf32, #tpu.memory_space<hbm>>
      %dma_wait3A_1014 = arith.constant 0 : i32
      %dma_wait3A_1015 = arith.constant 0 : i32
      %dma_wait3A_1016 = tpu.memref_slice %arg6[%dma_wait3A_997, %dma_wait3A_998, %dma_wait3A_1014, %dma_wait3A_1015] : memref<2x4x200x64xf32, #tpu.memory_space<vmem>> -> memref<1x1x200x64xf32, #tpu.memory_space<vmem>>
      %dma_wait3A_1017 = tpu.memref_squeeze %dma_wait3A_1016 : memref<1x1x200x64xf32, #tpu.memory_space<vmem>> -> memref<200x64xf32, #tpu.memory_space<vmem>>
      tpu.wait_dma2 semaphore(%dma_wait3A_1009 : memref<!tpu.dma_semaphore, #tpu.memory_space<semaphore_mem>>) src(%dma_wait3A_1017 : memref<200x64xf32, #tpu.memory_space<vmem>>) dst(%dma_wait3A_1013 : memref<200x64xf32, #tpu.memory_space<hbm>>)
      %add3A_1018 = arith.constant 1 : i32
      %add3A_1019 = arith.addi %add3A_994, %add3A_1018 : i32
      %dma_wait3A_1020 = arith.constant 1 : i32
      %dma_wait3A_1021 = arith.constant 1 : i32
      %dma_wait3A_1022 = arith.constant 1 : i32
      %dma_wait3A_1023 = arith.constant 0 : i32
      %dma_wait3A_1024 = arith.constant 0 : i32
      %dma_wait3A_1025 = tpu.memref_slice %arg6[%dma_wait3A_1020, %dma_wait3A_1021, %dma_wait3A_1023, %dma_wait3A_1024] : memref<2x4x200x64xf32, #tpu.memory_space<vmem>> -> memref<1x1x200x64xf32, #tpu.memory_space<vmem>>
      %dma_wait3A_1026 = tpu.memref_squeeze %dma_wait3A_1025 : memref<1x1x200x64xf32, #tpu.memory_space<vmem>> -> memref<200x64xf32, #tpu.memory_space<vmem>>
      %dma_wait3A_1027 = arith.constant 0 : i32
      %dma_wait3A_1028 = arith.constant 0 : i32
      %dma_wait3A_1029 = tpu.memref_slice %arg4[%add3A_1019, %dma_wait3A_1027, %dma_wait3A_1028] : memref<4096x200x128xf32, #tpu.memory_space<hbm>> -> memref<1x200x64xf32, #tpu.memory_space<hbm>>
      %dma_wait3A_1030 = tpu.memref_squeeze %dma_wait3A_1029 : memref<1x200x64xf32, #tpu.memory_space<hbm>> -> memref<200x64xf32, #tpu.memory_space<hbm>>
      %dma_wait3A_1031 = tpu.memref_slice %arg8[%dma_wait3A_1022] : memref<2x!tpu.dma_semaphore, #tpu.memory_space<semaphore_mem>> -> memref<1x!tpu.dma_semaphore, #tpu.memory_space<semaphore_mem>>
      %dma_wait3A_1032 = tpu.memref_squeeze %dma_wait3A_1031 : memref<1x!tpu.dma_semaphore, #tpu.memory_space<semaphore_mem>> -> memref<!tpu.dma_semaphore, #tpu.memory_space<semaphore_mem>>
      %dma_wait3A_1033 = arith.constant 0 : i32
      %dma_wait3A_1034 = arith.constant 0 : i32
      %dma_wait3A_1035 = tpu.memref_slice %arg4[%add3A_1019, %dma_wait3A_1033, %dma_wait3A_1034] : memref<4096x200x128xf32, #tpu.memory_space<hbm>> -> memref<1x200x64xf32, #tpu.memory_space<hbm>>
      %dma_wait3A_1036 = tpu.memref_squeeze %dma_wait3A_1035 : memref<1x200x64xf32, #tpu.memory_space<hbm>> -> memref<200x64xf32, #tpu.memory_space<hbm>>
      %dma_wait3A_1037 = arith.constant 0 : i32
      %dma_wait3A_1038 = arith.constant 0 : i32
      %dma_wait3A_1039 = tpu.memref_slice %arg6[%dma_wait3A_1020, %dma_wait3A_1021, %dma_wait3A_1037, %dma_wait3A_1038] : memref<2x4x200x64xf32, #tpu.memory_space<vmem>> -> memref<1x1x200x64xf32, #tpu.memory_space<vmem>>
      %dma_wait3A_1040 = tpu.memref_squeeze %dma_wait3A_1039 : memref<1x1x200x64xf32, #tpu.memory_space<vmem>> -> memref<200x64xf32, #tpu.memory_space<vmem>>
      tpu.wait_dma2 semaphore(%dma_wait3A_1032 : memref<!tpu.dma_semaphore, #tpu.memory_space<semaphore_mem>>) src(%dma_wait3A_1040 : memref<200x64xf32, #tpu.memory_space<vmem>>) dst(%dma_wait3A_1036 : memref<200x64xf32, #tpu.memory_space<hbm>>)
      %add3A_1041 = arith.constant 2 : i32
      %add3A_1042 = arith.addi %add3A_994, %add3A_1041 : i32
      %dma_wait3A_1043 = arith.constant 1 : i32
      %dma_wait3A_1044 = arith.constant 2 : i32
      %dma_wait3A_1045 = arith.constant 1 : i32
      %dma_wait3A_1046 = arith.constant 0 : i32
      %dma_wait3A_1047 = arith.constant 0 : i32
      %dma_wait3A_1048 = tpu.memref_slice %arg6[%dma_wait3A_1043, %dma_wait3A_1044, %dma_wait3A_1046, %dma_wait3A_1047] : memref<2x4x200x64xf32, #tpu.memory_space<vmem>> -> memref<1x1x200x64xf32, #tpu.memory_space<vmem>>
      %dma_wait3A_1049 = tpu.memref_squeeze %dma_wait3A_1048 : memref<1x1x200x64xf32, #tpu.memory_space<vmem>> -> memref<200x64xf32, #tpu.memory_space<vmem>>
      %dma_wait3A_1050 = arith.constant 0 : i32
      %dma_wait3A_1051 = arith.constant 0 : i32
      %dma_wait3A_1052 = tpu.memref_slice %arg4[%add3A_1042, %dma_wait3A_1050, %dma_wait3A_1051] : memref<4096x200x128xf32, #tpu.memory_space<hbm>> -> memref<1x200x64xf32, #tpu.memory_space<hbm>>
      %dma_wait3A_1053 = tpu.memref_squeeze %dma_wait3A_1052 : memref<1x200x64xf32, #tpu.memory_space<hbm>> -> memref<200x64xf32, #tpu.memory_space<hbm>>
      %dma_wait3A_1054 = tpu.memref_slice %arg8[%dma_wait3A_1045] : memref<2x!tpu.dma_semaphore, #tpu.memory_space<semaphore_mem>> -> memref<1x!tpu.dma_semaphore, #tpu.memory_space<semaphore_mem>>
      %dma_wait3A_1055 = tpu.memref_squeeze %dma_wait3A_1054 : memref<1x!tpu.dma_semaphore, #tpu.memory_space<semaphore_mem>> -> memref<!tpu.dma_semaphore, #tpu.memory_space<semaphore_mem>>
      %dma_wait3A_1056 = arith.constant 0 : i32
      %dma_wait3A_1057 = arith.constant 0 : i32
      %dma_wait3A_1058 = tpu.memref_slice %arg4[%add3A_1042, %dma_wait3A_1056, %dma_wait3A_1057] : memref<4096x200x128xf32, #tpu.memory_space<hbm>> -> memref<1x200x64xf32, #tpu.memory_space<hbm>>
      %dma_wait3A_1059 = tpu.memref_squeeze %dma_wait3A_1058 : memref<1x200x64xf32, #tpu.memory_space<hbm>> -> memref<200x64xf32, #tpu.memory_space<hbm>>
      %dma_wait3A_1060 = arith.constant 0 : i32
      %dma_wait3A_1061 = arith.constant 0 : i32
      %dma_wait3A_1062 = tpu.memref_slice %arg6[%dma_wait3A_1043, %dma_wait3A_1044, %dma_wait3A_1060, %dma_wait3A_1061] : memref<2x4x200x64xf32, #tpu.memory_space<vmem>> -> memref<1x1x200x64xf32, #tpu.memory_space<vmem>>
      %dma_wait3A_1063 = tpu.memref_squeeze %dma_wait3A_1062 : memref<1x1x200x64xf32, #tpu.memory_space<vmem>> -> memref<200x64xf32, #tpu.memory_space<vmem>>
      tpu.wait_dma2 semaphore(%dma_wait3A_1055 : memref<!tpu.dma_semaphore, #tpu.memory_space<semaphore_mem>>) src(%dma_wait3A_1063 : memref<200x64xf32, #tpu.memory_space<vmem>>) dst(%dma_wait3A_1059 : memref<200x64xf32, #tpu.memory_space<hbm>>)
      %add3A_1064 = arith.constant 3 : i32
      %add3A_1065 = arith.addi %add3A_994, %add3A_1064 : i32
      %dma_wait3A_1066 = arith.constant 1 : i32
      %dma_wait3A_1067 = arith.constant 3 : i32
      %dma_wait3A_1068 = arith.constant 1 : i32
      %dma_wait3A_1069 = arith.constant 0 : i32
      %dma_wait3A_1070 = arith.constant 0 : i32
      %dma_wait3A_1071 = tpu.memref_slice %arg6[%dma_wait3A_1066, %dma_wait3A_1067, %dma_wait3A_1069, %dma_wait3A_1070] : memref<2x4x200x64xf32, #tpu.memory_space<vmem>> -> memref<1x1x200x64xf32, #tpu.memory_space<vmem>>
      %dma_wait3A_1072 = tpu.memref_squeeze %dma_wait3A_1071 : memref<1x1x200x64xf32, #tpu.memory_space<vmem>> -> memref<200x64xf32, #tpu.memory_space<vmem>>
      %dma_wait3A_1073 = arith.constant 0 : i32
      %dma_wait3A_1074 = arith.constant 0 : i32
      %dma_wait3A_1075 = tpu.memref_slice %arg4[%add3A_1065, %dma_wait3A_1073, %dma_wait3A_1074] : memref<4096x200x128xf32, #tpu.memory_space<hbm>> -> memref<1x200x64xf32, #tpu.memory_space<hbm>>
      %dma_wait3A_1076 = tpu.memref_squeeze %dma_wait3A_1075 : memref<1x200x64xf32, #tpu.memory_space<hbm>> -> memref<200x64xf32, #tpu.memory_space<hbm>>
      %dma_wait3A_1077 = tpu.memref_slice %arg8[%dma_wait3A_1068] : memref<2x!tpu.dma_semaphore, #tpu.memory_space<semaphore_mem>> -> memref<1x!tpu.dma_semaphore, #tpu.memory_space<semaphore_mem>>
      %dma_wait3A_1078 = tpu.memref_squeeze %dma_wait3A_1077 : memref<1x!tpu.dma_semaphore, #tpu.memory_space<semaphore_mem>> -> memref<!tpu.dma_semaphore, #tpu.memory_space<semaphore_mem>>
      %dma_wait3A_1079 = arith.constant 0 : i32
      %dma_wait3A_1080 = arith.constant 0 : i32
      %dma_wait3A_1081 = tpu.memref_slice %arg4[%add3A_1065, %dma_wait3A_1079, %dma_wait3A_1080] : memref<4096x200x128xf32, #tpu.memory_space<hbm>> -> memref<1x200x64xf32, #tpu.memory_space<hbm>>
      %dma_wait3A_1082 = tpu.memref_squeeze %dma_wait3A_1081 : memref<1x200x64xf32, #tpu.memory_space<hbm>> -> memref<200x64xf32, #tpu.memory_space<hbm>>
      %dma_wait3A_1083 = arith.constant 0 : i32
      %dma_wait3A_1084 = arith.constant 0 : i32
      %dma_wait3A_1085 = tpu.memref_slice %arg6[%dma_wait3A_1066, %dma_wait3A_1067, %dma_wait3A_1083, %dma_wait3A_1084] : memref<2x4x200x64xf32, #tpu.memory_space<vmem>> -> memref<1x1x200x64xf32, #tpu.memory_space<vmem>>
      %dma_wait3A_1086 = tpu.memref_squeeze %dma_wait3A_1085 : memref<1x1x200x64xf32, #tpu.memory_space<vmem>> -> memref<200x64xf32, #tpu.memory_space<vmem>>
      tpu.wait_dma2 semaphore(%dma_wait3A_1078 : memref<!tpu.dma_semaphore, #tpu.memory_space<semaphore_mem>>) src(%dma_wait3A_1086 : memref<200x64xf32, #tpu.memory_space<vmem>>) dst(%dma_wait3A_1082 : memref<200x64xf32, #tpu.memory_space<hbm>>)
      %run_scoped3A_1087 = arith.constant 1 : i32
      "tpu.region"() ({
        %run_scoped3A_1316 = tpu.sem_alloc : memref<!tpu.dma_semaphore, #tpu.memory_space<semaphore_mem>>
        %dma_start3A_1317 = arith.constant 0 : i32
        %dma_start3A_1318 = arith.constant 0 : i32
        %dma_start3A_1319 = tpu.memref_slice %arg5[%run_scoped3A_1087, %dma_start3A_1317, %dma_start3A_1318] : memref<2x4x200xi32, #tpu.memory_space<vmem>> -> memref<1x4x200xi32, #tpu.memory_space<vmem>>
        %dma_start3A_1320 = tpu.memref_squeeze %dma_start3A_1319 : memref<1x4x200xi32, #tpu.memory_space<vmem>> -> memref<4x200xi32, #tpu.memory_space<vmem>>
        %dma_start3A_1321 = arith.constant 0 : i32
        %dma_start3A_1322 = tpu.memref_slice %arg2[%add3A_994, %dma_start3A_1321] : memref<4096x200xi32, #tpu.memory_space<hbm>> -> memref<4x200xi32, #tpu.memory_space<hbm>>
        %dma_start3A_1323 = arith.constant 0 : i32
        %dma_start3A_1324 = arith.constant 0 : i32
        %dma_start3A_1325 = tpu.memref_slice %arg5[%run_scoped3A_1087, %dma_start3A_1323, %dma_start3A_1324] : memref<2x4x200xi32, #tpu.memory_space<vmem>> -> memref<1x4x200xi32, #tpu.memory_space<vmem>>
        %dma_start3A_1326 = tpu.memref_squeeze %dma_start3A_1325 : memref<1x4x200xi32, #tpu.memory_space<vmem>> -> memref<4x200xi32, #tpu.memory_space<vmem>>
        %dma_start3A_1327 = arith.constant 0 : i32
        %dma_start3A_1328 = tpu.memref_slice %arg2[%add3A_994, %dma_start3A_1327] : memref<4096x200xi32, #tpu.memory_space<hbm>> -> memref<4x200xi32, #tpu.memory_space<hbm>>
        tpu.enqueue_dma source(%dma_start3A_1328 : memref<4x200xi32, #tpu.memory_space<hbm>>) target(%dma_start3A_1326 : memref<4x200xi32, #tpu.memory_space<vmem>>) target_semaphore(%run_scoped3A_1316 : memref<!tpu.dma_semaphore, #tpu.memory_space<semaphore_mem>>)
        %dma_wait3A_1329 = arith.constant 0 : i32
        %dma_wait3A_1330 = arith.constant 0 : i32
        %dma_wait3A_1331 = tpu.memref_slice %arg5[%run_scoped3A_1087, %dma_wait3A_1329, %dma_wait3A_1330] : memref<2x4x200xi32, #tpu.memory_space<vmem>> -> memref<1x4x200xi32, #tpu.memory_space<vmem>>
        %dma_wait3A_1332 = tpu.memref_squeeze %dma_wait3A_1331 : memref<1x4x200xi32, #tpu.memory_space<vmem>> -> memref<4x200xi32, #tpu.memory_space<vmem>>
        %dma_wait3A_1333 = arith.constant 0 : i32
        %dma_wait3A_1334 = tpu.memref_slice %arg2[%add3A_994, %dma_wait3A_1333] : memref<4096x200xi32, #tpu.memory_space<hbm>> -> memref<4x200xi32, #tpu.memory_space<hbm>>
        %dma_wait3A_1335 = arith.constant 0 : i32
        %dma_wait3A_1336 = arith.constant 0 : i32
        %dma_wait3A_1337 = tpu.memref_slice %arg5[%run_scoped3A_1087, %dma_wait3A_1335, %dma_wait3A_1336] : memref<2x4x200xi32, #tpu.memory_space<vmem>> -> memref<1x4x200xi32, #tpu.memory_space<vmem>>
        %dma_wait3A_1338 = tpu.memref_squeeze %dma_wait3A_1337 : memref<1x4x200xi32, #tpu.memory_space<vmem>> -> memref<4x200xi32, #tpu.memory_space<vmem>>
        %dma_wait3A_1339 = arith.constant 0 : i32
        %dma_wait3A_1340 = tpu.memref_slice %arg2[%add3A_994, %dma_wait3A_1339] : memref<4096x200xi32, #tpu.memory_space<hbm>> -> memref<4x200xi32, #tpu.memory_space<hbm>>
        tpu.wait_dma2 semaphore(%run_scoped3A_1316 : memref<!tpu.dma_semaphore, #tpu.memory_space<semaphore_mem>>) src(%dma_wait3A_1340 : memref<4x200xi32, #tpu.memory_space<hbm>>) dst(%dma_wait3A_1338 : memref<4x200xi32, #tpu.memory_space<vmem>>)
        tpu.yield
      }) : () -> ()
      %dma_start3A_1088 = arith.constant 1 : i32
      %dma_start3A_1089 = arith.constant 0 : i32
      %dma_start3A_1090 = arith.constant 1 : i32
      %dma_start3A_1091 = arith.constant 0 : i32
      %dma_start3A_1092 = arith.constant 1 : i32
      %dma_start3A_1093 = arith.constant 0 : i32
      %dma_start3A_1094 = arith.constant 0 : i32
      %dma_start3A_1095 = tpu.memref_slice %arg6[%dma_start3A_1090, %dma_start3A_1091, %dma_start3A_1093, %dma_start3A_1094] : memref<2x4x200x64xf32, #tpu.memory_space<vmem>> -> memref<1x1x200x64xf32, #tpu.memory_space<vmem>>
      %dma_start3A_1096 = tpu.memref_squeeze %dma_start3A_1095 : memref<1x1x200x64xf32, #tpu.memory_space<vmem>> -> memref<200x64xf32, #tpu.memory_space<vmem>>
      %dma_start3A_1097 = arith.constant 0 : i32
      %dma_start3A_1098 = tpu.memref_slice %arg5[%dma_start3A_1088, %dma_start3A_1089, %dma_start3A_1097] : memref<2x4x200xi32, #tpu.memory_space<vmem>> -> memref<1x1x200xi32, #tpu.memory_space<vmem>>
      %dma_start3A_1099 = tpu.memref_squeeze %dma_start3A_1098 : memref<1x1x200xi32, #tpu.memory_space<vmem>> -> memref<200xi32, #tpu.memory_space<vmem>>
      %dma_start3A_1100 = arith.constant 0 : i32
      %dma_start3A_1101 = arith.constant 0 : i32
      %dma_start3A_1102 = tpu.memref_slice %arg3[%dma_start3A_1100, %dma_start3A_1101] : memref<100000x64xf32, #tpu.memory_space<hbm>> -> memref<100000x64xf32, #tpu.memory_space<hbm>>
      %dma_start3A_1103 = tpu.memref_slice %arg7[%dma_start3A_1092] : memref<2x!tpu.dma_semaphore, #tpu.memory_space<semaphore_mem>> -> memref<1x!tpu.dma_semaphore, #tpu.memory_space<semaphore_mem>>
      %dma_start3A_1104 = tpu.memref_squeeze %dma_start3A_1103 : memref<1x!tpu.dma_semaphore, #tpu.memory_space<semaphore_mem>> -> memref<!tpu.dma_semaphore, #tpu.memory_space<semaphore_mem>>
      tpu.enqueue_indirect_dma source(%dma_start3A_1102 : memref<100000x64xf32, #tpu.memory_space<hbm>>) target(%dma_start3A_1096 : memref<200x64xf32, #tpu.memory_space<vmem>>) offsets(%dma_start3A_1099 : memref<200xi32, #tpu.memory_space<vmem>>) semaphore(%dma_start3A_1104 : memref<!tpu.dma_semaphore, #tpu.memory_space<semaphore_mem>>)
      %dma_start3A_1105 = arith.constant 1 : i32
      %dma_start3A_1106 = arith.constant 1 : i32
      %dma_start3A_1107 = arith.constant 1 : i32
      %dma_start3A_1108 = arith.constant 1 : i32
      %dma_start3A_1109 = arith.constant 1 : i32
      %dma_start3A_1110 = arith.constant 0 : i32
      %dma_start3A_1111 = arith.constant 0 : i32
      %dma_start3A_1112 = tpu.memref_slice %arg6[%dma_start3A_1107, %dma_start3A_1108, %dma_start3A_1110, %dma_start3A_1111] : memref<2x4x200x64xf32, #tpu.memory_space<vmem>> -> memref<1x1x200x64xf32, #tpu.memory_space<vmem>>
      %dma_start3A_1113 = tpu.memref_squeeze %dma_start3A_1112 : memref<1x1x200x64xf32, #tpu.memory_space<vmem>> -> memref<200x64xf32, #tpu.memory_space<vmem>>
      %dma_start3A_1114 = arith.constant 0 : i32
      %dma_start3A_1115 = tpu.memref_slice %arg5[%dma_start3A_1105, %dma_start3A_1106, %dma_start3A_1114] : memref<2x4x200xi32, #tpu.memory_space<vmem>> -> memref<1x1x200xi32, #tpu.memory_space<vmem>>
      %dma_start3A_1116 = tpu.memref_squeeze %dma_start3A_1115 : memref<1x1x200xi32, #tpu.memory_space<vmem>> -> memref<200xi32, #tpu.memory_space<vmem>>
      %dma_start3A_1117 = arith.constant 0 : i32
      %dma_start3A_1118 = arith.constant 0 : i32
      %dma_start3A_1119 = tpu.memref_slice %arg3[%dma_start3A_1117, %dma_start3A_1118] : memref<100000x64xf32, #tpu.memory_space<hbm>> -> memref<100000x64xf32, #tpu.memory_space<hbm>>
      %dma_start3A_1120 = tpu.memref_slice %arg7[%dma_start3A_1109] : memref<2x!tpu.dma_semaphore, #tpu.memory_space<semaphore_mem>> -> memref<1x!tpu.dma_semaphore, #tpu.memory_space<semaphore_mem>>
      %dma_start3A_1121 = tpu.memref_squeeze %dma_start3A_1120 : memref<1x!tpu.dma_semaphore, #tpu.memory_space<semaphore_mem>> -> memref<!tpu.dma_semaphore, #tpu.memory_space<semaphore_mem>>
      tpu.enqueue_indirect_dma source(%dma_start3A_1119 : memref<100000x64xf32, #tpu.memory_space<hbm>>) target(%dma_start3A_1113 : memref<200x64xf32, #tpu.memory_space<vmem>>) offsets(%dma_start3A_1116 : memref<200xi32, #tpu.memory_space<vmem>>) semaphore(%dma_start3A_1121 : memref<!tpu.dma_semaphore, #tpu.memory_space<semaphore_mem>>)
      %dma_start3A_1122 = arith.constant 1 : i32
      %dma_start3A_1123 = arith.constant 2 : i32
      %dma_start3A_1124 = arith.constant 1 : i32
      %dma_start3A_1125 = arith.constant 2 : i32
      %dma_start3A_1126 = arith.constant 1 : i32
      %dma_start3A_1127 = arith.constant 0 : i32
      %dma_start3A_1128 = arith.constant 0 : i32
      %dma_start3A_1129 = tpu.memref_slice %arg6[%dma_start3A_1124, %dma_start3A_1125, %dma_start3A_1127, %dma_start3A_1128] : memref<2x4x200x64xf32, #tpu.memory_space<vmem>> -> memref<1x1x200x64xf32, #tpu.memory_space<vmem>>
      %dma_start3A_1130 = tpu.memref_squeeze %dma_start3A_1129 : memref<1x1x200x64xf32, #tpu.memory_space<vmem>> -> memref<200x64xf32, #tpu.memory_space<vmem>>
      %dma_start3A_1131 = arith.constant 0 : i32
      %dma_start3A_1132 = tpu.memref_slice %arg5[%dma_start3A_1122, %dma_start3A_1123, %dma_start3A_1131] : memref<2x4x200xi32, #tpu.memory_space<vmem>> -> memref<1x1x200xi32, #tpu.memory_space<vmem>>
      %dma_start3A_1133 = tpu.memref_squeeze %dma_start3A_1132 : memref<1x1x200xi32, #tpu.memory_space<vmem>> -> memref<200xi32, #tpu.memory_space<vmem>>
      %dma_start3A_1134 = arith.constant 0 : i32
      %dma_start3A_1135 = arith.constant 0 : i32
      %dma_start3A_1136 = tpu.memref_slice %arg3[%dma_start3A_1134, %dma_start3A_1135] : memref<100000x64xf32, #tpu.memory_space<hbm>> -> memref<100000x64xf32, #tpu.memory_space<hbm>>
      %dma_start3A_1137 = tpu.memref_slice %arg7[%dma_start3A_1126] : memref<2x!tpu.dma_semaphore, #tpu.memory_space<semaphore_mem>> -> memref<1x!tpu.dma_semaphore, #tpu.memory_space<semaphore_mem>>
      %dma_start3A_1138 = tpu.memref_squeeze %dma_start3A_1137 : memref<1x!tpu.dma_semaphore, #tpu.memory_space<semaphore_mem>> -> memref<!tpu.dma_semaphore, #tpu.memory_space<semaphore_mem>>
      tpu.enqueue_indirect_dma source(%dma_start3A_1136 : memref<100000x64xf32, #tpu.memory_space<hbm>>) target(%dma_start3A_1130 : memref<200x64xf32, #tpu.memory_space<vmem>>) offsets(%dma_start3A_1133 : memref<200xi32, #tpu.memory_space<vmem>>) semaphore(%dma_start3A_1138 : memref<!tpu.dma_semaphore, #tpu.memory_space<semaphore_mem>>)
      %dma_start3A_1139 = arith.constant 1 : i32
      %dma_start3A_1140 = arith.constant 3 : i32
      %dma_start3A_1141 = arith.constant 1 : i32
      %dma_start3A_1142 = arith.constant 3 : i32
      %dma_start3A_1143 = arith.constant 1 : i32
      %dma_start3A_1144 = arith.constant 0 : i32
      %dma_start3A_1145 = arith.constant 0 : i32
      %dma_start3A_1146 = tpu.memref_slice %arg6[%dma_start3A_1141, %dma_start3A_1142, %dma_start3A_1144, %dma_start3A_1145] : memref<2x4x200x64xf32, #tpu.memory_space<vmem>> -> memref<1x1x200x64xf32, #tpu.memory_space<vmem>>
      %dma_start3A_1147 = tpu.memref_squeeze %dma_start3A_1146 : memref<1x1x200x64xf32, #tpu.memory_space<vmem>> -> memref<200x64xf32, #tpu.memory_space<vmem>>
      %dma_start3A_1148 = arith.constant 0 : i32
      %dma_start3A_1149 = tpu.memref_slice %arg5[%dma_start3A_1139, %dma_start3A_1140, %dma_start3A_1148] : memref<2x4x200xi32, #tpu.memory_space<vmem>> -> memref<1x1x200xi32, #tpu.memory_space<vmem>>
      %dma_start3A_1150 = tpu.memref_squeeze %dma_start3A_1149 : memref<1x1x200xi32, #tpu.memory_space<vmem>> -> memref<200xi32, #tpu.memory_space<vmem>>
      %dma_start3A_1151 = arith.constant 0 : i32
      %dma_start3A_1152 = arith.constant 0 : i32
      %dma_start3A_1153 = tpu.memref_slice %arg3[%dma_start3A_1151, %dma_start3A_1152] : memref<100000x64xf32, #tpu.memory_space<hbm>> -> memref<100000x64xf32, #tpu.memory_space<hbm>>
      %dma_start3A_1154 = tpu.memref_slice %arg7[%dma_start3A_1143] : memref<2x!tpu.dma_semaphore, #tpu.memory_space<semaphore_mem>> -> memref<1x!tpu.dma_semaphore, #tpu.memory_space<semaphore_mem>>
      %dma_start3A_1155 = tpu.memref_squeeze %dma_start3A_1154 : memref<1x!tpu.dma_semaphore, #tpu.memory_space<semaphore_mem>> -> memref<!tpu.dma_semaphore, #tpu.memory_space<semaphore_mem>>
      tpu.enqueue_indirect_dma source(%dma_start3A_1153 : memref<100000x64xf32, #tpu.memory_space<hbm>>) target(%dma_start3A_1147 : memref<200x64xf32, #tpu.memory_space<vmem>>) offsets(%dma_start3A_1150 : memref<200xi32, #tpu.memory_space<vmem>>) semaphore(%dma_start3A_1155 : memref<!tpu.dma_semaphore, #tpu.memory_space<semaphore_mem>>)
      %dma_wait3A_1156 = arith.constant 1 : i32
      %dma_wait3A_1157 = arith.constant 0 : i32
      %dma_wait3A_1158 = arith.constant 1 : i32
      %dma_wait3A_1159 = arith.constant 0 : i32
      %dma_wait3A_1160 = arith.constant 1 : i32
      %dma_wait3A_1161 = arith.constant 0 : i32
      %dma_wait3A_1162 = arith.constant 0 : i32
      %dma_wait3A_1163 = tpu.memref_slice %arg6[%dma_wait3A_1158, %dma_wait3A_1159, %dma_wait3A_1161, %dma_wait3A_1162] : memref<2x4x200x64xf32, #tpu.memory_space<vmem>> -> memref<1x1x200x64xf32, #tpu.memory_space<vmem>>
      %dma_wait3A_1164 = tpu.memref_squeeze %dma_wait3A_1163 : memref<1x1x200x64xf32, #tpu.memory_space<vmem>> -> memref<200x64xf32, #tpu.memory_space<vmem>>
      %dma_wait3A_1165 = arith.constant 0 : i32
      %dma_wait3A_1166 = tpu.memref_slice %arg5[%dma_wait3A_1156, %dma_wait3A_1157, %dma_wait3A_1165] : memref<2x4x200xi32, #tpu.memory_space<vmem>> -> memref<1x1x200xi32, #tpu.memory_space<vmem>>
      %dma_wait3A_1167 = tpu.memref_squeeze %dma_wait3A_1166 : memref<1x1x200xi32, #tpu.memory_space<vmem>> -> memref<200xi32, #tpu.memory_space<vmem>>
      %dma_wait3A_1168 = arith.constant 0 : i32
      %dma_wait3A_1169 = arith.constant 0 : i32
      %dma_wait3A_1170 = tpu.memref_slice %arg3[%dma_wait3A_1168, %dma_wait3A_1169] : memref<100000x64xf32, #tpu.memory_space<hbm>> -> memref<100000x64xf32, #tpu.memory_space<hbm>>
      %dma_wait3A_1171 = tpu.memref_slice %arg7[%dma_wait3A_1160] : memref<2x!tpu.dma_semaphore, #tpu.memory_space<semaphore_mem>> -> memref<1x!tpu.dma_semaphore, #tpu.memory_space<semaphore_mem>>
      %dma_wait3A_1172 = tpu.memref_squeeze %dma_wait3A_1171 : memref<1x!tpu.dma_semaphore, #tpu.memory_space<semaphore_mem>> -> memref<!tpu.dma_semaphore, #tpu.memory_space<semaphore_mem>>
      tpu.wait_indirect_dma semaphore(%dma_wait3A_1172 : memref<!tpu.dma_semaphore, #tpu.memory_space<semaphore_mem>>) src(%dma_wait3A_1170 : memref<100000x64xf32, #tpu.memory_space<hbm>>) dst(%dma_wait3A_1164 : memref<200x64xf32, #tpu.memory_space<vmem>>)
      %dma_wait3A_1173 = arith.constant 1 : i32
      %dma_wait3A_1174 = arith.constant 1 : i32
      %dma_wait3A_1175 = arith.constant 1 : i32
      %dma_wait3A_1176 = arith.constant 1 : i32
      %dma_wait3A_1177 = arith.constant 1 : i32
      %dma_wait3A_1178 = arith.constant 0 : i32
      %dma_wait3A_1179 = arith.constant 0 : i32
      %dma_wait3A_1180 = tpu.memref_slice %arg6[%dma_wait3A_1175, %dma_wait3A_1176, %dma_wait3A_1178, %dma_wait3A_1179] : memref<2x4x200x64xf32, #tpu.memory_space<vmem>> -> memref<1x1x200x64xf32, #tpu.memory_space<vmem>>
      %dma_wait3A_1181 = tpu.memref_squeeze %dma_wait3A_1180 : memref<1x1x200x64xf32, #tpu.memory_space<vmem>> -> memref<200x64xf32, #tpu.memory_space<vmem>>
      %dma_wait3A_1182 = arith.constant 0 : i32
      %dma_wait3A_1183 = tpu.memref_slice %arg5[%dma_wait3A_1173, %dma_wait3A_1174, %dma_wait3A_1182] : memref<2x4x200xi32, #tpu.memory_space<vmem>> -> memref<1x1x200xi32, #tpu.memory_space<vmem>>
      %dma_wait3A_1184 = tpu.memref_squeeze %dma_wait3A_1183 : memref<1x1x200xi32, #tpu.memory_space<vmem>> -> memref<200xi32, #tpu.memory_space<vmem>>
      %dma_wait3A_1185 = arith.constant 0 : i32
      %dma_wait3A_1186 = arith.constant 0 : i32
      %dma_wait3A_1187 = tpu.memref_slice %arg3[%dma_wait3A_1185, %dma_wait3A_1186] : memref<100000x64xf32, #tpu.memory_space<hbm>> -> memref<100000x64xf32, #tpu.memory_space<hbm>>
      %dma_wait3A_1188 = tpu.memref_slice %arg7[%dma_wait3A_1177] : memref<2x!tpu.dma_semaphore, #tpu.memory_space<semaphore_mem>> -> memref<1x!tpu.dma_semaphore, #tpu.memory_space<semaphore_mem>>
      %dma_wait3A_1189 = tpu.memref_squeeze %dma_wait3A_1188 : memref<1x!tpu.dma_semaphore, #tpu.memory_space<semaphore_mem>> -> memref<!tpu.dma_semaphore, #tpu.memory_space<semaphore_mem>>
      tpu.wait_indirect_dma semaphore(%dma_wait3A_1189 : memref<!tpu.dma_semaphore, #tpu.memory_space<semaphore_mem>>) src(%dma_wait3A_1187 : memref<100000x64xf32, #tpu.memory_space<hbm>>) dst(%dma_wait3A_1181 : memref<200x64xf32, #tpu.memory_space<vmem>>)
      %dma_wait3A_1190 = arith.constant 1 : i32
      %dma_wait3A_1191 = arith.constant 2 : i32
      %dma_wait3A_1192 = arith.constant 1 : i32
      %dma_wait3A_1193 = arith.constant 2 : i32
      %dma_wait3A_1194 = arith.constant 1 : i32
      %dma_wait3A_1195 = arith.constant 0 : i32
      %dma_wait3A_1196 = arith.constant 0 : i32
      %dma_wait3A_1197 = tpu.memref_slice %arg6[%dma_wait3A_1192, %dma_wait3A_1193, %dma_wait3A_1195, %dma_wait3A_1196] : memref<2x4x200x64xf32, #tpu.memory_space<vmem>> -> memref<1x1x200x64xf32, #tpu.memory_space<vmem>>
      %dma_wait3A_1198 = tpu.memref_squeeze %dma_wait3A_1197 : memref<1x1x200x64xf32, #tpu.memory_space<vmem>> -> memref<200x64xf32, #tpu.memory_space<vmem>>
      %dma_wait3A_1199 = arith.constant 0 : i32
      %dma_wait3A_1200 = tpu.memref_slice %arg5[%dma_wait3A_1190, %dma_wait3A_1191, %dma_wait3A_1199] : memref<2x4x200xi32, #tpu.memory_space<vmem>> -> memref<1x1x200xi32, #tpu.memory_space<vmem>>
      %dma_wait3A_1201 = tpu.memref_squeeze %dma_wait3A_1200 : memref<1x1x200xi32, #tpu.memory_space<vmem>> -> memref<200xi32, #tpu.memory_space<vmem>>
      %dma_wait3A_1202 = arith.constant 0 : i32
      %dma_wait3A_1203 = arith.constant 0 : i32
      %dma_wait3A_1204 = tpu.memref_slice %arg3[%dma_wait3A_1202, %dma_wait3A_1203] : memref<100000x64xf32, #tpu.memory_space<hbm>> -> memref<100000x64xf32, #tpu.memory_space<hbm>>
      %dma_wait3A_1205 = tpu.memref_slice %arg7[%dma_wait3A_1194] : memref<2x!tpu.dma_semaphore, #tpu.memory_space<semaphore_mem>> -> memref<1x!tpu.dma_semaphore, #tpu.memory_space<semaphore_mem>>
      %dma_wait3A_1206 = tpu.memref_squeeze %dma_wait3A_1205 : memref<1x!tpu.dma_semaphore, #tpu.memory_space<semaphore_mem>> -> memref<!tpu.dma_semaphore, #tpu.memory_space<semaphore_mem>>
      tpu.wait_indirect_dma semaphore(%dma_wait3A_1206 : memref<!tpu.dma_semaphore, #tpu.memory_space<semaphore_mem>>) src(%dma_wait3A_1204 : memref<100000x64xf32, #tpu.memory_space<hbm>>) dst(%dma_wait3A_1198 : memref<200x64xf32, #tpu.memory_space<vmem>>)
      %dma_wait3A_1207 = arith.constant 1 : i32
      %dma_wait3A_1208 = arith.constant 3 : i32
      %dma_wait3A_1209 = arith.constant 1 : i32
      %dma_wait3A_1210 = arith.constant 3 : i32
      %dma_wait3A_1211 = arith.constant 1 : i32
      %dma_wait3A_1212 = arith.constant 0 : i32
      %dma_wait3A_1213 = arith.constant 0 : i32
      %dma_wait3A_1214 = tpu.memref_slice %arg6[%dma_wait3A_1209, %dma_wait3A_1210, %dma_wait3A_1212, %dma_wait3A_1213] : memref<2x4x200x64xf32, #tpu.memory_space<vmem>> -> memref<1x1x200x64xf32, #tpu.memory_space<vmem>>
      %dma_wait3A_1215 = tpu.memref_squeeze %dma_wait3A_1214 : memref<1x1x200x64xf32, #tpu.memory_space<vmem>> -> memref<200x64xf32, #tpu.memory_space<vmem>>
      %dma_wait3A_1216 = arith.constant 0 : i32
      %dma_wait3A_1217 = tpu.memref_slice %arg5[%dma_wait3A_1207, %dma_wait3A_1208, %dma_wait3A_1216] : memref<2x4x200xi32, #tpu.memory_space<vmem>> -> memref<1x1x200xi32, #tpu.memory_space<vmem>>
      %dma_wait3A_1218 = tpu.memref_squeeze %dma_wait3A_1217 : memref<1x1x200xi32, #tpu.memory_space<vmem>> -> memref<200xi32, #tpu.memory_space<vmem>>
      %dma_wait3A_1219 = arith.constant 0 : i32
      %dma_wait3A_1220 = arith.constant 0 : i32
      %dma_wait3A_1221 = tpu.memref_slice %arg3[%dma_wait3A_1219, %dma_wait3A_1220] : memref<100000x64xf32, #tpu.memory_space<hbm>> -> memref<100000x64xf32, #tpu.memory_space<hbm>>
      %dma_wait3A_1222 = tpu.memref_slice %arg7[%dma_wait3A_1211] : memref<2x!tpu.dma_semaphore, #tpu.memory_space<semaphore_mem>> -> memref<1x!tpu.dma_semaphore, #tpu.memory_space<semaphore_mem>>
      %dma_wait3A_1223 = tpu.memref_squeeze %dma_wait3A_1222 : memref<1x!tpu.dma_semaphore, #tpu.memory_space<semaphore_mem>> -> memref<!tpu.dma_semaphore, #tpu.memory_space<semaphore_mem>>
      tpu.wait_indirect_dma semaphore(%dma_wait3A_1223 : memref<!tpu.dma_semaphore, #tpu.memory_space<semaphore_mem>>) src(%dma_wait3A_1221 : memref<100000x64xf32, #tpu.memory_space<hbm>>) dst(%dma_wait3A_1215 : memref<200x64xf32, #tpu.memory_space<vmem>>)
      %add3A_1224 = arith.constant 0 : i32
      %add3A_1225 = arith.addi %add3A_994, %add3A_1224 : i32
      %dma_start3A_1226 = arith.constant 1 : i32
      %dma_start3A_1227 = arith.constant 0 : i32
      %dma_start3A_1228 = arith.constant 1 : i32
      %dma_start3A_1229 = arith.constant 0 : i32
      %dma_start3A_1230 = arith.constant 0 : i32
      %dma_start3A_1231 = tpu.memref_slice %arg6[%dma_start3A_1226, %dma_start3A_1227, %dma_start3A_1229, %dma_start3A_1230] : memref<2x4x200x64xf32, #tpu.memory_space<vmem>> -> memref<1x1x200x64xf32, #tpu.memory_space<vmem>>
      %dma_start3A_1232 = tpu.memref_squeeze %dma_start3A_1231 : memref<1x1x200x64xf32, #tpu.memory_space<vmem>> -> memref<200x64xf32, #tpu.memory_space<vmem>>
      %dma_start3A_1233 = arith.constant 0 : i32
      %dma_start3A_1234 = arith.constant 0 : i32
      %dma_start3A_1235 = tpu.memref_slice %arg4[%add3A_1225, %dma_start3A_1233, %dma_start3A_1234] : memref<4096x200x128xf32, #tpu.memory_space<hbm>> -> memref<1x200x64xf32, #tpu.memory_space<hbm>>
      %dma_start3A_1236 = tpu.memref_squeeze %dma_start3A_1235 : memref<1x200x64xf32, #tpu.memory_space<hbm>> -> memref<200x64xf32, #tpu.memory_space<hbm>>
      %dma_start3A_1237 = tpu.memref_slice %arg8[%dma_start3A_1228] : memref<2x!tpu.dma_semaphore, #tpu.memory_space<semaphore_mem>> -> memref<1x!tpu.dma_semaphore, #tpu.memory_space<semaphore_mem>>
      %dma_start3A_1238 = tpu.memref_squeeze %dma_start3A_1237 : memref<1x!tpu.dma_semaphore, #tpu.memory_space<semaphore_mem>> -> memref<!tpu.dma_semaphore, #tpu.memory_space<semaphore_mem>>
      %dma_start3A_1239 = arith.constant 0 : i32
      %dma_start3A_1240 = arith.constant 0 : i32
      %dma_start3A_1241 = tpu.memref_slice %arg4[%add3A_1225, %dma_start3A_1239, %dma_start3A_1240] : memref<4096x200x128xf32, #tpu.memory_space<hbm>> -> memref<1x200x64xf32, #tpu.memory_space<hbm>>
      %dma_start3A_1242 = tpu.memref_squeeze %dma_start3A_1241 : memref<1x200x64xf32, #tpu.memory_space<hbm>> -> memref<200x64xf32, #tpu.memory_space<hbm>>
      %dma_start3A_1243 = arith.constant 0 : i32
      %dma_start3A_1244 = arith.constant 0 : i32
      %dma_start3A_1245 = tpu.memref_slice %arg6[%dma_start3A_1226, %dma_start3A_1227, %dma_start3A_1243, %dma_start3A_1244] : memref<2x4x200x64xf32, #tpu.memory_space<vmem>> -> memref<1x1x200x64xf32, #tpu.memory_space<vmem>>
      %dma_start3A_1246 = tpu.memref_squeeze %dma_start3A_1245 : memref<1x1x200x64xf32, #tpu.memory_space<vmem>> -> memref<200x64xf32, #tpu.memory_space<vmem>>
      tpu.enqueue_dma source(%dma_start3A_1246 : memref<200x64xf32, #tpu.memory_space<vmem>>) target(%dma_start3A_1242 : memref<200x64xf32, #tpu.memory_space<hbm>>) target_semaphore(%dma_start3A_1238 : memref<!tpu.dma_semaphore, #tpu.memory_space<semaphore_mem>>)
      %add3A_1247 = arith.constant 1 : i32
      %add3A_1248 = arith.addi %add3A_994, %add3A_1247 : i32
      %dma_start3A_1249 = arith.constant 1 : i32
      %dma_start3A_1250 = arith.constant 1 : i32
      %dma_start3A_1251 = arith.constant 1 : i32
      %dma_start3A_1252 = arith.constant 0 : i32
      %dma_start3A_1253 = arith.constant 0 : i32
      %dma_start3A_1254 = tpu.memref_slice %arg6[%dma_start3A_1249, %dma_start3A_1250, %dma_start3A_1252, %dma_start3A_1253] : memref<2x4x200x64xf32, #tpu.memory_space<vmem>> -> memref<1x1x200x64xf32, #tpu.memory_space<vmem>>
      %dma_start3A_1255 = tpu.memref_squeeze %dma_start3A_1254 : memref<1x1x200x64xf32, #tpu.memory_space<vmem>> -> memref<200x64xf32, #tpu.memory_space<vmem>>
      %dma_start3A_1256 = arith.constant 0 : i32
      %dma_start3A_1257 = arith.constant 0 : i32
      %dma_start3A_1258 = tpu.memref_slice %arg4[%add3A_1248, %dma_start3A_1256, %dma_start3A_1257] : memref<4096x200x128xf32, #tpu.memory_space<hbm>> -> memref<1x200x64xf32, #tpu.memory_space<hbm>>
      %dma_start3A_1259 = tpu.memref_squeeze %dma_start3A_1258 : memref<1x200x64xf32, #tpu.memory_space<hbm>> -> memref<200x64xf32, #tpu.memory_space<hbm>>
      %dma_start3A_1260 = tpu.memref_slice %arg8[%dma_start3A_1251] : memref<2x!tpu.dma_semaphore, #tpu.memory_space<semaphore_mem>> -> memref<1x!tpu.dma_semaphore, #tpu.memory_space<semaphore_mem>>
      %dma_start3A_1261 = tpu.memref_squeeze %dma_start3A_1260 : memref<1x!tpu.dma_semaphore, #tpu.memory_space<semaphore_mem>> -> memref<!tpu.dma_semaphore, #tpu.memory_space<semaphore_mem>>
      %dma_start3A_1262 = arith.constant 0 : i32
      %dma_start3A_1263 = arith.constant 0 : i32
      %dma_start3A_1264 = tpu.memref_slice %arg4[%add3A_1248, %dma_start3A_1262, %dma_start3A_1263] : memref<4096x200x128xf32, #tpu.memory_space<hbm>> -> memref<1x200x64xf32, #tpu.memory_space<hbm>>
      %dma_start3A_1265 = tpu.memref_squeeze %dma_start3A_1264 : memref<1x200x64xf32, #tpu.memory_space<hbm>> -> memref<200x64xf32, #tpu.memory_space<hbm>>
      %dma_start3A_1266 = arith.constant 0 : i32
      %dma_start3A_1267 = arith.constant 0 : i32
      %dma_start3A_1268 = tpu.memref_slice %arg6[%dma_start3A_1249, %dma_start3A_1250, %dma_start3A_1266, %dma_start3A_1267] : memref<2x4x200x64xf32, #tpu.memory_space<vmem>> -> memref<1x1x200x64xf32, #tpu.memory_space<vmem>>
      %dma_start3A_1269 = tpu.memref_squeeze %dma_start3A_1268 : memref<1x1x200x64xf32, #tpu.memory_space<vmem>> -> memref<200x64xf32, #tpu.memory_space<vmem>>
      tpu.enqueue_dma source(%dma_start3A_1269 : memref<200x64xf32, #tpu.memory_space<vmem>>) target(%dma_start3A_1265 : memref<200x64xf32, #tpu.memory_space<hbm>>) target_semaphore(%dma_start3A_1261 : memref<!tpu.dma_semaphore, #tpu.memory_space<semaphore_mem>>)
      %add3A_1270 = arith.constant 2 : i32
      %add3A_1271 = arith.addi %add3A_994, %add3A_1270 : i32
      %dma_start3A_1272 = arith.constant 1 : i32
      %dma_start3A_1273 = arith.constant 2 : i32
      %dma_start3A_1274 = arith.constant 1 : i32
      %dma_start3A_1275 = arith.constant 0 : i32
      %dma_start3A_1276 = arith.constant 0 : i32
      %dma_start3A_1277 = tpu.memref_slice %arg6[%dma_start3A_1272, %dma_start3A_1273, %dma_start3A_1275, %dma_start3A_1276] : memref<2x4x200x64xf32, #tpu.memory_space<vmem>> -> memref<1x1x200x64xf32, #tpu.memory_space<vmem>>
      %dma_start3A_1278 = tpu.memref_squeeze %dma_start3A_1277 : memref<1x1x200x64xf32, #tpu.memory_space<vmem>> -> memref<200x64xf32, #tpu.memory_space<vmem>>
      %dma_start3A_1279 = arith.constant 0 : i32
      %dma_start3A_1280 = arith.constant 0 : i32
      %dma_start3A_1281 = tpu.memref_slice %arg4[%add3A_1271, %dma_start3A_1279, %dma_start3A_1280] : memref<4096x200x128xf32, #tpu.memory_space<hbm>> -> memref<1x200x64xf32, #tpu.memory_space<hbm>>
      %dma_start3A_1282 = tpu.memref_squeeze %dma_start3A_1281 : memref<1x200x64xf32, #tpu.memory_space<hbm>> -> memref<200x64xf32, #tpu.memory_space<hbm>>
      %dma_start3A_1283 = tpu.memref_slice %arg8[%dma_start3A_1274] : memref<2x!tpu.dma_semaphore, #tpu.memory_space<semaphore_mem>> -> memref<1x!tpu.dma_semaphore, #tpu.memory_space<semaphore_mem>>
      %dma_start3A_1284 = tpu.memref_squeeze %dma_start3A_1283 : memref<1x!tpu.dma_semaphore, #tpu.memory_space<semaphore_mem>> -> memref<!tpu.dma_semaphore, #tpu.memory_space<semaphore_mem>>
      %dma_start3A_1285 = arith.constant 0 : i32
      %dma_start3A_1286 = arith.constant 0 : i32
      %dma_start3A_1287 = tpu.memref_slice %arg4[%add3A_1271, %dma_start3A_1285, %dma_start3A_1286] : memref<4096x200x128xf32, #tpu.memory_space<hbm>> -> memref<1x200x64xf32, #tpu.memory_space<hbm>>
      %dma_start3A_1288 = tpu.memref_squeeze %dma_start3A_1287 : memref<1x200x64xf32, #tpu.memory_space<hbm>> -> memref<200x64xf32, #tpu.memory_space<hbm>>
      %dma_start3A_1289 = arith.constant 0 : i32
      %dma_start3A_1290 = arith.constant 0 : i32
      %dma_start3A_1291 = tpu.memref_slice %arg6[%dma_start3A_1272, %dma_start3A_1273, %dma_start3A_1289, %dma_start3A_1290] : memref<2x4x200x64xf32, #tpu.memory_space<vmem>> -> memref<1x1x200x64xf32, #tpu.memory_space<vmem>>
      %dma_start3A_1292 = tpu.memref_squeeze %dma_start3A_1291 : memref<1x1x200x64xf32, #tpu.memory_space<vmem>> -> memref<200x64xf32, #tpu.memory_space<vmem>>
      tpu.enqueue_dma source(%dma_start3A_1292 : memref<200x64xf32, #tpu.memory_space<vmem>>) target(%dma_start3A_1288 : memref<200x64xf32, #tpu.memory_space<hbm>>) target_semaphore(%dma_start3A_1284 : memref<!tpu.dma_semaphore, #tpu.memory_space<semaphore_mem>>)
      %add3A_1293 = arith.constant 3 : i32
      %add3A_1294 = arith.addi %add3A_994, %add3A_1293 : i32
      %dma_start3A_1295 = arith.constant 1 : i32
      %dma_start3A_1296 = arith.constant 3 : i32
      %dma_start3A_1297 = arith.constant 1 : i32
      %dma_start3A_1298 = arith.constant 0 : i32
      %dma_start3A_1299 = arith.constant 0 : i32
      %dma_start3A_1300 = tpu.memref_slice %arg6[%dma_start3A_1295, %dma_start3A_1296, %dma_start3A_1298, %dma_start3A_1299] : memref<2x4x200x64xf32, #tpu.memory_space<vmem>> -> memref<1x1x200x64xf32, #tpu.memory_space<vmem>>
      %dma_start3A_1301 = tpu.memref_squeeze %dma_start3A_1300 : memref<1x1x200x64xf32, #tpu.memory_space<vmem>> -> memref<200x64xf32, #tpu.memory_space<vmem>>
      %dma_start3A_1302 = arith.constant 0 : i32
      %dma_start3A_1303 = arith.constant 0 : i32
      %dma_start3A_1304 = tpu.memref_slice %arg4[%add3A_1294, %dma_start3A_1302, %dma_start3A_1303] : memref<4096x200x128xf32, #tpu.memory_space<hbm>> -> memref<1x200x64xf32, #tpu.memory_space<hbm>>
      %dma_start3A_1305 = tpu.memref_squeeze %dma_start3A_1304 : memref<1x200x64xf32, #tpu.memory_space<hbm>> -> memref<200x64xf32, #tpu.memory_space<hbm>>
      %dma_start3A_1306 = tpu.memref_slice %arg8[%dma_start3A_1297] : memref<2x!tpu.dma_semaphore, #tpu.memory_space<semaphore_mem>> -> memref<1x!tpu.dma_semaphore, #tpu.memory_space<semaphore_mem>>
      %dma_start3A_1307 = tpu.memref_squeeze %dma_start3A_1306 : memref<1x!tpu.dma_semaphore, #tpu.memory_space<semaphore_mem>> -> memref<!tpu.dma_semaphore, #tpu.memory_space<semaphore_mem>>
      %dma_start3A_1308 = arith.constant 0 : i32
      %dma_start3A_1309 = arith.constant 0 : i32
      %dma_start3A_1310 = tpu.memref_slice %arg4[%add3A_1294, %dma_start3A_1308, %dma_start3A_1309] : memref<4096x200x128xf32, #tpu.memory_space<hbm>> -> memref<1x200x64xf32, #tpu.memory_space<hbm>>
      %dma_start3A_1311 = tpu.memref_squeeze %dma_start3A_1310 : memref<1x200x64xf32, #tpu.memory_space<hbm>> -> memref<200x64xf32, #tpu.memory_space<hbm>>
      %dma_start3A_1312 = arith.constant 0 : i32
      %dma_start3A_1313 = arith.constant 0 : i32
      %dma_start3A_1314 = tpu.memref_slice %arg6[%dma_start3A_1295, %dma_start3A_1296, %dma_start3A_1312, %dma_start3A_1313] : memref<2x4x200x64xf32, #tpu.memory_space<vmem>> -> memref<1x1x200x64xf32, #tpu.memory_space<vmem>>
      %dma_start3A_1315 = tpu.memref_squeeze %dma_start3A_1314 : memref<1x1x200x64xf32, #tpu.memory_space<vmem>> -> memref<200x64xf32, #tpu.memory_space<vmem>>
      tpu.enqueue_dma source(%dma_start3A_1315 : memref<200x64xf32, #tpu.memory_space<vmem>>) target(%dma_start3A_1311 : memref<200x64xf32, #tpu.memory_space<hbm>>) target_semaphore(%dma_start3A_1307 : memref<!tpu.dma_semaphore, #tpu.memory_space<semaphore_mem>>)
    }
    %scan3A_470 = arith.constant 15 : i32
    %add3A_471 = arith.constant 120 : i32
    %add3A_472 = arith.addi %mul3A_2, %add3A_471 : i32
    %add3A_473 = arith.constant 0 : i32
    %add3A_474 = arith.addi %add3A_472, %add3A_473 : i32
    %dma_wait3A_475 = arith.constant 0 : i32
    %dma_wait3A_476 = arith.constant 0 : i32
    %dma_wait3A_477 = arith.constant 0 : i32
    %dma_wait3A_478 = arith.constant 0 : i32
    %dma_wait3A_479 = arith.constant 0 : i32
    %dma_wait3A_480 = tpu.memref_slice %arg6[%dma_wait3A_475, %dma_wait3A_476, %dma_wait3A_478, %dma_wait3A_479] : memref<2x4x200x64xf32, #tpu.memory_space<vmem>> -> memref<1x1x200x64xf32, #tpu.memory_space<vmem>>
    %dma_wait3A_481 = tpu.memref_squeeze %dma_wait3A_480 : memref<1x1x200x64xf32, #tpu.memory_space<vmem>> -> memref<200x64xf32, #tpu.memory_space<vmem>>
    %dma_wait3A_482 = arith.constant 0 : i32
    %dma_wait3A_483 = arith.constant 0 : i32
    %dma_wait3A_484 = tpu.memref_slice %arg4[%add3A_474, %dma_wait3A_482, %dma_wait3A_483] : memref<4096x200x128xf32, #tpu.memory_space<hbm>> -> memref<1x200x64xf32, #tpu.memory_space<hbm>>
    %dma_wait3A_485 = tpu.memref_squeeze %dma_wait3A_484 : memref<1x200x64xf32, #tpu.memory_space<hbm>> -> memref<200x64xf32, #tpu.memory_space<hbm>>
    %dma_wait3A_486 = tpu.memref_slice %arg8[%dma_wait3A_477] : memref<2x!tpu.dma_semaphore, #tpu.memory_space<semaphore_mem>> -> memref<1x!tpu.dma_semaphore, #tpu.memory_space<semaphore_mem>>
    %dma_wait3A_487 = tpu.memref_squeeze %dma_wait3A_486 : memref<1x!tpu.dma_semaphore, #tpu.memory_space<semaphore_mem>> -> memref<!tpu.dma_semaphore, #tpu.memory_space<semaphore_mem>>
    %dma_wait3A_488 = arith.constant 0 : i32
    %dma_wait3A_489 = arith.constant 0 : i32
    %dma_wait3A_490 = tpu.memref_slice %arg4[%add3A_474, %dma_wait3A_488, %dma_wait3A_489] : memref<4096x200x128xf32, #tpu.memory_space<hbm>> -> memref<1x200x64xf32, #tpu.memory_space<hbm>>
    %dma_wait3A_491 = tpu.memref_squeeze %dma_wait3A_490 : memref<1x200x64xf32, #tpu.memory_space<hbm>> -> memref<200x64xf32, #tpu.memory_space<hbm>>
    %dma_wait3A_492 = arith.constant 0 : i32
    %dma_wait3A_493 = arith.constant 0 : i32
    %dma_wait3A_494 = tpu.memref_slice %arg6[%dma_wait3A_475, %dma_wait3A_476, %dma_wait3A_492, %dma_wait3A_493] : memref<2x4x200x64xf32, #tpu.memory_space<vmem>> -> memref<1x1x200x64xf32, #tpu.memory_space<vmem>>
    %dma_wait3A_495 = tpu.memref_squeeze %dma_wait3A_494 : memref<1x1x200x64xf32, #tpu.memory_space<vmem>> -> memref<200x64xf32, #tpu.memory_space<vmem>>
    tpu.wait_dma2 semaphore(%dma_wait3A_487 : memref<!tpu.dma_semaphore, #tpu.memory_space<semaphore_mem>>) src(%dma_wait3A_495 : memref<200x64xf32, #tpu.memory_space<vmem>>) dst(%dma_wait3A_491 : memref<200x64xf32, #tpu.memory_space<hbm>>)
    %add3A_496 = arith.constant 1 : i32
    %add3A_497 = arith.addi %add3A_472, %add3A_496 : i32
    %dma_wait3A_498 = arith.constant 0 : i32
    %dma_wait3A_499 = arith.constant 1 : i32
    %dma_wait3A_500 = arith.constant 0 : i32
    %dma_wait3A_501 = arith.constant 0 : i32
    %dma_wait3A_502 = arith.constant 0 : i32
    %dma_wait3A_503 = tpu.memref_slice %arg6[%dma_wait3A_498, %dma_wait3A_499, %dma_wait3A_501, %dma_wait3A_502] : memref<2x4x200x64xf32, #tpu.memory_space<vmem>> -> memref<1x1x200x64xf32, #tpu.memory_space<vmem>>
    %dma_wait3A_504 = tpu.memref_squeeze %dma_wait3A_503 : memref<1x1x200x64xf32, #tpu.memory_space<vmem>> -> memref<200x64xf32, #tpu.memory_space<vmem>>
    %dma_wait3A_505 = arith.constant 0 : i32
    %dma_wait3A_506 = arith.constant 0 : i32
    %dma_wait3A_507 = tpu.memref_slice %arg4[%add3A_497, %dma_wait3A_505, %dma_wait3A_506] : memref<4096x200x128xf32, #tpu.memory_space<hbm>> -> memref<1x200x64xf32, #tpu.memory_space<hbm>>
    %dma_wait3A_508 = tpu.memref_squeeze %dma_wait3A_507 : memref<1x200x64xf32, #tpu.memory_space<hbm>> -> memref<200x64xf32, #tpu.memory_space<hbm>>
    %dma_wait3A_509 = tpu.memref_slice %arg8[%dma_wait3A_500] : memref<2x!tpu.dma_semaphore, #tpu.memory_space<semaphore_mem>> -> memref<1x!tpu.dma_semaphore, #tpu.memory_space<semaphore_mem>>
    %dma_wait3A_510 = tpu.memref_squeeze %dma_wait3A_509 : memref<1x!tpu.dma_semaphore, #tpu.memory_space<semaphore_mem>> -> memref<!tpu.dma_semaphore, #tpu.memory_space<semaphore_mem>>
    %dma_wait3A_511 = arith.constant 0 : i32
    %dma_wait3A_512 = arith.constant 0 : i32
    %dma_wait3A_513 = tpu.memref_slice %arg4[%add3A_497, %dma_wait3A_511, %dma_wait3A_512] : memref<4096x200x128xf32, #tpu.memory_space<hbm>> -> memref<1x200x64xf32, #tpu.memory_space<hbm>>
    %dma_wait3A_514 = tpu.memref_squeeze %dma_wait3A_513 : memref<1x200x64xf32, #tpu.memory_space<hbm>> -> memref<200x64xf32, #tpu.memory_space<hbm>>
    %dma_wait3A_515 = arith.constant 0 : i32
    %dma_wait3A_516 = arith.constant 0 : i32
    %dma_wait3A_517 = tpu.memref_slice %arg6[%dma_wait3A_498, %dma_wait3A_499, %dma_wait3A_515, %dma_wait3A_516] : memref<2x4x200x64xf32, #tpu.memory_space<vmem>> -> memref<1x1x200x64xf32, #tpu.memory_space<vmem>>
    %dma_wait3A_518 = tpu.memref_squeeze %dma_wait3A_517 : memref<1x1x200x64xf32, #tpu.memory_space<vmem>> -> memref<200x64xf32, #tpu.memory_space<vmem>>
    tpu.wait_dma2 semaphore(%dma_wait3A_510 : memref<!tpu.dma_semaphore, #tpu.memory_space<semaphore_mem>>) src(%dma_wait3A_518 : memref<200x64xf32, #tpu.memory_space<vmem>>) dst(%dma_wait3A_514 : memref<200x64xf32, #tpu.memory_space<hbm>>)
    %add3A_519 = arith.constant 2 : i32
    %add3A_520 = arith.addi %add3A_472, %add3A_519 : i32
    %dma_wait3A_521 = arith.constant 0 : i32
    %dma_wait3A_522 = arith.constant 2 : i32
    %dma_wait3A_523 = arith.constant 0 : i32
    %dma_wait3A_524 = arith.constant 0 : i32
    %dma_wait3A_525 = arith.constant 0 : i32
    %dma_wait3A_526 = tpu.memref_slice %arg6[%dma_wait3A_521, %dma_wait3A_522, %dma_wait3A_524, %dma_wait3A_525] : memref<2x4x200x64xf32, #tpu.memory_space<vmem>> -> memref<1x1x200x64xf32, #tpu.memory_space<vmem>>
    %dma_wait3A_527 = tpu.memref_squeeze %dma_wait3A_526 : memref<1x1x200x64xf32, #tpu.memory_space<vmem>> -> memref<200x64xf32, #tpu.memory_space<vmem>>
    %dma_wait3A_528 = arith.constant 0 : i32
    %dma_wait3A_529 = arith.constant 0 : i32
    %dma_wait3A_530 = tpu.memref_slice %arg4[%add3A_520, %dma_wait3A_528, %dma_wait3A_529] : memref<4096x200x128xf32, #tpu.memory_space<hbm>> -> memref<1x200x64xf32, #tpu.memory_space<hbm>>
    %dma_wait3A_531 = tpu.memref_squeeze %dma_wait3A_530 : memref<1x200x64xf32, #tpu.memory_space<hbm>> -> memref<200x64xf32, #tpu.memory_space<hbm>>
    %dma_wait3A_532 = tpu.memref_slice %arg8[%dma_wait3A_523] : memref<2x!tpu.dma_semaphore, #tpu.memory_space<semaphore_mem>> -> memref<1x!tpu.dma_semaphore, #tpu.memory_space<semaphore_mem>>
    %dma_wait3A_533 = tpu.memref_squeeze %dma_wait3A_532 : memref<1x!tpu.dma_semaphore, #tpu.memory_space<semaphore_mem>> -> memref<!tpu.dma_semaphore, #tpu.memory_space<semaphore_mem>>
    %dma_wait3A_534 = arith.constant 0 : i32
    %dma_wait3A_535 = arith.constant 0 : i32
    %dma_wait3A_536 = tpu.memref_slice %arg4[%add3A_520, %dma_wait3A_534, %dma_wait3A_535] : memref<4096x200x128xf32, #tpu.memory_space<hbm>> -> memref<1x200x64xf32, #tpu.memory_space<hbm>>
    %dma_wait3A_537 = tpu.memref_squeeze %dma_wait3A_536 : memref<1x200x64xf32, #tpu.memory_space<hbm>> -> memref<200x64xf32, #tpu.memory_space<hbm>>
    %dma_wait3A_538 = arith.constant 0 : i32
    %dma_wait3A_539 = arith.constant 0 : i32
    %dma_wait3A_540 = tpu.memref_slice %arg6[%dma_wait3A_521, %dma_wait3A_522, %dma_wait3A_538, %dma_wait3A_539] : memref<2x4x200x64xf32, #tpu.memory_space<vmem>> -> memref<1x1x200x64xf32, #tpu.memory_space<vmem>>
    %dma_wait3A_541 = tpu.memref_squeeze %dma_wait3A_540 : memref<1x1x200x64xf32, #tpu.memory_space<vmem>> -> memref<200x64xf32, #tpu.memory_space<vmem>>
    tpu.wait_dma2 semaphore(%dma_wait3A_533 : memref<!tpu.dma_semaphore, #tpu.memory_space<semaphore_mem>>) src(%dma_wait3A_541 : memref<200x64xf32, #tpu.memory_space<vmem>>) dst(%dma_wait3A_537 : memref<200x64xf32, #tpu.memory_space<hbm>>)
    %add3A_542 = arith.constant 3 : i32
    %add3A_543 = arith.addi %add3A_472, %add3A_542 : i32
    %dma_wait3A_544 = arith.constant 0 : i32
    %dma_wait3A_545 = arith.constant 3 : i32
    %dma_wait3A_546 = arith.constant 0 : i32
    %dma_wait3A_547 = arith.constant 0 : i32
    %dma_wait3A_548 = arith.constant 0 : i32
    %dma_wait3A_549 = tpu.memref_slice %arg6[%dma_wait3A_544, %dma_wait3A_545, %dma_wait3A_547, %dma_wait3A_548] : memref<2x4x200x64xf32, #tpu.memory_space<vmem>> -> memref<1x1x200x64xf32, #tpu.memory_space<vmem>>
    %dma_wait3A_550 = tpu.memref_squeeze %dma_wait3A_549 : memref<1x1x200x64xf32, #tpu.memory_space<vmem>> -> memref<200x64xf32, #tpu.memory_space<vmem>>
    %dma_wait3A_551 = arith.constant 0 : i32
    %dma_wait3A_552 = arith.constant 0 : i32
    %dma_wait3A_553 = tpu.memref_slice %arg4[%add3A_543, %dma_wait3A_551, %dma_wait3A_552] : memref<4096x200x128xf32, #tpu.memory_space<hbm>> -> memref<1x200x64xf32, #tpu.memory_space<hbm>>
    %dma_wait3A_554 = tpu.memref_squeeze %dma_wait3A_553 : memref<1x200x64xf32, #tpu.memory_space<hbm>> -> memref<200x64xf32, #tpu.memory_space<hbm>>
    %dma_wait3A_555 = tpu.memref_slice %arg8[%dma_wait3A_546] : memref<2x!tpu.dma_semaphore, #tpu.memory_space<semaphore_mem>> -> memref<1x!tpu.dma_semaphore, #tpu.memory_space<semaphore_mem>>
    %dma_wait3A_556 = tpu.memref_squeeze %dma_wait3A_555 : memref<1x!tpu.dma_semaphore, #tpu.memory_space<semaphore_mem>> -> memref<!tpu.dma_semaphore, #tpu.memory_space<semaphore_mem>>
    %dma_wait3A_557 = arith.constant 0 : i32
    %dma_wait3A_558 = arith.constant 0 : i32
    %dma_wait3A_559 = tpu.memref_slice %arg4[%add3A_543, %dma_wait3A_557, %dma_wait3A_558] : memref<4096x200x128xf32, #tpu.memory_space<hbm>> -> memref<1x200x64xf32, #tpu.memory_space<hbm>>
    %dma_wait3A_560 = tpu.memref_squeeze %dma_wait3A_559 : memref<1x200x64xf32, #tpu.memory_space<hbm>> -> memref<200x64xf32, #tpu.memory_space<hbm>>
    %dma_wait3A_561 = arith.constant 0 : i32
    %dma_wait3A_562 = arith.constant 0 : i32
    %dma_wait3A_563 = tpu.memref_slice %arg6[%dma_wait3A_544, %dma_wait3A_545, %dma_wait3A_561, %dma_wait3A_562] : memref<2x4x200x64xf32, #tpu.memory_space<vmem>> -> memref<1x1x200x64xf32, #tpu.memory_space<vmem>>
    %dma_wait3A_564 = tpu.memref_squeeze %dma_wait3A_563 : memref<1x1x200x64xf32, #tpu.memory_space<vmem>> -> memref<200x64xf32, #tpu.memory_space<vmem>>
    tpu.wait_dma2 semaphore(%dma_wait3A_556 : memref<!tpu.dma_semaphore, #tpu.memory_space<semaphore_mem>>) src(%dma_wait3A_564 : memref<200x64xf32, #tpu.memory_space<vmem>>) dst(%dma_wait3A_560 : memref<200x64xf32, #tpu.memory_space<hbm>>)
    %add3A_565 = arith.constant 124 : i32
    %add3A_566 = arith.addi %mul3A_2, %add3A_565 : i32
    %add3A_567 = arith.constant 0 : i32
    %add3A_568 = arith.addi %add3A_566, %add3A_567 : i32
    %dma_wait3A_569 = arith.constant 1 : i32
    %dma_wait3A_570 = arith.constant 0 : i32
    %dma_wait3A_571 = arith.constant 1 : i32
    %dma_wait3A_572 = arith.constant 0 : i32
    %dma_wait3A_573 = arith.constant 0 : i32
    %dma_wait3A_574 = tpu.memref_slice %arg6[%dma_wait3A_569, %dma_wait3A_570, %dma_wait3A_572, %dma_wait3A_573] : memref<2x4x200x64xf32, #tpu.memory_space<vmem>> -> memref<1x1x200x64xf32, #tpu.memory_space<vmem>>
    %dma_wait3A_575 = tpu.memref_squeeze %dma_wait3A_574 : memref<1x1x200x64xf32, #tpu.memory_space<vmem>> -> memref<200x64xf32, #tpu.memory_space<vmem>>
    %dma_wait3A_576 = arith.constant 0 : i32
    %dma_wait3A_577 = arith.constant 0 : i32
    %dma_wait3A_578 = tpu.memref_slice %arg4[%add3A_568, %dma_wait3A_576, %dma_wait3A_577] : memref<4096x200x128xf32, #tpu.memory_space<hbm>> -> memref<1x200x64xf32, #tpu.memory_space<hbm>>
    %dma_wait3A_579 = tpu.memref_squeeze %dma_wait3A_578 : memref<1x200x64xf32, #tpu.memory_space<hbm>> -> memref<200x64xf32, #tpu.memory_space<hbm>>
    %dma_wait3A_580 = tpu.memref_slice %arg8[%dma_wait3A_571] : memref<2x!tpu.dma_semaphore, #tpu.memory_space<semaphore_mem>> -> memref<1x!tpu.dma_semaphore, #tpu.memory_space<semaphore_mem>>
    %dma_wait3A_581 = tpu.memref_squeeze %dma_wait3A_580 : memref<1x!tpu.dma_semaphore, #tpu.memory_space<semaphore_mem>> -> memref<!tpu.dma_semaphore, #tpu.memory_space<semaphore_mem>>
    %dma_wait3A_582 = arith.constant 0 : i32
    %dma_wait3A_583 = arith.constant 0 : i32
    %dma_wait3A_584 = tpu.memref_slice %arg4[%add3A_568, %dma_wait3A_582, %dma_wait3A_583] : memref<4096x200x128xf32, #tpu.memory_space<hbm>> -> memref<1x200x64xf32, #tpu.memory_space<hbm>>
    %dma_wait3A_585 = tpu.memref_squeeze %dma_wait3A_584 : memref<1x200x64xf32, #tpu.memory_space<hbm>> -> memref<200x64xf32, #tpu.memory_space<hbm>>
    %dma_wait3A_586 = arith.constant 0 : i32
    %dma_wait3A_587 = arith.constant 0 : i32
    %dma_wait3A_588 = tpu.memref_slice %arg6[%dma_wait3A_569, %dma_wait3A_570, %dma_wait3A_586, %dma_wait3A_587] : memref<2x4x200x64xf32, #tpu.memory_space<vmem>> -> memref<1x1x200x64xf32, #tpu.memory_space<vmem>>
    %dma_wait3A_589 = tpu.memref_squeeze %dma_wait3A_588 : memref<1x1x200x64xf32, #tpu.memory_space<vmem>> -> memref<200x64xf32, #tpu.memory_space<vmem>>
    tpu.wait_dma2 semaphore(%dma_wait3A_581 : memref<!tpu.dma_semaphore, #tpu.memory_space<semaphore_mem>>) src(%dma_wait3A_589 : memref<200x64xf32, #tpu.memory_space<vmem>>) dst(%dma_wait3A_585 : memref<200x64xf32, #tpu.memory_space<hbm>>)
    %add3A_590 = arith.constant 1 : i32
    %add3A_591 = arith.addi %add3A_566, %add3A_590 : i32
    %dma_wait3A_592 = arith.constant 1 : i32
    %dma_wait3A_593 = arith.constant 1 : i32
    %dma_wait3A_594 = arith.constant 1 : i32
    %dma_wait3A_595 = arith.constant 0 : i32
    %dma_wait3A_596 = arith.constant 0 : i32
    %dma_wait3A_597 = tpu.memref_slice %arg6[%dma_wait3A_592, %dma_wait3A_593, %dma_wait3A_595, %dma_wait3A_596] : memref<2x4x200x64xf32, #tpu.memory_space<vmem>> -> memref<1x1x200x64xf32, #tpu.memory_space<vmem>>
    %dma_wait3A_598 = tpu.memref_squeeze %dma_wait3A_597 : memref<1x1x200x64xf32, #tpu.memory_space<vmem>> -> memref<200x64xf32, #tpu.memory_space<vmem>>
    %dma_wait3A_599 = arith.constant 0 : i32
    %dma_wait3A_600 = arith.constant 0 : i32
    %dma_wait3A_601 = tpu.memref_slice %arg4[%add3A_591, %dma_wait3A_599, %dma_wait3A_600] : memref<4096x200x128xf32, #tpu.memory_space<hbm>> -> memref<1x200x64xf32, #tpu.memory_space<hbm>>
    %dma_wait3A_602 = tpu.memref_squeeze %dma_wait3A_601 : memref<1x200x64xf32, #tpu.memory_space<hbm>> -> memref<200x64xf32, #tpu.memory_space<hbm>>
    %dma_wait3A_603 = tpu.memref_slice %arg8[%dma_wait3A_594] : memref<2x!tpu.dma_semaphore, #tpu.memory_space<semaphore_mem>> -> memref<1x!tpu.dma_semaphore, #tpu.memory_space<semaphore_mem>>
    %dma_wait3A_604 = tpu.memref_squeeze %dma_wait3A_603 : memref<1x!tpu.dma_semaphore, #tpu.memory_space<semaphore_mem>> -> memref<!tpu.dma_semaphore, #tpu.memory_space<semaphore_mem>>
    %dma_wait3A_605 = arith.constant 0 : i32
    %dma_wait3A_606 = arith.constant 0 : i32
    %dma_wait3A_607 = tpu.memref_slice %arg4[%add3A_591, %dma_wait3A_605, %dma_wait3A_606] : memref<4096x200x128xf32, #tpu.memory_space<hbm>> -> memref<1x200x64xf32, #tpu.memory_space<hbm>>
    %dma_wait3A_608 = tpu.memref_squeeze %dma_wait3A_607 : memref<1x200x64xf32, #tpu.memory_space<hbm>> -> memref<200x64xf32, #tpu.memory_space<hbm>>
    %dma_wait3A_609 = arith.constant 0 : i32
    %dma_wait3A_610 = arith.constant 0 : i32
    %dma_wait3A_611 = tpu.memref_slice %arg6[%dma_wait3A_592, %dma_wait3A_593, %dma_wait3A_609, %dma_wait3A_610] : memref<2x4x200x64xf32, #tpu.memory_space<vmem>> -> memref<1x1x200x64xf32, #tpu.memory_space<vmem>>
    %dma_wait3A_612 = tpu.memref_squeeze %dma_wait3A_611 : memref<1x1x200x64xf32, #tpu.memory_space<vmem>> -> memref<200x64xf32, #tpu.memory_space<vmem>>
    tpu.wait_dma2 semaphore(%dma_wait3A_604 : memref<!tpu.dma_semaphore, #tpu.memory_space<semaphore_mem>>) src(%dma_wait3A_612 : memref<200x64xf32, #tpu.memory_space<vmem>>) dst(%dma_wait3A_608 : memref<200x64xf32, #tpu.memory_space<hbm>>)
    %add3A_613 = arith.constant 2 : i32
    %add3A_614 = arith.addi %add3A_566, %add3A_613 : i32
    %dma_wait3A_615 = arith.constant 1 : i32
    %dma_wait3A_616 = arith.constant 2 : i32
    %dma_wait3A_617 = arith.constant 1 : i32
    %dma_wait3A_618 = arith.constant 0 : i32
    %dma_wait3A_619 = arith.constant 0 : i32
    %dma_wait3A_620 = tpu.memref_slice %arg6[%dma_wait3A_615, %dma_wait3A_616, %dma_wait3A_618, %dma_wait3A_619] : memref<2x4x200x64xf32, #tpu.memory_space<vmem>> -> memref<1x1x200x64xf32, #tpu.memory_space<vmem>>
    %dma_wait3A_621 = tpu.memref_squeeze %dma_wait3A_620 : memref<1x1x200x64xf32, #tpu.memory_space<vmem>> -> memref<200x64xf32, #tpu.memory_space<vmem>>
    %dma_wait3A_622 = arith.constant 0 : i32
    %dma_wait3A_623 = arith.constant 0 : i32
    %dma_wait3A_624 = tpu.memref_slice %arg4[%add3A_614, %dma_wait3A_622, %dma_wait3A_623] : memref<4096x200x128xf32, #tpu.memory_space<hbm>> -> memref<1x200x64xf32, #tpu.memory_space<hbm>>
    %dma_wait3A_625 = tpu.memref_squeeze %dma_wait3A_624 : memref<1x200x64xf32, #tpu.memory_space<hbm>> -> memref<200x64xf32, #tpu.memory_space<hbm>>
    %dma_wait3A_626 = tpu.memref_slice %arg8[%dma_wait3A_617] : memref<2x!tpu.dma_semaphore, #tpu.memory_space<semaphore_mem>> -> memref<1x!tpu.dma_semaphore, #tpu.memory_space<semaphore_mem>>
    %dma_wait3A_627 = tpu.memref_squeeze %dma_wait3A_626 : memref<1x!tpu.dma_semaphore, #tpu.memory_space<semaphore_mem>> -> memref<!tpu.dma_semaphore, #tpu.memory_space<semaphore_mem>>
    %dma_wait3A_628 = arith.constant 0 : i32
    %dma_wait3A_629 = arith.constant 0 : i32
    %dma_wait3A_630 = tpu.memref_slice %arg4[%add3A_614, %dma_wait3A_628, %dma_wait3A_629] : memref<4096x200x128xf32, #tpu.memory_space<hbm>> -> memref<1x200x64xf32, #tpu.memory_space<hbm>>
    %dma_wait3A_631 = tpu.memref_squeeze %dma_wait3A_630 : memref<1x200x64xf32, #tpu.memory_space<hbm>> -> memref<200x64xf32, #tpu.memory_space<hbm>>
    %dma_wait3A_632 = arith.constant 0 : i32
    %dma_wait3A_633 = arith.constant 0 : i32
    %dma_wait3A_634 = tpu.memref_slice %arg6[%dma_wait3A_615, %dma_wait3A_616, %dma_wait3A_632, %dma_wait3A_633] : memref<2x4x200x64xf32, #tpu.memory_space<vmem>> -> memref<1x1x200x64xf32, #tpu.memory_space<vmem>>
    %dma_wait3A_635 = tpu.memref_squeeze %dma_wait3A_634 : memref<1x1x200x64xf32, #tpu.memory_space<vmem>> -> memref<200x64xf32, #tpu.memory_space<vmem>>
    tpu.wait_dma2 semaphore(%dma_wait3A_627 : memref<!tpu.dma_semaphore, #tpu.memory_space<semaphore_mem>>) src(%dma_wait3A_635 : memref<200x64xf32, #tpu.memory_space<vmem>>) dst(%dma_wait3A_631 : memref<200x64xf32, #tpu.memory_space<hbm>>)
    %add3A_636 = arith.constant 3 : i32
    %add3A_637 = arith.addi %add3A_566, %add3A_636 : i32
    %dma_wait3A_638 = arith.constant 1 : i32
    %dma_wait3A_639 = arith.constant 3 : i32
    %dma_wait3A_640 = arith.constant 1 : i32
    %dma_wait3A_641 = arith.constant 0 : i32
    %dma_wait3A_642 = arith.constant 0 : i32
    %dma_wait3A_643 = tpu.memref_slice %arg6[%dma_wait3A_638, %dma_wait3A_639, %dma_wait3A_641, %dma_wait3A_642] : memref<2x4x200x64xf32, #tpu.memory_space<vmem>> -> memref<1x1x200x64xf32, #tpu.memory_space<vmem>>
    %dma_wait3A_644 = tpu.memref_squeeze %dma_wait3A_643 : memref<1x1x200x64xf32, #tpu.memory_space<vmem>> -> memref<200x64xf32, #tpu.memory_space<vmem>>
    %dma_wait3A_645 = arith.constant 0 : i32
    %dma_wait3A_646 = arith.constant 0 : i32
    %dma_wait3A_647 = tpu.memref_slice %arg4[%add3A_637, %dma_wait3A_645, %dma_wait3A_646] : memref<4096x200x128xf32, #tpu.memory_space<hbm>> -> memref<1x200x64xf32, #tpu.memory_space<hbm>>
    %dma_wait3A_648 = tpu.memref_squeeze %dma_wait3A_647 : memref<1x200x64xf32, #tpu.memory_space<hbm>> -> memref<200x64xf32, #tpu.memory_space<hbm>>
    %dma_wait3A_649 = tpu.memref_slice %arg8[%dma_wait3A_640] : memref<2x!tpu.dma_semaphore, #tpu.memory_space<semaphore_mem>> -> memref<1x!tpu.dma_semaphore, #tpu.memory_space<semaphore_mem>>
    %dma_wait3A_650 = tpu.memref_squeeze %dma_wait3A_649 : memref<1x!tpu.dma_semaphore, #tpu.memory_space<semaphore_mem>> -> memref<!tpu.dma_semaphore, #tpu.memory_space<semaphore_mem>>
    %dma_wait3A_651 = arith.constant 0 : i32
    %dma_wait3A_652 = arith.constant 0 : i32
    %dma_wait3A_653 = tpu.memref_slice %arg4[%add3A_637, %dma_wait3A_651, %dma_wait3A_652] : memref<4096x200x128xf32, #tpu.memory_space<hbm>> -> memref<1x200x64xf32, #tpu.memory_space<hbm>>
    %dma_wait3A_654 = tpu.memref_squeeze %dma_wait3A_653 : memref<1x200x64xf32, #tpu.memory_space<hbm>> -> memref<200x64xf32, #tpu.memory_space<hbm>>
    %dma_wait3A_655 = arith.constant 0 : i32
    %dma_wait3A_656 = arith.constant 0 : i32
    %dma_wait3A_657 = tpu.memref_slice %arg6[%dma_wait3A_638, %dma_wait3A_639, %dma_wait3A_655, %dma_wait3A_656] : memref<2x4x200x64xf32, #tpu.memory_space<vmem>> -> memref<1x1x200x64xf32, #tpu.memory_space<vmem>>
    %dma_wait3A_658 = tpu.memref_squeeze %dma_wait3A_657 : memref<1x1x200x64xf32, #tpu.memory_space<vmem>> -> memref<200x64xf32, #tpu.memory_space<vmem>>
    tpu.wait_dma2 semaphore(%dma_wait3A_650 : memref<!tpu.dma_semaphore, #tpu.memory_space<semaphore_mem>>) src(%dma_wait3A_658 : memref<200x64xf32, #tpu.memory_space<vmem>>) dst(%dma_wait3A_654 : memref<200x64xf32, #tpu.memory_space<hbm>>)
    return
  }
}

</mosaic_0001>

<sc_bundles>
// kernel: _embed.3.cloned.1.call-start
scs
__scs_entry_jumppad:
0x0: {  	(pc) =	sbr.rel $0x88, $3  }
0x1: {  	(tag) =	ssettag $0x0;
	lr =	simm.s32 $0x1  }
0x2: {  	[smem:$0x3F9F] =	sst lr;
	_ =	strace $0xD0000000  }
0x3: {  	_ = 	snop  }
0x4: {  	_ = 	snop  }
0x5: {  	_ = 	snop  }
0x6: {  	_ = 	snop  }
0x7: {  	_ = 	snop  }
__scs_overlays_trampoline_lowered:
0x8: {  	[smem:$0x3FAE] =	sst s0  }
0x9: {  	[smem:$0x3FAF] =	sst s1  }
0xa: {  	[smem:$0x3FB0] =	sst s2  }
0xb: {  	[smem:$0x3FB1] =	sst s3  }
0xc: {  	[smem:$0x3FB2] =	sst s4  }
0xd: {  	[smem:$0x3FB3] =	sst s5  }
0xe: {  	[smem:$0x3FB4] =	sst s6  }
0xf: {  	[smem:$0x3FB5] =	sst s7  }
0x10: {  	[smem:$0x3FB6] =	sst s8  }
0x11: {  	[smem:$0x3FB7] =	sst s9;
	s0 =	simm.s32 @!p0 $0x0  }
0x12: {  	s1 =	sld [smem:$0x3F9D];
	s0 =	simm.s32 @p0 $0x1  }
0x13: {  	[smem:$0x3FB8] =	sst s0;
	s0 =	simm.s32 @!p1 $0x0  }
0x14: {  	s2 =	sld [smem:$0x3F9C];
	s0 =	simm.s32 @p1 $0x1  }
0x15: {  	[smem:$0x3FB9] =	sst s0;
	s0 =	simm.s32 @!p2 $0x0  }
0x16: {  	s3 =	sld [smem:$0x3FDB];
	s0 =	simm.s32 @p2 $0x1  }
0x17: {  	s4 =	simm.s32 $0x1BF5;
	[smem:$0x3FBB] =	sst s0  }
0x18: {  	s0 =	sld [smem:$0x3F9E];
	_ =	swait.ge [sflag:s4], $0x0  }
0x19: {  	s7 =	sld [smem:$0x3F9F]  }
0x1a: {  	s8 =	sadd.s32 $0xFFFFE003, lr  }
0x1b: {  	s9 =	sadd.s32 $0xFFFFFEF7, lr;
	s5 =	simm.s32 $0xFFFFFFFF;
	p2 =	slt.u32 s8, $0xFFFFF086  }
0x1c: {  	p1 =	slt.u32 s9, $0xF7A;
	s5 =	simm.s32 @!p2 $0x0  }
0x1d: {  	s5 =	simm.s32 @p1 $0x1;
	p0 =	seq.s32 s7, s2  }
0x1e: {  	s7 =	smul.u32 @!p0 $0xF7A, s2;
	p2 =	seq.s32 @!p0 s5, $0x0  }
0x1f: {  	s9 =	smul.u32 $0xF7A, s1;
	s8 =	simm.s32 @!p0 $0x1BF5;
	p2 =	por !p2, p0  }
0x20: {  	[sflag:s8] =	ssyncset.s32 @!p0 $0xFFFFF086;
	s6 =	sadd.s32 @!p0 s3, s7;
	s7 =	simm.s32 @!p0 $0x108  }
0x21: {  	s3 =	sadd.s32 s3, s9;
	s6 =	sadd.s32 @!p0 $0x88, s6;
	s7 =	simm.s32 @p2 $0x1082  }
0x22: {  	[simem:s7], [sflag:s8] =	dma.local @!p0 [hbm:s6], $0xF7A  }
0x23: {  	s9 =	sor.u32 $0xD0000000, s2;
	s6 =	simm.s32 $0x108;
	_ =	swait.ge @!p0 [sflag:s8], $0x0  }
0x24: {  	s3 =	sadd.s32 $0x88, s3;
	s6 =	simm.s32 @!p1 $0x1082;
	[sflag:s4] =	ssyncset.s32 $0xFFFFF086  }
0x25: {  	[simem:s6], [sflag:s4] =	dma.local [hbm:s3], $0xF7A  }
0x26: {  	[smem:$0x3F9F] =	sst s1;
	(tag) =	ssettag s2;
	_ =	strace s9  }
0x27: {  	s1 =	sld [smem:$0x3FAF]  }
0x28: {  	s2 =	sld [smem:$0x3FB0]  }
0x29: {  	s4 =	sld [smem:$0x3FB2]  }
0x2a: {  	p0 =	seq.s32 s5, $0x0;
	s5 =	sld [smem:$0x3FB3]  }
0x2b: {  	s6 =	sld [smem:$0x3FB4]  }
0x2c: {  	s7 =	sld [smem:$0x3FB5]  }
0x2d: {  	s3 =	simm.s32 $0x108;
	s8 =	sld [smem:$0x3FB6]  }
0x2e: {  	s3 =	simm.s32 @!p0 $0x1082;
	s9 =	sld [smem:$0x3FB7]  }
0x2f: {  	lr =	sadd.s32 s0, s3;
	s0 =	sld [smem:$0x3FAE]  }
0x30: {  	s3 =	sld [smem:$0x3FB1]  }
0x31: {  	[smem:$0x3FBA] =	sst s10  }
0x32: {  	s10 =	sld [smem:$0x3FB8];
	_ =	sdelay $0x3  }
0x33: {  	p0 =	seq.s32 s10, $0x1;
	s10 =	sld [smem:$0x3FBA];
	_ =	sdelay $0x3  }
0x34: {  	[smem:$0x3FBA] =	sst s10  }
0x35: {  	s10 =	sld [smem:$0x3FB9];
	_ =	sdelay $0x3  }
0x36: {  	p1 =	seq.s32 s10, $0x1;
	s10 =	sld [smem:$0x3FBA];
	_ =	sdelay $0x3  }
0x37: {  	[smem:$0x3FBA] =	sst s10  }
0x38: {  	s10 =	sld [smem:$0x3FBB]  }
0x39: {  	_ = 	snop;
	(pc) =	sbr.ind lr, $3  }
0x3a: {  	_ = 	snop  }
0x3b: {  	_ = 	snop  }
0x3c: {  	p2 =	seq.s32 s10, $0x1;
	s10 =	sld [smem:$0x3FBA]  }
0x3d: {  	_ =	shalt  }
0x3e: {  	_ =	shalt  }
0x3f: {  	_ =	shalt  }
0x40: {  	_ =	shalt  }
0x41: {  	_ =	shalt  }
0x42: {  	_ =	shalt  }
0x43: {  	_ =	shalt  }
0x44: {  	_ =	shalt  }
0x45: {  	_ =	shalt  }
0x46: {  	_ =	shalt  }
0x47: {  	_ =	shalt  }
0x48: {  	_ =	shalt  }
0x49: {  	_ =	shalt  }
0x4a: {  	_ =	shalt  }
0x4b: {  	_ =	shalt  }
0x4c: {  	_ =	shalt  }
0x4d: {  	_ =	shalt  }
0x4e: {  	_ =	shalt  }
0x4f: {  	_ =	shalt  }
0x50: {  	_ =	shalt  }
0x51: {  	_ =	shalt  }
0x52: {  	_ =	shalt  }
0x53: {  	_ =	shalt  }
0x54: {  	_ =	shalt  }
0x55: {  	_ =	shalt  }
0x56: {  	_ =	shalt  }
0x57: {  	_ =	shalt  }
0x58: {  	_ =	shalt  }
0x59: {  	_ =	shalt  }
0x5a: {  	_ =	shalt  }
0x5b: {  	_ =	shalt  }
0x5c: {  	_ =	shalt  }
0x5d: {  	_ =	shalt  }
0x5e: {  	_ =	shalt  }
0x5f: {  	_ =	shalt  }
0x60: {  	_ =	shalt  }
0x61: {  	_ =	shalt  }
0x62: {  	_ =	shalt  }
0x63: {  	_ =	shalt  }
0x64: {  	_ =	shalt  }
0x65: {  	_ =	shalt  }
0x66: {  	_ =	shalt  }
0x67: {  	_ =	shalt  }
0x68: {  	_ =	shalt  }
0x69: {  	_ =	shalt  }
0x6a: {  	_ =	shalt  }
0x6b: {  	_ =	shalt  }
0x6c: {  	_ =	shalt  }
0x6d: {  	_ =	shalt  }
0x6e: {  	_ =	shalt  }
0x6f: {  	_ =	shalt  }
0x70: {  	_ =	shalt  }
0x71: {  	_ =	shalt  }
0x72: {  	_ =	shalt  }
0x73: {  	_ =	shalt  }
0x74: {  	_ =	shalt  }
0x75: {  	_ =	shalt  }
0x76: {  	_ =	shalt  }
0x77: {  	_ =	shalt  }
0x78: {  	_ =	shalt  }
0x79: {  	_ =	shalt  }
0x7a: {  	_ =	shalt  }
0x7b: {  	_ =	shalt  }
0x7c: {  	_ =	shalt  }
0x7d: {  	_ =	shalt  }
0x7e: {  	_ =	shalt  }
0x7f: {  	_ =	shalt  }
0x80: {  	_ =	shalt  }
0x81: {  	_ =	shalt  }
0x82: {  	_ =	shalt  }
0x83: {  	_ =	shalt  }
0x84: {  	_ =	shalt  }
0x85: {  	_ =	shalt  }
0x86: {  	_ =	shalt  }
0x87: {  	_ =	shalt  }
.Lfunc_end0:
.L_simem_size_0:
called_computation.1_lowered:
.L_overlay_start_0:
0x88: {  	s2 =	sld [smem:$0x3FD9]  }
0x89: {  	s3 =	sld [smem:$0x3FFE];
	_ =	sdelay $0x1  }
0x8a: {  	s1 =	srdreg.scid  }
0x8b: {  	s0 =	sand.u32 $0x1, s1  }
0x8c: {  	s16 =	sshll.u32 s0, $0xA;
	s2 =	sadd.s32 s3, s2  }
0x8d: {  	s2 =	sadd.s32 s2, s16  }
0x8e: {  	[smem:$0x3FC6] =	sst s2  }
0x8f: {  	_ = 	snop  }
0x90: {  	(tm) =	ssettm $0x1  }
0x91: {  	s17 =	sld [smem:$0x3FFB];
	_ =	sdelay $0x3  }
0x92: {  	_ =	strace s17  }
0x93: {  	s2 =	sld [smem:$0x3FFC];
	_ =	sdelay $0x3  }
0x94: {  	_ =	strace s2  }
0x95: {  	s2 =	sld [smem:$0x3FFD];
	_ =	sdelay $0x3  }
0x96: {  	_ =	strace s2  }
0x97: {  	_ =	strace $0x8FFFFFFF  }
0x98: {  	s18 =	sld [smem:$0x3FDB];
	_ =	sdelay $0x1  }
0x99: {  	s19 =	simm.s32 $_scs_section_size  }
0x9a: {  	s4 =	simm.s32 $_size__tile_overlayer_lowered;
	s5 =	simm.s32 $_tile_overlayer_lowered  }
0x9b: {  	s22 =	simm.s32 $0x1BFF;
	s21 =	sshll.u32 s5, $0x1;
	s2 =	sadd.s32 s19, s18  }
0x9c: {  	s6 =	simm.s32 $0x0;
	s20 =	sshll.u32 s4, $0x1;
	s4 =	sadd.s32 s21, s2  }
0x9d: {  	[timem:s6], [sflag:s22] =	dma.local [hbm:s4], s20  }
0x9e: {  	_ =	swait.ge [sflag:s22], s20  }
0x9f: {  	s3 =	ssub.s32 $0x0, s20;
	[sflag:s22] =	ssyncset.done $0x0  }
0xa0: {  	[sflag:s22] =	ssyncadd.s32 s3;
	_ =	sdelay $0x1  }
0xa1: {  	s23 =	simm.s32 $0x1B8B  }
0xa2: {  	_ =	swait.ge [sflag:s23], $0x1  }
0xa3: {  	[sflag:s23] =	ssyncset.done $0x0  }
0xa4: {  	s25 =	simm.s32 $0x1B8E;
	s24 =	sld [smem:$0x3FFE];
	[sflag:s23] =	ssyncadd.s32 $0xFFFFFFFF  }
0xa5: {  	s26 =	simm.s32 $execute0_lowered;
	[smem:$0x3FD2] =	sst s25  }
0xa6: {  	s4 =	sshll.u32 s26, $0x1;
	_ =	strace $0x80000046;
	[dreg:$0x1] =	wrdreg $0xFFFFFFFF  }
0xa7: {  	s28 =	simm.s32 $_size_execute0_lowered;
	s2 =	sadd.s32 s2, s4;
	[dreg:$0x0] =	wrdreg $0x0  }
0xa8: {  	s4 =	sshll.u32 s28, $0x1;
	[dreg:$0x2] =	wrdreg s2  }
0xa9: {  	[dreg:$0x3] =	wrdreg s4  }
0xaa: {  	[dreg:$0x4] =	wrdreg $0xC0  }
0xab: {  	_ =	task [dreg:s6], $0x5FFFF  }
0xac: {  	[dreg:$0x1] =	wrdreg $0xFFFFFFFF  }
0xad: {  	[dreg:$0x0] =	wrdreg $0x60  }
0xae: {  	[dreg:$0x2] =	wrdreg s24  }
0xaf: {  	[dreg:$0x3] =	wrdreg $0x9  }
0xb0: {  	_ =	task.clear_ibuf [dreg:s6], $0x4FFFF;
	_ =	strace $0x90000046  }
0xb1: {  	s29 =	simm.s32 $0x9;
	_ =	strace $0x80000048  }
0xb2: {  	_ =	swait.ge [sflag:s29], $0x1  }
0xb3: {  	[sflag:s29] =	ssyncadd.s32 $0xFFFFFFFF  }
0xb4: {  	_ =	strace $0x90000048  }
0xb5: {  	_ =	sfence  }
0xb6: {  	s30 =	sld [smem:$0x0];
	_ =	sdelay $0x2  }
0xb7: {  	s31 =	sshll.u32 s1, $0xD;
	s1 =	sshrl.u32 s1, $0x2  }
0xb8: {  	s3 =	sand.u32 $0x4000, s31;
	s1 =	sadd.s32 s1, s30  }
0xb9: {  	s0 =	sor.u32 s3, s0;
	s1 =	sshll.u32 s1, $0x11  }
0xba: {  	s0 =	sor.u32 s1, s0  }
0xbb: {  	s0 =	sadd.s32 $0x8F2B, s0  }
0xbc: {  	[sflag:s0] =	ssyncadd.remote.s32 $0x1  }
0xbd: {  	_ =	sfence.sel $0xFFFF  }
0xbe: {  	[dreg:$0x0] =	wrdreg $0xFFFFFFFF;
	(pc) =	sbr.abs _section_cstart, $3  }
0xbf: {  	[dreg:$0x1] =	wrdreg $0xFFFFFFFF  }
0xc0: {  	_ =	task.clear_ibuf [dreg:s6], $0x2FFFF;
	_ =	strace $0x9FFFFFFF  }
0xc1: {  	(tm) =	ssettm $0x7FFFFFFF  }
tec
execute0_lowered:
.L_overlay_start_1:
0x0: {  	(tag) =	ssettag $0x1  }
0x1: {  	s0 =	rddreg [dreg:$0x0];
	s12 =	stileid.u32  }
0x2: {  	s1 =	srdreg.scid;
	s21 =	smul.u32 $0x1900, s12  }
0x3: {  	s2 =	simm.s32 $0x0;
	s28 =	simm.s32 $0x320;
	s24 =	smul.u32 $0xC8000, s12  }
0x4: {  	s29 =	simm.s32 $0xCE40;
	s1 =	sand.u32 $0x1, s1;
	s25 =	smul.u32 $0x640000, s12  }
0x5: {  	s31 =	simm.s32 $0x10040;
	s3 =	sshll.u32 s12, $0x8;
	s23 =	smul.u32 $0xC80, s1  }
0x6: {  	[smem:$0x7FF] =	sst s2;
	s4 =	sshll.u32 s1, $0x7;
	s30 =	smul.u32 $0x320000, s1  }
0x7: {  	s9 =	ssub.s32 $0x2, s1;
	s1 =	smul.u32 $0x64000, s1;
	s4 =	sor.u32 s4, s3  }
0x8: {  	s6 =	sadd.s32 $0x800, s0;
	_ =	strace $0x80000047;
	s5 =	smul.u32 $0x19, s4  }
0x9: {  	s3 =	sadd.s32 $0x19800, s0;
	s0 =	sadd.s32 $0xDCE00, s0;
	s7 =	smul.u32 $0xC80, s4  }
0xa: {  	s11 =	sshrl.u32 s9, $0x1;
	s8 =	sor.u32 $0x4, s4;
	s4 =	smul.u32 $0x6400, s4  }
0xb: {  	s13 =	sadd.s32 s21, s6;
	s9 =	ssub.s32 s9, s11;
	s10 =	smul.u32 $0x19, s8  }
0xc: {  	s14 =	sadd.s32 s24, s0;
	s15 =	sadd.s32 s30, s25;
	s8 =	smul.u32 $0xC80, s8  }
0xd: {  	s12 =	smax.u32 s9, $0x1;
	s1 =	sadd.s32 s1, s14;
	s16 =	sadd.s32 $0x5DC00, s15  }
0xe: {  	s18 =	sadd.s32 $0x57800, s15;
	s25 =	sadd.s32 $0x3E800, s15;
	s9 =	simm.s32 $0x4  }
0xf: {  	s19 =	sadd.s32 s0, s7;
	s5 =	sadd.s32 s6, s5;
	[dreg:$0x13] =	wrdreg s12  }
0x10: {  	s4 =	sshrl.u32 s4, $0x3;
	[dreg:$0x2] =	wrdreg s1;
	s17 =	sshrl.u32 s16, $0x3  }
0x11: {  	s16 =	simm.s32 $0x5;
	[dreg:$0xa] =	wrdreg s5;
	s20 =	sadd.s32 $0xC80, s19  }
0x12: {  	s7 =	sadd.s32 $0x1900, s19;
	s22 =	sadd.s32 $0x2580, s19;
	[dreg:$0x9] =	wrdreg s19  }
0x13: {  	s10 =	sadd.s32 s6, s10;
	s8 =	sadd.s32 s0, s8;
	[dreg:$0xb] =	wrdreg s20  }
0x14: {  	s4 =	sadd.s32 s0, s4;
	s11 =	sadd.s32 $0x3E80, s19;
	[dreg:$0xc] =	wrdreg s7  }
0x15: {  	s1 =	sadd.s32 s17, s0;
	s5 =	sshrl.u32 s18, $0x3;
	[dreg:$0xd] =	wrdreg s22  }
0x16: {  	s19 =	sadd.s32 $0x51400, s15;
	s6 =	sadd.s32 $0x38400, s15;
	[dreg:$0xe] =	wrdreg s10  }
0x17: {  	s17 =	simm.s32 $0xC8;
	s18 =	simm.s32 $0x640;
	[dreg:$0xf] =	wrdreg s8  }
0x18: {  	[dreg:$0x10] =	wrdreg s11;
	s26 =	sadd.s32 $0x4B00, s4;
	s4 =	sadd.s32 $0x5780, s4  }
0x19: {  	[dreg:$0x3] =	wrdreg s1;
	s20 =	sadd.s32 s5, s0;
	s21 =	sshrl.u32 s19, $0x3  }
0x1a: {  	s5 =	sshrl.u32 s25, $0x3;
	s30 =	sshrl.u32 s6, $0x3;
	s19 =	simm.s32 $0x3840  }
0x1b: {  	s25 =	simm.s32 $0x40;
	s6 =	simm.s32 $0x16440;
	[dreg:$0x11] =	wrdreg s26  }
0x1c: {  	s7 =	simm.s32 $0x2;
	s8 =	simm.s32 $0x3;
	[dreg:$0x12] =	wrdreg s4  }
0x1d: {  	s4 =	sadd.s32 s23, s13;
	[dreg:$0x4] =	wrdreg s20;
	s22 =	sadd.s32 s21, s0  }
0x1e: {  	s23 =	sadd.s32 $0x44C00, s15;
	s26 =	sadd.s32 s5, s0;
	s21 =	simm.s32 $0x6A40  }
0x1f: {  	s5 =	simm.s32 $0x3E8;
	[dreg:$0x5] =	wrdreg s22;
	s24 =	sshrl.u32 s23, $0x3  }
0x20: {  	s4 =	sadd.s32 $0x12C, s4;
	[dreg:$0x7] =	wrdreg s26;
	s23 =	simm.s32 $0x9C40  }
0x21: {  	s26 =	simm.s32 $0x80;
	s1 =	sadd.s32 s24, s0;
	[dreg:$0x14] =	wrdreg s4  }
0x22: {  	s0 =	sadd.s32 s30, s0;
	s24 =	simm.s32 $0x1;
	[dreg:$0x6] =	wrdreg s1  }
0x23: {  	[dreg:$0x8] =	wrdreg s0;
	s1 =	simm.s32 $0x13240;
	s0 =	simm.s32 $0x0  }
.LBB2_1:
0x24: {  	[dreg:$0x15] =	wrdreg s0  }
0x25: {  	s4 =	rddreg [dreg:$0xa]  }
0x26: {  	[tilespmem:s2], [sflag:$0x5] =	stream.linear.gather [hbm4b:s4+s2], $0x320, $0x38;
	[tilespmem:$0x19640] =	vst v63  }
0x27: {  	_ =	swait.ge [sflag:s16], $0x320  }
0x28: {  	[sflag:s16] =	ssyncset.done $0x0  }
0x29: {  	[sflag:s16] =	ssyncadd.s32 $0xFFFFFCE0  }
0x2a: {  	[tilespmem:s18], [sflag:$0x1] =	stream.indirect.gather [hbm4b:s3+s17], $0x40, s2, s17, $0xb8;
	[tilespmem:$0x19640] =	vst v63  }
0x2b: {  	_ = 	snop  }
0x2c: {  	[tilespmem:s19], [sflag:$0x1] =	stream.indirect.gather [hbm4b:s3+s17], $0x40, s17, s17, $0xb8;
	[tilespmem:$0x19640] =	vst v63  }
0x2d: {  	s14 =	simm.s32 $0x190  }
0x2e: {  	[tilespmem:s21], [sflag:$0x1] =	stream.indirect.gather [hbm4b:s3+s17], $0x40, s14, s17, $0xb8;
	[tilespmem:$0x19640] =	vst v63  }
0x2f: {  	s20 =	simm.s32 $0x258  }
0x30: {  	[tilespmem:s23], [sflag:$0x1] =	stream.indirect.gather [hbm4b:s3+s17], $0x40, s20, s17, $0xb8;
	[tilespmem:$0x19640] =	vst v63  }
0x31: {  	_ =	swait.ge [sflag:s24], $0x3200  }
0x32: {  	[sflag:s24] =	ssyncset.done $0x0  }
0x33: {  	[sflag:s24] =	ssyncadd.s32 $0xFFFFCE00  }
0x34: {  	_ =	swait.ge [sflag:s24], $0x3200  }
0x35: {  	[sflag:s24] =	ssyncset.done $0x0  }
0x36: {  	[sflag:s24] =	ssyncadd.s32 $0xFFFFCE00  }
0x37: {  	_ =	swait.ge [sflag:s24], $0x3200  }
0x38: {  	[sflag:s24] =	ssyncset.done $0x0  }
0x39: {  	[sflag:s24] =	ssyncadd.s32 $0xFFFFCE00  }
0x3a: {  	_ =	swait.ge [sflag:s24], $0x3200  }
0x3b: {  	[sflag:s24] =	ssyncset.done $0x0  }
0x3c: {  	s12 =	rddreg [dreg:$0x9];
	[sflag:s24] =	ssyncadd.s32 $0xFFFFCE00  }
0x3d: {  	[hbm4b:s12+s25] =	stream.strided.scatter [tilespmem:s18], [sflag:$0x3], $0x3200, s26, s25, $0x38;
	[tilespmem:$0x19640] =	vst v63  }
0x3e: {  	s13 =	rddreg [dreg:$0xb]  }
0x3f: {  	[hbm4b:s13+s25] =	stream.strided.scatter [tilespmem:s19], [sflag:$0x3], $0x3200, s26, s25, $0x38;
	[tilespmem:$0x19640] =	vst v63  }
0x40: {  	s15 =	rddreg [dreg:$0xc]  }
0x41: {  	[hbm4b:s15+s25] =	stream.strided.scatter [tilespmem:s21], [sflag:$0x3], $0x3200, s26, s25, $0x38;
	[tilespmem:$0x19640] =	vst v63  }
0x42: {  	s22 =	rddreg [dreg:$0xd]  }
0x43: {  	[hbm4b:s22+s25] =	stream.strided.scatter [tilespmem:s23], [sflag:$0x3], $0x3200, s26, s25, $0x38;
	[tilespmem:$0x19640] =	vst v63  }
0x44: {  	s0 =	rddreg [dreg:$0xe]  }
0x45: {  	[tilespmem:s28], [sflag:$0x5] =	stream.linear.gather [hbm4b:s0+s2], $0x320, $0x38;
	[tilespmem:$0x19640] =	vst v63  }
0x46: {  	_ =	swait.ge [sflag:s16], $0x320  }
0x47: {  	[sflag:s16] =	ssyncset.done $0x0  }
0x48: {  	[sflag:s16] =	ssyncadd.s32 $0xFFFFFCE0  }
0x49: {  	[tilespmem:s29], [sflag:$0x2] =	stream.indirect.gather [hbm4b:s3+s17], $0x40, s28, s17, $0xb8;
	[tilespmem:$0x19640] =	vst v63  }
0x4a: {  	s22 =	simm.s32 $0x3E8  }
0x4b: {  	[tilespmem:s31], [sflag:$0x2] =	stream.indirect.gather [hbm4b:s3+s17], $0x40, s22, s17, $0xb8;
	[tilespmem:$0x19640] =	vst v63  }
0x4c: {  	s30 =	simm.s32 $0x4B0  }
0x4d: {  	[tilespmem:s1], [sflag:$0x2] =	stream.indirect.gather [hbm4b:s3+s17], $0x40, s30, s17, $0xb8;
	[tilespmem:$0x19640] =	vst v63  }
0x4e: {  	s10 =	simm.s32 $0x578  }
0x4f: {  	[tilespmem:s6], [sflag:$0x2] =	stream.indirect.gather [hbm4b:s3+s17], $0x40, s10, s17, $0xb8;
	[tilespmem:$0x19640] =	vst v63  }
0x50: {  	_ =	swait.ge [sflag:s7], $0x3200  }
0x51: {  	[sflag:s7] =	ssyncset.done $0x0  }
0x52: {  	[sflag:s7] =	ssyncadd.s32 $0xFFFFCE00  }
0x53: {  	_ =	swait.ge [sflag:s7], $0x3200  }
0x54: {  	[sflag:s7] =	ssyncset.done $0x0  }
0x55: {  	[sflag:s7] =	ssyncadd.s32 $0xFFFFCE00  }
0x56: {  	_ =	swait.ge [sflag:s7], $0x3200  }
0x57: {  	[sflag:s7] =	ssyncset.done $0x0  }
0x58: {  	[sflag:s7] =	ssyncadd.s32 $0xFFFFCE00  }
0x59: {  	_ =	swait.ge [sflag:s7], $0x3200  }
0x5a: {  	[sflag:s7] =	ssyncset.done $0x0  }
0x5b: {  	s11 =	rddreg [dreg:$0xf];
	[sflag:s7] =	ssyncadd.s32 $0xFFFFCE00  }
0x5c: {  	[hbm4b:s11+s25] =	stream.strided.scatter [tilespmem:s29], [sflag:$0x4], $0x3200, s26, s25, $0x38;
	[tilespmem:$0x19640] =	vst v63  }
0x5d: {  	s12 =	rddreg [dreg:$0x10]  }
0x5e: {  	[hbm4b:s12+s25] =	stream.strided.scatter [tilespmem:s31], [sflag:$0x4], $0x3200, s26, s25, $0x38;
	[tilespmem:$0x19640] =	vst v63  }
0x5f: {  	s13 =	rddreg [dreg:$0x11]  }
0x60: {  	[hbm4b:s13+s25] =	stream.strided.scatter [tilespmem:s1], [sflag:$0x4], $0x3200, s26, s25, $0x38;
	[tilespmem:$0x19640] =	vst v63  }
0x61: {  	s15 =	rddreg [dreg:$0x12]  }
0x62: {  	[hbm4b:s15+s25] =	stream.strided.scatter [tilespmem:s6], [sflag:$0x4], $0x3200, s26, s25, $0x38;
	[tilespmem:$0x19640] =	vst v63  }
0x63: {  	s0 =	rddreg [dreg:$0x2];
	_ =	swait.ge [sflag:s8], $0x3200  }
0x64: {  	[sflag:s8] =	ssyncset.done $0x0  }
0x65: {  	[sflag:s8] =	ssyncadd.s32 $0xFFFFCE00  }
0x66: {  	s10 =	rddreg [dreg:$0x8];
	_ =	swait.ge [sflag:s8], $0x3200  }
0x67: {  	[sflag:s8] =	ssyncset.done $0x0  }
0x68: {  	[sflag:s8] =	ssyncadd.s32 $0xFFFFCE00  }
0x69: {  	s11 =	rddreg [dreg:$0x7];
	_ =	swait.ge [sflag:s8], $0x3200  }
0x6a: {  	[sflag:s8] =	ssyncset.done $0x0  }
0x6b: {  	[sflag:s8] =	ssyncadd.s32 $0xFFFFCE00  }
0x6c: {  	s12 =	rddreg [dreg:$0x6];
	_ =	swait.ge [sflag:s8], $0x3200  }
0x6d: {  	[sflag:s8] =	ssyncset.done $0x0;
	s15 =	rddreg [dreg:$0x14]  }
0x6e: {  	[sflag:s8] =	ssyncadd.s32 $0xFFFFCE00;
	s13 =	sadd.s32 $0xFFFFFF9C, s15  }
0x6f: {  	[tilespmem:s2], [sflag:$0x5] =	stream.linear.gather [hbm4b:s13+s2], $0x320, $0x38;
	[tilespmem:$0x19640] =	vst v63  }
0x70: {  	_ =	swait.ge [sflag:s16], $0x320  }
0x71: {  	[sflag:s16] =	ssyncset.done $0x0  }
0x72: {  	[sflag:s16] =	ssyncadd.s32 $0xFFFFFCE0  }
0x73: {  	[tilespmem:s18], [sflag:$0x1] =	stream.indirect.gather [hbm4b:s3+s17], $0x40, s2, s17, $0xb8;
	[tilespmem:$0x19640] =	vst v63  }
0x74: {  	_ = 	snop  }
0x75: {  	[tilespmem:s19], [sflag:$0x1] =	stream.indirect.gather [hbm4b:s3+s17], $0x40, s17, s17, $0xb8;
	[tilespmem:$0x19640] =	vst v63  }
0x76: {  	_ = 	snop  }
0x77: {  	[tilespmem:s21], [sflag:$0x1] =	stream.indirect.gather [hbm4b:s3+s17], $0x40, s14, s17, $0xb8;
	[tilespmem:$0x19640] =	vst v63  }
0x78: {  	_ = 	snop  }
0x79: {  	[tilespmem:s23], [sflag:$0x1] =	stream.indirect.gather [hbm4b:s3+s17], $0x40, s20, s17, $0xb8;
	[tilespmem:$0x19640] =	vst v63  }
0x7a: {  	_ =	swait.ge [sflag:s24], $0x3200  }
0x7b: {  	[sflag:s24] =	ssyncset.done $0x0  }
0x7c: {  	[sflag:s24] =	ssyncadd.s32 $0xFFFFCE00  }
0x7d: {  	_ =	swait.ge [sflag:s24], $0x3200  }
0x7e: {  	[sflag:s24] =	ssyncset.done $0x0  }
0x7f: {  	[sflag:s24] =	ssyncadd.s32 $0xFFFFCE00  }
0x80: {  	_ =	swait.ge [sflag:s24], $0x3200  }
0x81: {  	[sflag:s24] =	ssyncset.done $0x0  }
0x82: {  	[sflag:s24] =	ssyncadd.s32 $0xFFFFCE00  }
0x83: {  	_ =	swait.ge [sflag:s24], $0x3200  }
0x84: {  	s4 =	sadd.s32 $0x0, s0;
	[sflag:s24] =	ssyncset.done $0x0  }
0x85: {  	s0 =	sadd.s32 $0x6400, s4;
	[sflag:s24] =	ssyncadd.s32 $0xFFFFCE00  }
0x86: {  	[hbm4b:s0+s25] =	stream.strided.scatter [tilespmem:s18], [sflag:$0x3], $0x3200, s26, s25, $0x38;
	[tilespmem:$0x19640] =	vst v63  }
0x87: {  	s10 =	sadd.s32 $0x0, s10  }
0x88: {  	[hbm4b:s10+s25] =	stream.strided.scatter [tilespmem:s19], [sflag:$0x3], $0x3200, s26, s25, $0x38;
	[tilespmem:$0x19640] =	vst v63  }
0x89: {  	s13 =	sadd.s32 $0x0, s11  }
0x8a: {  	[hbm4b:s13+s25] =	stream.strided.scatter [tilespmem:s21], [sflag:$0x3], $0x3200, s26, s25, $0x38;
	[tilespmem:$0x19640] =	vst v63  }
0x8b: {  	s14 =	sadd.s32 $0x0, s12  }
0x8c: {  	[hbm4b:s14+s25] =	stream.strided.scatter [tilespmem:s23], [sflag:$0x3], $0x3200, s26, s25, $0x38;
	[tilespmem:$0x19640] =	vst v63  }
0x8d: {  	_ =	swait.ge [sflag:s9], $0x3200  }
0x8e: {  	[sflag:s9] =	ssyncset.done $0x0  }
0x8f: {  	[sflag:s9] =	ssyncadd.s32 $0xFFFFCE00  }
0x90: {  	s20 =	rddreg [dreg:$0x5];
	_ =	swait.ge [sflag:s9], $0x3200  }
0x91: {  	[sflag:s9] =	ssyncset.done $0x0  }
0x92: {  	[sflag:s9] =	ssyncadd.s32 $0xFFFFCE00  }
0x93: {  	s11 =	rddreg [dreg:$0x4];
	_ =	swait.ge [sflag:s9], $0x3200  }
0x94: {  	[sflag:s9] =	ssyncset.done $0x0  }
0x95: {  	[sflag:s9] =	ssyncadd.s32 $0xFFFFCE00  }
0x96: {  	s13 =	rddreg [dreg:$0x3];
	_ =	swait.ge [sflag:s9], $0x3200  }
0x97: {  	[sflag:s9] =	ssyncset.done $0x0  }
0x98: {  	[sflag:s9] =	ssyncadd.s32 $0xFFFFCE00  }
0x99: {  	[tilespmem:s28], [sflag:$0x5] =	stream.linear.gather [hbm4b:s15+s2], $0x320, $0x38;
	[tilespmem:$0x19640] =	vst v63  }
0x9a: {  	_ =	swait.ge [sflag:s16], $0x320  }
0x9b: {  	[sflag:s16] =	ssyncset.done $0x0  }
0x9c: {  	[sflag:s16] =	ssyncadd.s32 $0xFFFFFCE0  }
0x9d: {  	[tilespmem:s29], [sflag:$0x2] =	stream.indirect.gather [hbm4b:s3+s17], $0x40, s28, s17, $0xb8;
	[tilespmem:$0x19640] =	vst v63  }
0x9e: {  	_ = 	snop  }
0x9f: {  	[tilespmem:s31], [sflag:$0x2] =	stream.indirect.gather [hbm4b:s3+s17], $0x40, s22, s17, $0xb8;
	[tilespmem:$0x19640] =	vst v63  }
0xa0: {  	_ = 	snop  }
0xa1: {  	[tilespmem:s1], [sflag:$0x2] =	stream.indirect.gather [hbm4b:s3+s17], $0x40, s30, s17, $0xb8;
	[tilespmem:$0x19640] =	vst v63  }
0xa2: {  	s22 =	simm.s32 $0x578  }
0xa3: {  	[tilespmem:s6], [sflag:$0x2] =	stream.indirect.gather [hbm4b:s3+s17], $0x40, s22, s17, $0xb8;
	[tilespmem:$0x19640] =	vst v63  }
0xa4: {  	_ =	swait.ge [sflag:s7], $0x3200  }
0xa5: {  	[sflag:s7] =	ssyncset.done $0x0  }
0xa6: {  	[sflag:s7] =	ssyncadd.s32 $0xFFFFCE00  }
0xa7: {  	_ =	swait.ge [sflag:s7], $0x3200  }
0xa8: {  	[sflag:s7] =	ssyncset.done $0x0  }
0xa9: {  	[sflag:s7] =	ssyncadd.s32 $0xFFFFCE00  }
0xaa: {  	_ =	swait.ge [sflag:s7], $0x3200  }
0xab: {  	[sflag:s7] =	ssyncset.done $0x0  }
0xac: {  	[sflag:s7] =	ssyncadd.s32 $0xFFFFCE00  }
0xad: {  	s4 =	sadd.s32 $0x9600, s4;
	_ =	swait.ge [sflag:s7], $0x3200  }
0xae: {  	s0 =	simm.s32 $0x4B0;
	s14 =	sadd.s32 $0x0, s20;
	[sflag:s7] =	ssyncset.done $0x0  }
0xaf: {  	s10 =	sadd.s32 $0x0, s13;
	s13 =	sadd.s32 $0xC8, s15;
	[sflag:s7] =	ssyncadd.s32 $0xFFFFCE00  }
0xb0: {  	[hbm4b:s4+s25] =	stream.strided.scatter [tilespmem:s29], [sflag:$0x4], $0x3200, s26, s25, $0x38;
	[tilespmem:$0x19640] =	vst v63  }
0xb1: {  	s30 =	simm.s32 $0x578;
	s22 =	sadd.s32 $0x0, s11;
	s20 =	rddreg [dreg:$0x2]  }
0xb2: {  	[hbm4b:s14+s25] =	stream.strided.scatter [tilespmem:s31], [sflag:$0x4], $0x3200, s26, s25, $0x38;
	[tilespmem:$0x19640] =	vst v63  }
0xb3: {  	s11 =	simm.s32 $0x6400;
	s12 =	sadd.s32 $0x6400, s20;
	s14 =	simm.s32 $0xC800  }
0xb4: {  	[hbm4b:s22+s25] =	stream.strided.scatter [tilespmem:s1], [sflag:$0x4], $0x3200, s26, s25, $0x38;
	[tilespmem:$0x19640] =	vst v63  }
.LBB2_2:
0xb5: {  	[hbm4b:s10+s25] =	stream.strided.scatter [tilespmem:s6], [sflag:$0x4], $0x3200, s26, s25, $0x38;
	[tilespmem:$0x19640] =	vst v63  }
0xb6: {  	_ =	swait.ge [sflag:s8], $0x3200  }
0xb7: {  	[sflag:s8] =	ssyncset.done $0x0  }
0xb8: {  	[sflag:s8] =	ssyncadd.s32 $0xFFFFCE00  }
0xb9: {  	s15 =	rddreg [dreg:$0x8];
	_ =	swait.ge [sflag:s8], $0x3200  }
0xba: {  	[sflag:s8] =	ssyncset.done $0x0  }
0xbb: {  	[sflag:s8] =	ssyncadd.s32 $0xFFFFCE00  }
0xbc: {  	s10 =	rddreg [dreg:$0x7];
	_ =	swait.ge [sflag:s8], $0x3200  }
0xbd: {  	[sflag:s8] =	ssyncset.done $0x0  }
0xbe: {  	[sflag:s8] =	ssyncadd.s32 $0xFFFFCE00  }
0xbf: {  	s20 =	rddreg [dreg:$0x6];
	_ =	swait.ge [sflag:s8], $0x3200  }
0xc0: {  	[sflag:s8] =	ssyncset.done $0x0  }
0xc1: {  	s22 =	sadd.s32 $0xFFFFFF9C, s13;
	[sflag:s8] =	ssyncadd.s32 $0xFFFFCE00  }
0xc2: {  	[tilespmem:s2], [sflag:$0x5] =	stream.linear.gather [hbm4b:s22+s2], $0x320, $0x38;
	[tilespmem:$0x19640] =	vst v63  }
0xc3: {  	_ =	swait.ge [sflag:s16], $0x320  }
0xc4: {  	[sflag:s16] =	ssyncset.done $0x0  }
0xc5: {  	[sflag:s16] =	ssyncadd.s32 $0xFFFFFCE0  }
0xc6: {  	[tilespmem:s18], [sflag:$0x1] =	stream.indirect.gather [hbm4b:s3+s17], $0x40, s2, s17, $0xb8;
	[tilespmem:$0x19640] =	vst v63  }
0xc7: {  	_ = 	snop  }
0xc8: {  	[tilespmem:s19], [sflag:$0x1] =	stream.indirect.gather [hbm4b:s3+s17], $0x40, s17, s17, $0xb8;
	[tilespmem:$0x19640] =	vst v63  }
0xc9: {  	s22 =	simm.s32 $0x190  }
0xca: {  	[tilespmem:s21], [sflag:$0x1] =	stream.indirect.gather [hbm4b:s3+s17], $0x40, s22, s17, $0xb8;
	[tilespmem:$0x19640] =	vst v63  }
0xcb: {  	s22 =	simm.s32 $0x258  }
0xcc: {  	[tilespmem:s23], [sflag:$0x1] =	stream.indirect.gather [hbm4b:s3+s17], $0x40, s22, s17, $0xb8;
	[tilespmem:$0x19640] =	vst v63  }
0xcd: {  	_ =	swait.ge [sflag:s24], $0x3200  }
0xce: {  	[sflag:s24] =	ssyncset.done $0x0  }
0xcf: {  	[sflag:s24] =	ssyncadd.s32 $0xFFFFCE00  }
0xd0: {  	_ =	swait.ge [sflag:s24], $0x3200  }
0xd1: {  	[sflag:s24] =	ssyncset.done $0x0  }
0xd2: {  	[sflag:s24] =	ssyncadd.s32 $0xFFFFCE00  }
0xd3: {  	_ =	swait.ge [sflag:s24], $0x3200  }
0xd4: {  	[sflag:s24] =	ssyncset.done $0x0  }
0xd5: {  	[sflag:s24] =	ssyncadd.s32 $0xFFFFCE00  }
0xd6: {  	_ =	swait.ge [sflag:s24], $0x3200  }
0xd7: {  	[sflag:s24] =	ssyncset.done $0x0  }
0xd8: {  	s22 =	sadd.s32 $0x6400, s12;
	[sflag:s24] =	ssyncadd.s32 $0xFFFFCE00  }
0xd9: {  	[hbm4b:s22+s25] =	stream.strided.scatter [tilespmem:s18], [sflag:$0x3], $0x3200, s26, s25, $0x38;
	[tilespmem:$0x19640] =	vst v63  }
0xda: {  	s15 =	sadd.s32 s11, s15  }
0xdb: {  	[hbm4b:s15+s25] =	stream.strided.scatter [tilespmem:s19], [sflag:$0x3], $0x3200, s26, s25, $0x38;
	[tilespmem:$0x19640] =	vst v63  }
0xdc: {  	s10 =	sadd.s32 s11, s10  }
0xdd: {  	[hbm4b:s10+s25] =	stream.strided.scatter [tilespmem:s21], [sflag:$0x3], $0x3200, s26, s25, $0x38;
	[tilespmem:$0x19640] =	vst v63  }
0xde: {  	s22 =	sadd.s32 s11, s20  }
0xdf: {  	[hbm4b:s22+s25] =	stream.strided.scatter [tilespmem:s23], [sflag:$0x3], $0x3200, s26, s25, $0x38;
	[tilespmem:$0x19640] =	vst v63  }
0xe0: {  	_ =	swait.ge [sflag:s9], $0x3200  }
0xe1: {  	[sflag:s9] =	ssyncset.done $0x0  }
0xe2: {  	[sflag:s9] =	ssyncadd.s32 $0xFFFFCE00  }
0xe3: {  	s15 =	rddreg [dreg:$0x5];
	_ =	swait.ge [sflag:s9], $0x3200  }
0xe4: {  	[sflag:s9] =	ssyncset.done $0x0  }
0xe5: {  	[sflag:s9] =	ssyncadd.s32 $0xFFFFCE00  }
0xe6: {  	s10 =	rddreg [dreg:$0x4];
	_ =	swait.ge [sflag:s9], $0x3200  }
0xe7: {  	[sflag:s9] =	ssyncset.done $0x0  }
0xe8: {  	[sflag:s9] =	ssyncadd.s32 $0xFFFFCE00  }
0xe9: {  	s20 =	rddreg [dreg:$0x3];
	_ =	swait.ge [sflag:s9], $0x3200  }
0xea: {  	[sflag:s9] =	ssyncset.done $0x0  }
0xeb: {  	[sflag:s9] =	ssyncadd.s32 $0xFFFFCE00  }
0xec: {  	[tilespmem:s28], [sflag:$0x5] =	stream.linear.gather [hbm4b:s13+s2], $0x320, $0x38;
	[tilespmem:$0x19640] =	vst v63  }
0xed: {  	_ =	swait.ge [sflag:s16], $0x320  }
0xee: {  	[sflag:s16] =	ssyncset.done $0x0  }
0xef: {  	[sflag:s16] =	ssyncadd.s32 $0xFFFFFCE0  }
0xf0: {  	[tilespmem:s29], [sflag:$0x2] =	stream.indirect.gather [hbm4b:s3+s17], $0x40, s28, s17, $0xb8;
	[tilespmem:$0x19640] =	vst v63  }
0xf1: {  	_ = 	snop  }
0xf2: {  	[tilespmem:s31], [sflag:$0x2] =	stream.indirect.gather [hbm4b:s3+s17], $0x40, s5, s17, $0xb8;
	[tilespmem:$0x19640] =	vst v63  }
0xf3: {  	_ = 	snop  }
0xf4: {  	[tilespmem:s1], [sflag:$0x2] =	stream.indirect.gather [hbm4b:s3+s17], $0x40, s0, s17, $0xb8;
	[tilespmem:$0x19640] =	vst v63  }
0xf5: {  	_ = 	snop  }
0xf6: {  	[tilespmem:s6], [sflag:$0x2] =	stream.indirect.gather [hbm4b:s3+s17], $0x40, s30, s17, $0xb8;
	[tilespmem:$0x19640] =	vst v63  }
0xf7: {  	_ =	swait.ge [sflag:s7], $0x3200  }
0xf8: {  	[sflag:s7] =	ssyncset.done $0x0  }
0xf9: {  	[sflag:s7] =	ssyncadd.s32 $0xFFFFCE00  }
0xfa: {  	_ =	swait.ge [sflag:s7], $0x3200  }
0xfb: {  	[sflag:s7] =	ssyncset.done $0x0  }
0xfc: {  	[sflag:s7] =	ssyncadd.s32 $0xFFFFCE00  }
0xfd: {  	_ =	swait.ge [sflag:s7], $0x3200  }
0xfe: {  	[sflag:s7] =	ssyncset.done $0x0  }
0xff: {  	[sflag:s7] =	ssyncadd.s32 $0xFFFFCE00  }
0x100: {  	_ =	swait.ge [sflag:s7], $0x3200  }
0x101: {  	s4 =	smov.u32 s14;
	[sflag:s7] =	ssyncset.done $0x0  }
0x102: {  	p0 =	sne.s32 s14, $0x57800;
	s12 =	sadd.s32 $0x9600, s12;
	[sflag:s7] =	ssyncadd.s32 $0xFFFFCE00  }
0x103: {  	[hbm4b:s12+s25] =	stream.strided.scatter [tilespmem:s29], [sflag:$0x4], $0x3200, s26, s25, $0x38;
	[tilespmem:$0x19640] =	vst v63  }
.Ltmp0:
0x104: {  	s14 =	sadd.s32 $0x6400, s14;
	s15 =	sadd.s32 s11, s15;
	(pc) =	sbr.rel @p0 .LBB2_2-.Ltmp0, $4  }
0x105: {  	[hbm4b:s15+s25] =	stream.strided.scatter [tilespmem:s31], [sflag:$0x4], $0x3200, s26, s25, $0x38;
	[tilespmem:$0x19640] =	vst v63  }
0x106: {  	s10 =	sadd.s32 s11, s10;
	s13 =	sadd.s32 $0xC8, s13;
	s22 =	rddreg [dreg:$0x2]  }
0x107: {  	[hbm4b:s10+s25] =	stream.strided.scatter [tilespmem:s1], [sflag:$0x4], $0x3200, s26, s25, $0x38;
	[tilespmem:$0x19640] =	vst v63  }
0x108: {  	s12 =	sadd.s32 s4, s22;
	s10 =	sadd.s32 s11, s20;
	s11 =	smov.u32 s4  }
0x109: {  	[hbm4b:s10+s25] =	stream.strided.scatter [tilespmem:s6], [sflag:$0x4], $0x3200, s26, s25, $0x38;
	[tilespmem:$0x19640] =	vst v63  }
0x10a: {  	_ =	swait.ge [sflag:s8], $0x3200  }
0x10b: {  	[sflag:s8] =	ssyncset.done $0x0  }
0x10c: {  	[sflag:s8] =	ssyncadd.s32 $0xFFFFCE00  }
0x10d: {  	s4 =	rddreg [dreg:$0x8];
	_ =	swait.ge [sflag:s8], $0x3200  }
0x10e: {  	[sflag:s8] =	ssyncset.done $0x0  }
0x10f: {  	[sflag:s8] =	ssyncadd.s32 $0xFFFFCE00  }
0x110: {  	s10 =	rddreg [dreg:$0x7];
	_ =	swait.ge [sflag:s8], $0x3200  }
0x111: {  	[sflag:s8] =	ssyncset.done $0x0  }
0x112: {  	[sflag:s8] =	ssyncadd.s32 $0xFFFFCE00  }
0x113: {  	s14 =	rddreg [dreg:$0x6];
	_ =	swait.ge [sflag:s8], $0x3200  }
0x114: {  	[sflag:s8] =	ssyncset.done $0x0  }
0x115: {  	s15 =	sadd.s32 $0xFFFFFF9C, s13;
	[sflag:s8] =	ssyncadd.s32 $0xFFFFCE00  }
0x116: {  	[tilespmem:s2], [sflag:$0x5] =	stream.linear.gather [hbm4b:s15+s2], $0x320, $0x38;
	[tilespmem:$0x19640] =	vst v63  }
0x117: {  	_ =	swait.ge [sflag:s16], $0x320  }
0x118: {  	[sflag:s16] =	ssyncset.done $0x0  }
0x119: {  	[sflag:s16] =	ssyncadd.s32 $0xFFFFFCE0  }
0x11a: {  	[tilespmem:s18], [sflag:$0x1] =	stream.indirect.gather [hbm4b:s3+s17], $0x40, s2, s17, $0xb8;
	[tilespmem:$0x19640] =	vst v63  }
0x11b: {  	_ = 	snop  }
0x11c: {  	[tilespmem:s19], [sflag:$0x1] =	stream.indirect.gather [hbm4b:s3+s17], $0x40, s17, s17, $0xb8;
	[tilespmem:$0x19640] =	vst v63  }
0x11d: {  	s22 =	simm.s32 $0x190  }
0x11e: {  	[tilespmem:s21], [sflag:$0x1] =	stream.indirect.gather [hbm4b:s3+s17], $0x40, s22, s17, $0xb8;
	[tilespmem:$0x19640] =	vst v63  }
0x11f: {  	s20 =	simm.s32 $0x258  }
0x120: {  	[tilespmem:s23], [sflag:$0x1] =	stream.indirect.gather [hbm4b:s3+s17], $0x40, s20, s17, $0xb8;
	[tilespmem:$0x19640] =	vst v63  }
0x121: {  	_ =	swait.ge [sflag:s24], $0x3200  }
0x122: {  	[sflag:s24] =	ssyncset.done $0x0  }
0x123: {  	[sflag:s24] =	ssyncadd.s32 $0xFFFFCE00  }
0x124: {  	_ =	swait.ge [sflag:s24], $0x3200  }
0x125: {  	[sflag:s24] =	ssyncset.done $0x0  }
0x126: {  	[sflag:s24] =	ssyncadd.s32 $0xFFFFCE00  }
0x127: {  	_ =	swait.ge [sflag:s24], $0x3200  }
0x128: {  	[sflag:s24] =	ssyncset.done $0x0  }
0x129: {  	[sflag:s24] =	ssyncadd.s32 $0xFFFFCE00  }
0x12a: {  	_ =	swait.ge [sflag:s24], $0x3200  }
0x12b: {  	[sflag:s24] =	ssyncset.done $0x0  }
0x12c: {  	s22 =	sadd.s32 $0x6400, s12;
	[sflag:s24] =	ssyncadd.s32 $0xFFFFCE00  }
0x12d: {  	[hbm4b:s22+s25] =	stream.strided.scatter [tilespmem:s18], [sflag:$0x3], $0x3200, s26, s25, $0x38;
	[tilespmem:$0x19640] =	vst v63  }
0x12e: {  	s4 =	sadd.s32 s11, s4  }
0x12f: {  	[hbm4b:s4+s25] =	stream.strided.scatter [tilespmem:s19], [sflag:$0x3], $0x3200, s26, s25, $0x38;
	[tilespmem:$0x19640] =	vst v63  }
0x130: {  	s10 =	sadd.s32 s11, s10  }
0x131: {  	[hbm4b:s10+s25] =	stream.strided.scatter [tilespmem:s21], [sflag:$0x3], $0x3200, s26, s25, $0x38;
	[tilespmem:$0x19640] =	vst v63  }
0x132: {  	s14 =	sadd.s32 s11, s14  }
0x133: {  	[hbm4b:s14+s25] =	stream.strided.scatter [tilespmem:s23], [sflag:$0x3], $0x3200, s26, s25, $0x38;
	[tilespmem:$0x19640] =	vst v63  }
0x134: {  	_ =	swait.ge [sflag:s9], $0x3200  }
0x135: {  	[sflag:s9] =	ssyncset.done $0x0  }
0x136: {  	[sflag:s9] =	ssyncadd.s32 $0xFFFFCE00  }
0x137: {  	s15 =	rddreg [dreg:$0x5];
	_ =	swait.ge [sflag:s9], $0x3200  }
0x138: {  	[sflag:s9] =	ssyncset.done $0x0  }
0x139: {  	[sflag:s9] =	ssyncadd.s32 $0xFFFFCE00  }
0x13a: {  	s20 =	rddreg [dreg:$0x4];
	_ =	swait.ge [sflag:s9], $0x3200  }
0x13b: {  	[sflag:s9] =	ssyncset.done $0x0  }
0x13c: {  	[sflag:s9] =	ssyncadd.s32 $0xFFFFCE00  }
0x13d: {  	s22 =	rddreg [dreg:$0x3];
	_ =	swait.ge [sflag:s9], $0x3200  }
0x13e: {  	[sflag:s9] =	ssyncset.done $0x0  }
0x13f: {  	[sflag:s9] =	ssyncadd.s32 $0xFFFFCE00  }
0x140: {  	[tilespmem:s28], [sflag:$0x5] =	stream.linear.gather [hbm4b:s13+s2], $0x320, $0x38;
	[tilespmem:$0x19640] =	vst v63  }
0x141: {  	_ =	swait.ge [sflag:s16], $0x320  }
0x142: {  	[sflag:s16] =	ssyncset.done $0x0  }
0x143: {  	[sflag:s16] =	ssyncadd.s32 $0xFFFFFCE0  }
0x144: {  	[tilespmem:s29], [sflag:$0x2] =	stream.indirect.gather [hbm4b:s3+s17], $0x40, s28, s17, $0xb8;
	[tilespmem:$0x19640] =	vst v63  }
0x145: {  	_ = 	snop  }
0x146: {  	[tilespmem:s31], [sflag:$0x2] =	stream.indirect.gather [hbm4b:s3+s17], $0x40, s5, s17, $0xb8;
	[tilespmem:$0x19640] =	vst v63  }
0x147: {  	_ = 	snop  }
0x148: {  	[tilespmem:s1], [sflag:$0x2] =	stream.indirect.gather [hbm4b:s3+s17], $0x40, s0, s17, $0xb8;
	[tilespmem:$0x19640] =	vst v63  }
0x149: {  	_ = 	snop  }
0x14a: {  	[tilespmem:s6], [sflag:$0x2] =	stream.indirect.gather [hbm4b:s3+s17], $0x40, s30, s17, $0xb8;
	[tilespmem:$0x19640] =	vst v63  }
0x14b: {  	_ =	swait.ge [sflag:s7], $0x3200  }
0x14c: {  	[sflag:s7] =	ssyncset.done $0x0  }
0x14d: {  	[sflag:s7] =	ssyncadd.s32 $0xFFFFCE00  }
0x14e: {  	_ =	swait.ge [sflag:s7], $0x3200  }
0x14f: {  	[sflag:s7] =	ssyncset.done $0x0  }
0x150: {  	[sflag:s7] =	ssyncadd.s32 $0xFFFFCE00  }
0x151: {  	_ =	swait.ge [sflag:s7], $0x3200  }
0x152: {  	[sflag:s7] =	ssyncset.done $0x0  }
0x153: {  	[sflag:s7] =	ssyncadd.s32 $0xFFFFCE00  }
0x154: {  	_ =	swait.ge [sflag:s7], $0x3200  }
0x155: {  	[sflag:s7] =	ssyncset.done $0x0  }
0x156: {  	s13 =	sadd.s32 $0x9600, s12;
	[sflag:s7] =	ssyncadd.s32 $0xFFFFCE00  }
0x157: {  	[hbm4b:s13+s25] =	stream.strided.scatter [tilespmem:s29], [sflag:$0x4], $0x3200, s26, s25, $0x38;
	[tilespmem:$0x19640] =	vst v63  }
0x158: {  	s4 =	sadd.s32 s11, s15  }
0x159: {  	[hbm4b:s4+s25] =	stream.strided.scatter [tilespmem:s31], [sflag:$0x4], $0x3200, s26, s25, $0x38;
	[tilespmem:$0x19640] =	vst v63  }
0x15a: {  	s15 =	sadd.s32 s11, s20  }
0x15b: {  	[hbm4b:s15+s25] =	stream.strided.scatter [tilespmem:s1], [sflag:$0x4], $0x3200, s26, s25, $0x38;
	[tilespmem:$0x19640] =	vst v63  }
0x15c: {  	s20 =	sadd.s32 s11, s22  }
0x15d: {  	[hbm4b:s20+s25] =	stream.strided.scatter [tilespmem:s6], [sflag:$0x4], $0x3200, s26, s25, $0x38;
	[tilespmem:$0x19640] =	vst v63  }
0x15e: {  	_ =	swait.ge [sflag:s8], $0x3200  }
0x15f: {  	[sflag:s8] =	ssyncset.done $0x0  }
0x160: {  	[sflag:s8] =	ssyncadd.s32 $0xFFFFCE00  }
0x161: {  	_ =	swait.ge [sflag:s8], $0x3200  }
0x162: {  	[sflag:s8] =	ssyncset.done $0x0  }
0x163: {  	[sflag:s8] =	ssyncadd.s32 $0xFFFFCE00  }
0x164: {  	_ =	swait.ge [sflag:s8], $0x3200  }
0x165: {  	[sflag:s8] =	ssyncset.done $0x0  }
0x166: {  	[sflag:s8] =	ssyncadd.s32 $0xFFFFCE00  }
0x167: {  	_ =	swait.ge [sflag:s8], $0x3200  }
0x168: {  	[sflag:s8] =	ssyncset.done $0x0  }
0x169: {  	[sflag:s8] =	ssyncadd.s32 $0xFFFFCE00  }
0x16a: {  	_ =	swait.ge [sflag:s9], $0x3200  }
0x16b: {  	[sflag:s9] =	ssyncset.done $0x0  }
0x16c: {  	[sflag:s9] =	ssyncadd.s32 $0xFFFFCE00  }
0x16d: {  	_ =	swait.ge [sflag:s9], $0x3200  }
0x16e: {  	[sflag:s9] =	ssyncset.done $0x0  }
0x16f: {  	[sflag:s9] =	ssyncadd.s32 $0xFFFFCE00  }
0x170: {  	_ =	swait.ge [sflag:s9], $0x3200  }
0x171: {  	[sflag:s9] =	ssyncset.done $0x0  }
0x172: {  	[sflag:s9] =	ssyncadd.s32 $0xFFFFCE00  }
0x173: {  	_ =	swait.ge [sflag:s9], $0x3200  }
0x174: {  	s22 =	rddreg [dreg:$0x15]  }
0x175: {  	s30 =	rddreg [dreg:$0x13];
	s0 =	sadd.s32 $0x1, s22  }
0x176: {  	p0 =	sne.s32 s0, s30  }
.Ltmp1:
0x177: {  	_ = 	snop;
	(pc) =	sbr.rel @p0 .LBB2_1-.Ltmp1, $3  }
0x178: {  	_ =	sdelay $0x1  }
0x179: {  	[sflag:s9] =	ssyncset.done $0x0  }
0x17a: {  	[sflag:s9] =	ssyncadd.s32 $0xFFFFCE00  }
0x17b: {  	_ =	sfence.sel $0x180000  }
0x17c: {  	[bflag:$0x0] =	sbarrier.arrive $0xFFFF  }
0x17d: {  	_ =	strace $0x90000047  }
0x17e: {  	s0 =	stileid.u32;
	[bflag:$0x2] =	sbarrier.arrive $0xFFFF  }
0x17f: {  	p0 =	sne.s32 s0, $0x0;
	s0 =	rddreg [dreg:$0x1]  }
0x180: {  	s0 =	sadd.s32 @!p0 $0x100000, s0  }
0x181: {  	[sflag:s0] =	ssyncadd.tile.s32 @!p0 $0x1;
	_ =	shalt  }
.Lfunc_end2:
_tile_overlayer_lowered:
.L_overlay_start_2:
0x182: {  	(tag) =	ssettag $0x2  }
0x183: {  	s0 =	rddreg [dreg:$0x0];
	s2 =	stileid.u32  }
0x184: {  	s1 =	rddreg [dreg:$0x1];
	p0 =	sne.s32 s2, $0x0  }
0x185: {  	s3 =	rddreg [dreg:$0x2];
	[bflag:$0x3] =	sbarrier.arrive $0xFFFF;
	s2 =	simm.s32 @!p0 $0x1C05  }
0x186: {  	[timem:s3], [sflag:s2] =	dma.local @!p0 [hbm:s0], s1  }
0x187: {  	s0 =	simm.s32 @!p0 $0x5  }
0x188: {  	_ =	swait.ge @!p0 [sflag:s0], s1  }
0x189: {  	s1 =	ssub.s32 @!p0 $0x0, s1;
	[sflag:s0] =	ssyncset.done @!p0 $0x0  }
0x18a: {  	[sflag:s0] =	ssyncadd.s32 @!p0 s1  }
0x18b: {  	[bflag:$0x3] =	sbarrier.arrive $0xFFFF  }
0x18c: {  	_ =	shalt  }

// kernel: sparse-core-data-format-call.cloned.1.call-start
scs
called_computation_lowered:
.L_overlay_start_0:
0x0: {  	s2 =	sld [smem:$0x3FD9]  }
0x1: {  	s3 =	sld [smem:$0x3FFE];
	_ =	sdelay $0x1  }
0x2: {  	s1 =	srdreg.scid  }
0x3: {  	s0 =	sand.u32 $0x1, s1  }
0x4: {  	s18 =	sshll.u32 s0, $0xA;
	s2 =	sadd.s32 s3, s2  }
0x5: {  	s2 =	sadd.s32 s2, s18  }
0x6: {  	[smem:$0x3FC6] =	sst s2  }
0x7: {  	_ = 	snop  }
0x8: {  	s2 =	sld [smem:$0x3FD0];
	(tm) =	ssettm $0x1  }
0x9: {  	s19 =	sld [smem:$0x3FFB];
	_ =	sdelay $0x3  }
0xa: {  	_ =	strace s19  }
0xb: {  	s3 =	sld [smem:$0x3FFC];
	_ =	sdelay $0x3  }
0xc: {  	_ =	strace s3  }
0xd: {  	s3 =	sld [smem:$0x3FFD];
	_ =	sdelay $0x3  }
0xe: {  	_ =	strace s3  }
0xf: {  	_ =	strace $0x8FFFFFFF  }
0x10: {  	s20 =	sld [smem:$0x3FDB];
	_ =	sdelay $0x1  }
0x11: {  	s4 =	simm.s32 $_scs_section_size  }
0x12: {  	s5 =	simm.s32 $_size__tile_overlayer_lowered;
	s6 =	simm.s32 $_tile_overlayer_lowered  }
0x13: {  	s23 =	simm.s32 $0x1BFF;
	s22 =	sshll.u32 s6, $0x1;
	s3 =	sadd.s32 s4, s20  }
0x14: {  	s7 =	simm.s32 $0x0;
	s21 =	sshll.u32 s5, $0x1;
	s5 =	sadd.s32 s22, s3  }
0x15: {  	[timem:s7], [sflag:s23] =	dma.local [hbm:s5], s21  }
0x16: {  	_ =	swait.ge [sflag:s23], s21  }
0x17: {  	s4 =	ssub.s32 $0x0, s21;
	[sflag:s23] =	ssyncset.done $0x0  }
0x18: {  	[sflag:s23] =	ssyncadd.s32 s4;
	_ =	sdelay $0x1  }
0x19: {  	s24 =	simm.s32 $0x1B8B  }
0x1a: {  	_ =	swait.ge [sflag:s24], $0x1  }
0x1b: {  	[sflag:s24] =	ssyncset.done $0x0  }
0x1c: {  	s26 =	simm.s32 $0x1B8E;
	s25 =	sld [smem:$0x3FFE];
	[sflag:s24] =	ssyncadd.s32 $0xFFFFFFFF  }
0x1d: {  	s27 =	simm.s32 $execute0_lowered;
	[smem:$0x3FD2] =	sst s26  }
0x1e: {  	s5 =	sshll.u32 s27, $0x1;
	_ =	strace $0x80000049;
	[dreg:$0x1] =	wrdreg $0xFFFFFFFF  }
0x1f: {  	s28 =	simm.s32 $_size_execute0_lowered;
	s3 =	sadd.s32 s3, s5;
	[dreg:$0x0] =	wrdreg $0x0  }
0x20: {  	s5 =	sshll.u32 s28, $0x1;
	[dreg:$0x2] =	wrdreg s3  }
0x21: {  	[dreg:$0x3] =	wrdreg s5  }
0x22: {  	[dreg:$0x4] =	wrdreg $0xC0  }
0x23: {  	_ =	task [dreg:s7], $0x5FFFF  }
0x24: {  	[dreg:$0x1] =	wrdreg $0xFFFFFFFF  }
0x25: {  	[dreg:$0x0] =	wrdreg $0x60  }
0x26: {  	[dreg:$0x2] =	wrdreg s25  }
0x27: {  	[dreg:$0x3] =	wrdreg s2  }
0x28: {  	[dreg:$0x4] =	wrdreg $0x9  }
0x29: {  	_ =	task.clear_ibuf [dreg:s7], $0x5FFFF;
	_ =	strace $0x90000049  }
0x2a: {  	s29 =	simm.s32 $0x9;
	_ =	strace $0x8000004B  }
0x2b: {  	_ =	swait.ge [sflag:s29], $0x1  }
0x2c: {  	[sflag:s29] =	ssyncadd.s32 $0xFFFFFFFF  }
0x2d: {  	_ =	strace $0x9000004B  }
0x2e: {  	_ =	sfence  }
0x2f: {  	s30 =	sld [smem:$0x0];
	_ =	sdelay $0x2  }
0x30: {  	s31 =	sshll.u32 s1, $0xD;
	s1 =	sshrl.u32 s1, $0x2  }
0x31: {  	s3 =	sand.u32 $0x4000, s31;
	s1 =	sadd.s32 s1, s30  }
0x32: {  	s0 =	sor.u32 s3, s0;
	s1 =	sshll.u32 s1, $0x11  }
0x33: {  	s0 =	sor.u32 s1, s0  }
0x34: {  	s0 =	sadd.s32 $0x8F2B, s0  }
0x35: {  	[sflag:s0] =	ssyncadd.remote.s32 $0x1  }
0x36: {  	_ =	sfence.sel $0xFFFF  }
0x37: {  	[dreg:$0x0] =	wrdreg $0xFFFFFFFF;
	(pc) =	sbr.abs _section_cstart, $3  }
0x38: {  	[dreg:$0x1] =	wrdreg $0xFFFFFFFF  }
0x39: {  	_ =	task.clear_ibuf [dreg:s7], $0x2FFFF;
	_ =	strace $0x9FFFFFFF  }
0x3a: {  	(tm) =	ssettm $0x7FFFFFFF  }
0x3b: {  	_ =	shalt  }
tec
execute0_lowered:
.L_overlay_start_1:
0x0: {  	(tag) =	ssettag $0x1  }
0x1: {  	s0 =	srdreg.scid  }
0x2: {  	s1 =	sshll.u32 s0, $0x4  }
0x3: {  	s0 =	stileid.u32;
	s1 =	sand.u32 $0x10, s1  }
0x4: {  	s1 =	sor.u32 s0, s1  }
0x5: {  	s6 =	rddreg [dreg:$0x0];
	s4 =	simm.s32 $0x1;
	s2 =	sshll.u32 s1, $0x7  }
0x6: {  	s7 =	simm.s32 $0x2;
	s12 =	simm.s32 $0x0;
	s1 =	ssub.s32 $0x1000, s2  }
0x7: {  	s8 =	simm.s32 $0x8000;
	s13 =	simm.s32 $0x0;
	s3 =	sand.u32 $0xF80, s1  }
0x8: {  	s9 =	simm.s32 $0x0;
	s5 =	sshrl.u32 s1, $0xC;
	p0 =	sne.s32 s3, $0x0  }
.Ltmp0:
0x9: {  	s1 =	rddreg [dreg:$0x2];
	s4 =	simm.s32 @!p0 $0x0;
	(pc) =	sbr.rel .LBB1_1-.Ltmp0, $4  }
0xa: {  	s11 =	simm.s32 $0x0;
	s3 =	rddreg [dreg:$0x1];
	s5 =	sadd.s32 s4, s5  }
0xb: {  	_ =	strace $0x8000004A;
	s4 =	simm.s32 $0x1;
	s5 =	smul.u32 $0xC8, s5  }
0xc: {  	s6 =	sadd.s32 $0xDCE00, s6;
	s10 =	smov.u32 s2;
	[sflag:s4] =	ssyncpa.u1 $0x0  }
0xd: {  	p0 =	por $0x0, $0x0;
	[sflag:s7] =	ssyncpa.u1 $0x0;
	s7 =	sor.u32 $0x1, s5  }
.LBB1_4:
0xe: {  	s16 =	sshll.u32 s13, $0x3;
	s17 =	sand.u32 $0x78, s13  }
0xf: {  	s30 =	sand.u32 $0x7E00, s13;
	s12 =	sshll.u32 s12, $0xF;
	s16 =	sand.u32 $0xC00, s16  }
0x10: {  	[tilespmem:s15+$0x810 ss:$0x81] =	vst.msk $0xffff, v2;
	s31 =	sand.u32 $0x7, s13;
	s16 =	sor.u32 s17, s16;
	s17 =	sadd.s32 s3, s30  }
0x11: {  	[tilespmem:s15+$0x1020 ss:$0x81] =	vst.msk $0xffff, v0;
	s13 =	sshll.u32 s31, $0x12;
	s12 =	sadd.s32 s12, s17;
	s16 =	sshrl.u32 s16, $0x3  }
0x12: {  	[tilespmem:s15+$0x0 ss:$0x81] =	vst.msk $0xffff, v1;
	s13 =	sor.u32 $0x400, s13;
	s12 =	sadd.s32 s16, s12  }
0x13: {  	[hbm4b:s12+s13] =	stream.strided.scatter [tilespmem:s14], [sflag:$0x2], $0x2000, s8, s13, $0x20;
	[tilespmem:$0x8080] =	vst v63  }
.LBB1_5:
0x14: {  	s14 =	sadd.s32 $0x1, s9  }
0x15: {  	s12 =	sadd.s32 $0x1000, s10;
	s16 =	smov.u32 s10;
	p2 =	sgt.s32 s14, $0xC7  }
0x16: {  	s16 =	smov.u32 @p2 s12  }
0x17: {  	s14 =	simm.s32 @p2 $0x0;
	p2 =	sgt.s32 s16, $0xFFF  }
0x18: {  	s16 =	smov.u32 @p2 s2;
	p2 =	sne.s32 s11, s7  }
.Ltmp1:
0x19: {  	p1 =	slt.u32 s11, $0x2;
	(pc) =	sbr.rel @!p2 .LBB1_6-.Ltmp1, $4  }
0x1a: {  	s15 =	simm.s32 @!p1 $0x2  }
0x1b: {  	s13 =	smov.u32 s10;
	p0 =	por !p0, !p0;
	_ =	swait.ge @!p1 [sflag:s15], $0x2000  }
0x1c: {  	s12 =	smov.u32 s9;
	[sflag:s15] =	ssyncset.done @!p1 $0x0;
	s9 =	smov.u32 s14  }
0x1d: {  	s11 =	sadd.s32 $0x1, s11;
	[sflag:s15] =	ssyncadd.s32 @!p1 $0xFFFFE000;
	s10 =	smov.u32 s16  }
.LBB1_1:
0x1e: {  	p1 =	sge.u32 s11, s5  }
0x1f: {  	s14 =	sand.u32 @!p1 $0x1FFFFFF, s9  }
0x20: {  	s15 =	smulhi.u32 @!p1 $0x147AE15, s14;
	_ =	sdelay $0x1  }
0x21: {  	s15 =	smul.u32 @!p1 $0xC8, s15  }
0x22: {  	s16 =	sxor.u32 @!p1 $0xFFFFFFFF, s11;
	s17 =	smul.u32 @!p1 $0xC80, s10  }
0x23: {  	s31 =	sadd.s32 $0xFFFFFFFF, s11;
	s16 =	sshll.u32 @!p1 s16, $0xD;
	s14 =	ssub.s32 @!p1 s14, s15  }
0x24: {  	s15 =	sand.u32 @!p1 $0x2000, s16;
	s16 =	sadd.s32 @!p1 s6, s17;
	s14 =	sshll.u32 @!p1 s14, $0x4  }
0x25: {  	s17 =	simm.s32 @!p1 $0x6400;
	s14 =	sadd.s32 @!p1 s14, s16;
	s16 =	simm.s32 @!p1 $0x40  }
0x26: {  	[tilespmem:s15], [sflag:$0x1] =	stream.strided.gather @!p1 [hbm4b:s14+s16], $0x2000, s17, s16, $0x38;
	[tilespmem:$0x8080] =	vst v63  }
0x27: {  	p1 =	sge.u32 s31, s5  }
.Ltmp2:
0x28: {  	_ = 	snop;
	(pc) =	sbr.rel @p1 .LBB1_5-.Ltmp2, $1  }
0x29: {  	_ =	sdelay $0x3  }
0x2a: {  	s14 =	simm.s32 $0x1  }
0x2b: {  	_ =	swait.ge [sflag:s4], $0x2000;
	s14 =	simm.s32 @!p0 $0x0  }
0x2c: {  	[sflag:s4] =	ssyncset.done $0x0;
	s15 =	sshll.u32 s14, $0xD  }
0x2d: {  	[sflag:s4] =	ssyncadd.s32 $0xFFFFE000;
	s18 =	sor.u32 $0x20, s15  }
0x2e: {  	s14 =	smul.u32 $0x8100, s14;
	v3 =	vld [tilespmem:s18+$0x10]  }
0x2f: {  	s30 =	sand.u32 $0x1, s11;
	v2 =	vld [tilespmem:s18+$0xFFFFFFF0]  }
0x30: {  	s15 =	smul.u32 $0x8100, s30;
	s14 =	sshrl.u32 s14, $0x2;
	v0 =	vld [tilespmem:s18+$0x0]  }
0x31: {  	v1 =	vld [tilespmem:s18+$0xFFFFFFE0];
	s16 =	sor.u32 $0x4000, s14  }
0x32: {  	s31 =	sshrl.u32 s15, $0x2;
	s15 =	sadd.s32 $0x0, s16  }
0x33: {  	s17 =	simm.s32 $0x4;
	s18 =	sadd.s32 $0x40, s18;
	s14 =	sor.u32 $0x4000, s31;
	[tilespmem:s15+$0x1830 ss:$0x81] =	vst.msk $0xffff, v3  }
.LBB1_3:
0x34: {  	v3 =	vld [tilespmem:s18+$0x10];
	p1 =	sne.s32 s17, $0x1FC;
	[tilespmem:s15+$0x810 ss:$0x81] =	vst.msk $0xffff, v2;
	s19 =	smov.u32 s17;
	s17 =	sadd.s32 $0x4, s17  }
.Ltmp3:
0x35: {  	v2 =	vld [tilespmem:s18+$0xFFFFFFF0];
	[tilespmem:s15+$0x1020 ss:$0x81] =	vst.msk $0xffff, v0;
	(pc) =	sbr.rel @p1 .LBB1_3-.Ltmp3, $4  }
0x36: {  	v0 =	vld [tilespmem:s18+$0x0];
	[tilespmem:s15+$0x0 ss:$0x81] =	vst.msk $0xffff, v1  }
0x37: {  	s15 =	sshra.s32 s19, $0x2;
	v1 =	vld [tilespmem:s18+$0xFFFFFFE0]  }
0x38: {  	s15 =	sadd.s32 s15, s16  }
0x39: {  	s18 =	sadd.s32 $0x40, s18;
	[tilespmem:s15+$0x1830 ss:$0x81] =	vst.msk $0xffff, v3  }
.Ltmp4:
0x3a: {  	_ = 	snop;
	(pc) =	sbr.rel .LBB1_4-.Ltmp4, $1  }
0x3b: {  	_ =	sdelay $0x3  }
.LBB1_6:
0x3c: {  	_ =	sfence.sel $0x180000  }
0x3d: {  	s2 =	simm.s32 $0x1;
	[bflag:$0x0] =	sbarrier.arrive $0xFFFF  }
0x3e: {  	s31 =	simm.s32 $0x2;
	[sflag:s2] =	ssyncpa.u1 $0x1  }
0x3f: {  	[sflag:s31] =	ssyncpa.u1 $0x1  }
0x40: {  	p0 =	sne.s32 s0, $0x0;
	_ =	strace $0x9000004A  }
0x41: {  	s0 =	sadd.s32 @!p0 $0x100000, s1;
	[bflag:$0x2] =	sbarrier.arrive $0xFFFF  }
0x42: {  	[sflag:s0] =	ssyncadd.tile.s32 @!p0 $0x1;
	_ =	shalt  }
.Lfunc_end1:
_tile_overlayer_lowered:
.L_overlay_start_2:
0x43: {  	(tag) =	ssettag $0x2  }
0x44: {  	s0 =	rddreg [dreg:$0x0];
	s2 =	stileid.u32  }
0x45: {  	s1 =	rddreg [dreg:$0x1];
	p0 =	sne.s32 s2, $0x0  }
0x46: {  	s3 =	rddreg [dreg:$0x2];
	[bflag:$0x3] =	sbarrier.arrive $0xFFFF;
	s2 =	simm.s32 @!p0 $0x1C01  }
0x47: {  	[timem:s3], [sflag:s2] =	dma.local @!p0 [hbm:s0], s1  }
0x48: {  	s0 =	simm.s32 @!p0 $0x1  }
0x49: {  	_ =	swait.ge @!p0 [sflag:s0], s1  }
0x4a: {  	s1 =	ssub.s32 @!p0 $0x0, s1;
	[sflag:s0] =	ssyncset.done @!p0 $0x0  }
0x4b: {  	[sflag:s0] =	ssyncadd.s32 @!p0 s1  }
0x4c: {  	[bflag:$0x3] =	sbarrier.arrive $0xFFFF  }
0x4d: {  	_ =	shalt  }

</sc_bundles>
